<compile_context>
chip_gen: v7x
topology: tpu7x:2x2x1
jax: 0.10.2.dev20260603
libtpu: 0.0.44.dev20260713+nightly
codegen_flags: <defaults>
</compile_context>

<pallas_src>
import functools

import jax
import jax.numpy as jnp
import numpy as np
from jax import lax
from jax.experimental import pallas as pl
from jax.experimental.pallas import tpu as pltpu
from jax.experimental.pallas import tpu_sc as plsc

_E_MARGIN = float(np.log(1000) / 2 - 1)
_D_MARGIN = 0.05
_CORESET = 64
_N = 128
_L = 16
_NCH = _N // _L


def _tc_stage1(x_ref, w1_hbm, w2_hbm, cmp_ref,
               out_ref, probs_ref, entc_ref, gram_ref, s0_ref, g0_ref, kv_ref,
               w1_ref, w2_ref, sem1, sem2):
    cp1 = pltpu.make_async_copy(w1_hbm, w1_ref, sem1)
    cp2 = pltpu.make_async_copy(w2_hbm, w2_ref, sem2)
    cp1.start()
    cp2.start()
    cp1.wait()
    feats = jnp.dot(x_ref[...], w1_ref[...], preferred_element_type=jnp.float32)
    gram = jax.lax.dot_general(feats, feats, (((1,), (1,)), ((), ())),
                               precision=jax.lax.Precision.HIGHEST,
                               preferred_element_type=jnp.float32)
    gram_ref[...] = gram
    cp2.wait()
    outs = jnp.dot(feats, w2_ref[...], preferred_element_type=jnp.float32)
    out_ref[...] = outs

    m = jnp.max(outs, axis=1, keepdims=True)
    e = jnp.exp(outs - m)
    s = jnp.sum(e, axis=1, keepdims=True)
    probs = e / s
    probs_ref[...] = probs
    logp = (outs - m) - jnp.log(s)
    ent = -jnp.sum(probs * logp, axis=1, keepdims=True)
    entc_ref[...] = ent * jnp.exp(_E_MARGIN - ent)

    cmp = cmp_ref[...]
    cos_num = jnp.sum(probs * cmp, axis=1, keepdims=True)
    pn = jnp.sqrt(jnp.sum(probs * probs, axis=1, keepdims=True))
    cn = jnp.sqrt(jnp.sum(cmp * cmp))
    cos = cos_num / (pn * cn + 1e-8)

    m2 = (ent < _E_MARGIN) & (jnp.abs(cos) < _D_MARGIN)
    m2f = m2.astype(jnp.float32)
    n_sel = jnp.sum(m2.astype(jnp.int32))
    k = jnp.minimum(_CORESET, n_sel)
    n_valid = jnp.maximum(n_sel, 1).astype(jnp.float32)

    m2row = jnp.transpose(m2f)
    g0 = jax.lax.dot_general(m2row, gram, (((1,), (0,)), ((), ())),
                             precision=jax.lax.Precision.HIGHEST,
                             preferred_element_type=jnp.float32) / n_valid
    g0_ref[...] = g0
    s0_ref[...] = jnp.where(m2row > 0.0, g0, -jnp.inf)
    kv_ref[...] = jnp.full((1, _L), k.astype(jnp.float32), jnp.float32)


def _sc_herd(gram_hbm, s0_hbm, g0_hbm, kv_hbm, sel_hbm,
             gram_v, sc_v, g0_v, kv_v, sel_v):
    wid = lax.axis_index("s") * 2 + lax.axis_index("c")

    @pl.when(wid == 0)
    def _():
        pltpu.sync_copy(gram_hbm, gram_v)
        pltpu.sync_copy(s0_hbm, sc_v)
        pltpu.sync_copy(g0_hbm, g0_v)
        pltpu.sync_copy(kv_hbm, kv_v)
        zero = jnp.zeros((_L,), jnp.float32)
        for c in range(_NCH):
            sel_v[pl.ds(c * _L, _L)] = zero

        kv = kv_v[...]
        g0c = [g0_v[pl.ds(c * _L, _L)] for c in range(_NCH)]
        lanes = [lax.iota(jnp.int32, _L) + c * _L for c in range(_NCH)]
        perms = [(lax.iota(jnp.int32, _L) + sh) % _L for sh in (8, 4, 2, 1)]

        def _splat_reduce(v, op):
            for p in perms:
                v = op(v, v.at[p].get(mode="promise_in_bounds"))
            return v

        def body(i, carry):
            tf = (i + 1).astype(jnp.float32)
            vs = [sc_v[pl.ds(c * _L, _L)] for c in range(_NCH)]
            mx = vs[0]
            for c in range(1, _NCH):
                mx = jnp.maximum(mx, vs[c])
            mx = _splat_reduce(mx, jnp.maximum)
            cand = jnp.full((_L,), _N, jnp.int32)
            for c in range(_NCH):
                cand = jnp.minimum(cand, jnp.where(vs[c] == mx, lanes[c], _N))
            cand = _splat_reduce(cand, jnp.minimum)
            ti = lax.squeeze(lax.slice(cand, (0,), (1,)), (0,))
            activev = jnp.full((_L,), tf, jnp.float32) <= kv
            tiv = jnp.full((_L,), ti, jnp.int32)
            for c in range(_NCH):
                ishere = lanes[c] == tiv
                gr = gram_v[ti, pl.ds(c * _L, _L)]
                selc = sel_v[pl.ds(c * _L, _L)]
                sel_v[pl.ds(c * _L, _L)] = jnp.where(
                    activev & ishere, 1.0, selc)
                nv = jnp.where(ishere, -jnp.inf, vs[c] + g0c[c] - gr)
                sc_v[pl.ds(c * _L, _L)] = jnp.where(activev, nv, vs[c])
            return carry

        lax.fori_loop(0, _CORESET, body, jnp.int32(0), unroll=4)
        pltpu.sync_copy(sel_v, sel_hbm)


def _tc_stage2(sel_ref, probs_ref, entc_ref, cmp_ref, kv_ref,
               loss_ref, up_ref):
    sel = sel_ref[...]
    cmp = cmp_ref[...]
    kf0 = kv_ref[0, 0]
    kf = jnp.maximum(kf0, 1.0)
    mean_probs = jax.lax.dot_general(sel, probs_ref[...], (((1,), (0,)), ((), ())),
                                     precision=jax.lax.Precision.HIGHEST,
                                     preferred_element_type=jnp.float32) / kf
    updated = jnp.where(kf0 > 0, 0.9 * cmp + 0.1 * mean_probs, cmp)
    up_ref[...] = updated
    loss = jax.lax.dot_general(sel, entc_ref[...], (((1,), (0,)), ((), ())),
                               precision=jax.lax.Precision.HIGHEST,
                               preferred_element_type=jnp.float32) / kf
    loss_ref[...] = jnp.where(kf0 > 0, loss, 0.0)


def kernel(x, W1, W2, current_model_probs):
    n, c = x.shape[0], W2.shape[1]
    d = W1.shape[1]
    outs, probs, entc, gram, s0, g0, kv = pl.pallas_call(
        _tc_stage1,
        out_shape=[
            jax.ShapeDtypeStruct((n, c), jnp.float32),
            jax.ShapeDtypeStruct((n, c), jnp.float32),
            jax.ShapeDtypeStruct((n, 1), jnp.float32),
            jax.ShapeDtypeStruct((n, n), jnp.float32),
            jax.ShapeDtypeStruct((1, n), jnp.float32),
            jax.ShapeDtypeStruct((1, n), jnp.float32),
            jax.ShapeDtypeStruct((1, _L), jnp.float32),
        ],
        in_specs=[
            pl.BlockSpec(memory_space=pltpu.MemorySpace.VMEM),
            pl.BlockSpec(memory_space=pl.ANY),
            pl.BlockSpec(memory_space=pl.ANY),
            pl.BlockSpec(memory_space=pltpu.MemorySpace.VMEM),
        ],
        scratch_shapes=[
            pltpu.VMEM((W1.shape[0], d), jnp.float32),
            pltpu.VMEM((d, c), jnp.float32),
            pltpu.SemaphoreType.DMA,
            pltpu.SemaphoreType.DMA,
        ],
    )(x, W1, W2, current_model_probs.reshape(1, c))

    herd = functools.partial(
        pl.kernel,
        out_type=jax.ShapeDtypeStruct((n,), jnp.float32),
        mesh=plsc.VectorSubcoreMesh(core_axis_name="c", subcore_axis_name="s"),
        scratch_types=[
            pltpu.VMEM((n, n), jnp.float32),
            pltpu.VMEM((n,), jnp.float32),
            pltpu.VMEM((n,), jnp.float32),
            pltpu.VMEM((_L,), jnp.float32),
            pltpu.VMEM((n,), jnp.float32),
        ],
    )(_sc_herd)
    sel = herd(gram, s0.reshape(n), g0.reshape(n), kv.reshape(_L))

    loss, updated = pl.pallas_call(
        _tc_stage2,
        out_shape=[
            jax.ShapeDtypeStruct((1, 1), jnp.float32),
            jax.ShapeDtypeStruct((1, c), jnp.float32),
        ],
    )(sel.reshape(1, n), probs, entc, current_model_probs.reshape(1, c), kv)
    return outs, loss.reshape(()), updated.reshape(c)

# --- scband reference (transcript-rebuilt; emitter-appended) ---
"""Pipeline reference for scband-eata-14860586844226 (READ-ONLY COPY).

The authoritative reference and input builder live on the scoring server;
editing this copy changes nothing except your own understanding.
"""

import jax, jax.numpy as jnp
import numpy as np

E_MARGIN = float(np.log(1000) / 2 - 1)
D_MARGIN = 0.05
CORESET_SIZE = 64


def softmax_entropy(x):
    logp = jax.nn.log_softmax(x, axis=1)
    p = jnp.exp(logp)
    return -(p * logp).sum(1)


def herding(features, valid, k):
    # dot-product herding coreset selection (sequential argmax top-k style masking)
    n, d = features.shape
    n_valid = jnp.maximum(valid.sum(), 1).astype(features.dtype)
    mu = jnp.where(valid[:, None], features, 0).sum(axis=0) / n_valid
    mu_t0 = jnp.zeros((d,), dtype=features.dtype)
    mask0 = jnp.zeros(n, dtype=bool)
    selected0 = jnp.zeros((CORESET_SIZE,), dtype=jnp.int32)

    def body(i, state):
        mask, selected, mu_t = state
        t = i + 1
        tf = t.astype(features.dtype)
        v = tf * mu - (tf - 1) * mu_t
        scores = features @ v
        scores = jnp.where(valid & ~mask, scores, -jnp.inf)
        ti = jnp.argmax(scores).astype(jnp.int32)
        active = t <= k
        mask = jnp.where(active, mask.at[ti].set(True), mask)
        selected = jnp.where(active, selected.at[i].set(ti), selected)
        x_t = features[ti]
        mu_t = jnp.where(active, mu_t + (x_t - mu_t) / tf, mu_t)
        return (mask, selected, mu_t)

    mask, selected, mu_t = jax.lax.fori_loop(0, CORESET_SIZE, body, (mask0, selected0, mu_t0))
    return selected


def setup_inputs(seed: int = 0):
    key = jax.random.key(seed)
    k1, k2, k3, k4 = jax.random.split(key, 4)
    x = jax.random.normal(k1, (128, 1024), dtype=jnp.float32)
    # surrogate backbone: features = x @ W1 (ResNet50-like 2048-d penultimate),
    # outputs = features @ W2 (1000 ImageNet classes). W2 scaled so per-sample
    # entropies straddle e_margin and the EATA filters are non-degenerate.
    W1 = (jax.random.normal(k2, (1024, 2048)) / np.sqrt(1024)).astype(jnp.float32)
    W2 = (jax.random.normal(k3, (2048, 1000)) * (3.0 / np.sqrt(2048))).astype(jnp.float32)
    current_model_probs = jax.nn.softmax(0.1 * jax.random.normal(k4, (1000,))).astype(jnp.float32)
    return {"x": x, "W1": W1, "W2": W2, "current_model_probs": current_model_probs}


def reference(x, W1, W2, current_model_probs):
    features = x @ W1
    outputs = features @ W2
    entropys = softmax_entropy(outputs)
    n = outputs.shape[0]
    cmp = current_model_probs
    # filter 1: reliable samples (entropy below margin)
    m1 = entropys < E_MARGIN
    probs = jax.nn.softmax(outputs, axis=1)
    # filter 2: non-redundant samples (low |cosine similarity| to moving-average probs)
    cos = (probs @ cmp) / (jnp.linalg.norm(probs, axis=1) * jnp.linalg.norm(cmp) + 1e-8)
    m2 = m1 & (jnp.abs(cos) < D_MARGIN)
    n_sel = m2.sum()
    ids = jnp.nonzero(m2, size=n, fill_value=0)[0]
    valid = jnp.arange(n) < n_sel
    ent2 = entropys[ids]
    feats2 = features[ids]
    k = jnp.minimum(CORESET_SIZE, n_sel)
    kf = jnp.maximum(k, 1).astype(outputs.dtype)
    coreset_ids = herding(feats2, valid, k)
    mask_k = jnp.arange(CORESET_SIZE) < k
    ent_sel = ent2[coreset_ids]
    sel_probs = jax.nn.softmax(outputs[ids][coreset_ids], axis=1)
    mean_probs = jnp.where(mask_k[:, None], sel_probs, 0).sum(0) / kf
    updated_probs = jnp.where(k > 0, 0.9 * cmp + 0.1 * mean_probs, cmp)
    coeff = 1.0 / jnp.exp(jax.lax.stop_gradient(ent_sel) - E_MARGIN)
    loss = jnp.where(k > 0, jnp.where(mask_k, ent_sel * coeff, 0).sum(0) / kf, jnp.zeros(()))
    # EATA.forward returns the (pre-update) model outputs; loss and updated moving
    # average are the adaptation-side quantities, returned here for faithfulness.
    return (outputs, loss, updated_probs)

if __name__ == "__main__":
    import jax
    _d = setup_inputs()
    print(jax.jit(kernel)(*tuple(_d.values())))

</pallas_src>

<mosaic_0001>
#map = affine_map<(d0, d1) -> (0, 0)>
#map1 = affine_map<(d0, d1) -> (0)>
module attributes {stable_mosaic.version = 14 : i64} {
  func.func @_sc_herd(%arg0: i32, %arg1: i32, %arg2: memref<128x128xf32, #tpu.memory_space<hbm>>, %arg3: memref<128xf32, #tpu.memory_space<hbm>>, %arg4: memref<128xf32, #tpu.memory_space<hbm>>, %arg5: memref<16xf32, #tpu.memory_space<hbm>>, %arg6: memref<128xf32, #tpu.memory_space<hbm>>, %arg7: memref<128x128xf32, #tpu.memory_space<vmem>>, %arg8: memref<128xf32, #tpu.memory_space<vmem>>, %arg9: memref<128xf32, #tpu.memory_space<vmem>>, %arg10: memref<16xf32, #tpu.memory_space<vmem>>, %arg11: memref<128xf32, #tpu.memory_space<vmem>>) attributes {dimension_semantics = [#tpu.dimension_semantics<core_parallel>, #tpu.dimension_semantics<subcore_parallel>], iteration_bounds = array<i64: 2, 16>, scalar_prefetch = 0 : i64, scratch_operands = 5 : i64, tpu.core_type = #tpu.core_type<sc_vector_subcore>, window_params = [{transform_indices = #map}, {transform_indices = #map1}, {transform_indices = #map1}, {transform_indices = #map1}, {transform_indices = #map1}]} {
    %mul3A = arith.constant 2 : i32
    %mul3A_0 = arith.muli %arg1, %mul3A : i32
    %add3A = arith.addi %mul3A_0, %arg0 : i32
    %eq3A = arith.constant 0 : i32
    %eq3A_1 = arith.cmpi eq, %add3A, %eq3A : i32
    %convert_element_type3A = arith.extui %eq3A_1 : i1 to i32
    %cond3A = arith.constant 0 : i32
    %cond3A_2 = arith.cmpi ne, %convert_element_type3A, %cond3A : i32
    scf.if %cond3A_2 {
      "tpu.region"() ({
        %run_scoped3A = tpu.sem_alloc : memref<!tpu.dma_semaphore, #tpu.memory_space<semaphore_mem>>
        tpu.enqueue_dma source(%arg2 : memref<128x128xf32, #tpu.memory_space<hbm>>) target(%arg7 : memref<128x128xf32, #tpu.memory_space<vmem>>) target_semaphore(%run_scoped3A : memref<!tpu.dma_semaphore, #tpu.memory_space<semaphore_mem>>)
        tpu.wait_dma2 semaphore(%run_scoped3A : memref<!tpu.dma_semaphore, #tpu.memory_space<semaphore_mem>>) src(%arg2 : memref<128x128xf32, #tpu.memory_space<hbm>>) dst(%arg7 : memref<128x128xf32, #tpu.memory_space<vmem>>)
        tpu.yield
      }) : () -> ()
      "tpu.region"() ({
        %run_scoped3A = tpu.sem_alloc : memref<!tpu.dma_semaphore, #tpu.memory_space<semaphore_mem>>
        tpu.enqueue_dma source(%arg3 : memref<128xf32, #tpu.memory_space<hbm>>) target(%arg8 : memref<128xf32, #tpu.memory_space<vmem>>) target_semaphore(%run_scoped3A : memref<!tpu.dma_semaphore, #tpu.memory_space<semaphore_mem>>)
        tpu.wait_dma2 semaphore(%run_scoped3A : memref<!tpu.dma_semaphore, #tpu.memory_space<semaphore_mem>>) src(%arg3 : memref<128xf32, #tpu.memory_space<hbm>>) dst(%arg8 : memref<128xf32, #tpu.memory_space<vmem>>)
        tpu.yield
      }) : () -> ()
      "tpu.region"() ({
        %run_scoped3A = tpu.sem_alloc : memref<!tpu.dma_semaphore, #tpu.memory_space<semaphore_mem>>
        tpu.enqueue_dma source(%arg4 : memref<128xf32, #tpu.memory_space<hbm>>) target(%arg9 : memref<128xf32, #tpu.memory_space<vmem>>) target_semaphore(%run_scoped3A : memref<!tpu.dma_semaphore, #tpu.memory_space<semaphore_mem>>)
        tpu.wait_dma2 semaphore(%run_scoped3A : memref<!tpu.dma_semaphore, #tpu.memory_space<semaphore_mem>>) src(%arg4 : memref<128xf32, #tpu.memory_space<hbm>>) dst(%arg9 : memref<128xf32, #tpu.memory_space<vmem>>)
        tpu.yield
      }) : () -> ()
      "tpu.region"() ({
        %run_scoped3A = tpu.sem_alloc : memref<!tpu.dma_semaphore, #tpu.memory_space<semaphore_mem>>
        tpu.enqueue_dma source(%arg5 : memref<16xf32, #tpu.memory_space<hbm>>) target(%arg10 : memref<16xf32, #tpu.memory_space<vmem>>) target_semaphore(%run_scoped3A : memref<!tpu.dma_semaphore, #tpu.memory_space<semaphore_mem>>)
        tpu.wait_dma2 semaphore(%run_scoped3A : memref<!tpu.dma_semaphore, #tpu.memory_space<semaphore_mem>>) src(%arg5 : memref<16xf32, #tpu.memory_space<hbm>>) dst(%arg10 : memref<16xf32, #tpu.memory_space<vmem>>)
        tpu.yield
      }) : () -> ()
      %broadcast_in_dim3A = arith.constant 0.000000e+00 : f32
      %broadcast_in_dim3A_3 = vector.broadcast %broadcast_in_dim3A : f32 to vector<16xf32>
      %swap3A = arith.constant 0 : index
      %swap3A_4 = tpu.vector_load %arg11[%swap3A] {strides = array<i32>} : memref<128xf32, #tpu.memory_space<vmem>>, vector<16xf32>,
      %swap3A_5 = vector.shape_cast %swap3A_4 : vector<16xf32> to vector<16xf32>
      %swap3A_6 = vector.shape_cast %broadcast_in_dim3A_3 : vector<16xf32> to vector<16xf32>
      tpu.vector_store %arg11[%swap3A], %swap3A_6 {strides = array<i32>} : memref<128xf32, #tpu.memory_space<vmem>>, vector<16xf32>,
      %swap3A_7 = arith.constant 16 : index
      %swap3A_8 = tpu.vector_load %arg11[%swap3A_7] {strides = array<i32>} : memref<128xf32, #tpu.memory_space<vmem>>, vector<16xf32>,
      %swap3A_9 = vector.shape_cast %swap3A_8 : vector<16xf32> to vector<16xf32>
      %swap3A_10 = vector.shape_cast %broadcast_in_dim3A_3 : vector<16xf32> to vector<16xf32>
      tpu.vector_store %arg11[%swap3A_7], %swap3A_10 {strides = array<i32>} : memref<128xf32, #tpu.memory_space<vmem>>, vector<16xf32>,
      %swap3A_11 = arith.constant 32 : index
      %swap3A_12 = tpu.vector_load %arg11[%swap3A_11] {strides = array<i32>} : memref<128xf32, #tpu.memory_space<vmem>>, vector<16xf32>,
      %swap3A_13 = vector.shape_cast %swap3A_12 : vector<16xf32> to vector<16xf32>
      %swap3A_14 = vector.shape_cast %broadcast_in_dim3A_3 : vector<16xf32> to vector<16xf32>
      tpu.vector_store %arg11[%swap3A_11], %swap3A_14 {strides = array<i32>} : memref<128xf32, #tpu.memory_space<vmem>>, vector<16xf32>,
      %swap3A_15 = arith.constant 48 : index
      %swap3A_16 = tpu.vector_load %arg11[%swap3A_15] {strides = array<i32>} : memref<128xf32, #tpu.memory_space<vmem>>, vector<16xf32>,
      %swap3A_17 = vector.shape_cast %swap3A_16 : vector<16xf32> to vector<16xf32>
      %swap3A_18 = vector.shape_cast %broadcast_in_dim3A_3 : vector<16xf32> to vector<16xf32>
      tpu.vector_store %arg11[%swap3A_15], %swap3A_18 {strides = array<i32>} : memref<128xf32, #tpu.memory_space<vmem>>, vector<16xf32>,
      %swap3A_19 = arith.constant 64 : index
      %swap3A_20 = tpu.vector_load %arg11[%swap3A_19] {strides = array<i32>} : memref<128xf32, #tpu.memory_space<vmem>>, vector<16xf32>,
      %swap3A_21 = vector.shape_cast %swap3A_20 : vector<16xf32> to vector<16xf32>
      %swap3A_22 = vector.shape_cast %broadcast_in_dim3A_3 : vector<16xf32> to vector<16xf32>
      tpu.vector_store %arg11[%swap3A_19], %swap3A_22 {strides = array<i32>} : memref<128xf32, #tpu.memory_space<vmem>>, vector<16xf32>,
      %swap3A_23 = arith.constant 80 : index
      %swap3A_24 = tpu.vector_load %arg11[%swap3A_23] {strides = array<i32>} : memref<128xf32, #tpu.memory_space<vmem>>, vector<16xf32>,
      %swap3A_25 = vector.shape_cast %swap3A_24 : vector<16xf32> to vector<16xf32>
      %swap3A_26 = vector.shape_cast %broadcast_in_dim3A_3 : vector<16xf32> to vector<16xf32>
      tpu.vector_store %arg11[%swap3A_23], %swap3A_26 {strides = array<i32>} : memref<128xf32, #tpu.memory_space<vmem>>, vector<16xf32>,
      %swap3A_27 = arith.constant 96 : index
      %swap3A_28 = tpu.vector_load %arg11[%swap3A_27] {strides = array<i32>} : memref<128xf32, #tpu.memory_space<vmem>>, vector<16xf32>,
      %swap3A_29 = vector.shape_cast %swap3A_28 : vector<16xf32> to vector<16xf32>
      %swap3A_30 = vector.shape_cast %broadcast_in_dim3A_3 : vector<16xf32> to vector<16xf32>
      tpu.vector_store %arg11[%swap3A_27], %swap3A_30 {strides = array<i32>} : memref<128xf32, #tpu.memory_space<vmem>>, vector<16xf32>,
      %swap3A_31 = arith.constant 112 : index
      %swap3A_32 = tpu.vector_load %arg11[%swap3A_31] {strides = array<i32>} : memref<128xf32, #tpu.memory_space<vmem>>, vector<16xf32>,
      %swap3A_33 = vector.shape_cast %swap3A_32 : vector<16xf32> to vector<16xf32>
      %swap3A_34 = vector.shape_cast %broadcast_in_dim3A_3 : vector<16xf32> to vector<16xf32>
      tpu.vector_store %arg11[%swap3A_31], %swap3A_34 {strides = array<i32>} : memref<128xf32, #tpu.memory_space<vmem>>, vector<16xf32>,
      %get3A = arith.constant 0 : index
      %get3A_35 = tpu.vector_load %arg10[%get3A] {strides = array<i32>} : memref<16xf32, #tpu.memory_space<vmem>>, vector<16xf32>,
      %get3A_36 = vector.shape_cast %get3A_35 : vector<16xf32> to vector<16xf32>
      %get3A_37 = arith.constant 0 : index
      %get3A_38 = tpu.vector_load %arg9[%get3A_37] {strides = array<i32>} : memref<128xf32, #tpu.memory_space<vmem>>, vector<16xf32>,
      %get3A_39 = vector.shape_cast %get3A_38 : vector<16xf32> to vector<16xf32>
      %get3A_40 = arith.constant 16 : index
      %get3A_41 = tpu.vector_load %arg9[%get3A_40] {strides = array<i32>} : memref<128xf32, #tpu.memory_space<vmem>>, vector<16xf32>,
      %get3A_42 = vector.shape_cast %get3A_41 : vector<16xf32> to vector<16xf32>
      %get3A_43 = arith.constant 32 : index
      %get3A_44 = tpu.vector_load %arg9[%get3A_43] {strides = array<i32>} : memref<128xf32, #tpu.memory_space<vmem>>, vector<16xf32>,
      %get3A_45 = vector.shape_cast %get3A_44 : vector<16xf32> to vector<16xf32>
      %get3A_46 = arith.constant 48 : index
      %get3A_47 = tpu.vector_load %arg9[%get3A_46] {strides = array<i32>} : memref<128xf32, #tpu.memory_space<vmem>>, vector<16xf32>,
      %get3A_48 = vector.shape_cast %get3A_47 : vector<16xf32> to vector<16xf32>
      %get3A_49 = arith.constant 64 : index
      %get3A_50 = tpu.vector_load %arg9[%get3A_49] {strides = array<i32>} : memref<128xf32, #tpu.memory_space<vmem>>, vector<16xf32>,
      %get3A_51 = vector.shape_cast %get3A_50 : vector<16xf32> to vector<16xf32>
      %get3A_52 = arith.constant 80 : index
      %get3A_53 = tpu.vector_load %arg9[%get3A_52] {strides = array<i32>} : memref<128xf32, #tpu.memory_space<vmem>>, vector<16xf32>,
      %get3A_54 = vector.shape_cast %get3A_53 : vector<16xf32> to vector<16xf32>
      %get3A_55 = arith.constant 96 : index
      %get3A_56 = tpu.vector_load %arg9[%get3A_55] {strides = array<i32>} : memref<128xf32, #tpu.memory_space<vmem>>, vector<16xf32>,
      %get3A_57 = vector.shape_cast %get3A_56 : vector<16xf32> to vector<16xf32>
      %get3A_58 = arith.constant 112 : index
      %get3A_59 = tpu.vector_load %arg9[%get3A_58] {strides = array<i32>} : memref<128xf32, #tpu.memory_space<vmem>>, vector<16xf32>,
      %get3A_60 = vector.shape_cast %get3A_59 : vector<16xf32> to vector<16xf32>
      %iota3A = tpu.iota {dimensions = array<i32: 0>} : vector<16xi32>
      %add3A_61 = arith.constant 0 : i32
      %add3A_62 = vector.broadcast %add3A_61 : i32 to vector<16xi32>
      %add3A_63 = arith.addi %iota3A, %add3A_62 : vector<16xi32>
      %iota3A_64 = tpu.iota {dimensions = array<i32: 0>} : vector<16xi32>
      %add3A_65 = arith.constant 16 : i32
      %add3A_66 = vector.broadcast %add3A_65 : i32 to vector<16xi32>
      %add3A_67 = arith.addi %iota3A_64, %add3A_66 : vector<16xi32>
      %iota3A_68 = tpu.iota {dimensions = array<i32: 0>} : vector<16xi32>
      %add3A_69 = arith.constant 32 : i32
      %add3A_70 = vector.broadcast %add3A_69 : i32 to vector<16xi32>
      %add3A_71 = arith.addi %iota3A_68, %add3A_70 : vector<16xi32>
      %iota3A_72 = tpu.iota {dimensions = array<i32: 0>} : vector<16xi32>
      %add3A_73 = arith.constant 48 : i32
      %add3A_74 = vector.broadcast %add3A_73 : i32 to vector<16xi32>
      %add3A_75 = arith.addi %iota3A_72, %add3A_74 : vector<16xi32>
      %iota3A_76 = tpu.iota {dimensions = array<i32: 0>} : vector<16xi32>
      %add3A_77 = arith.constant 64 : i32
      %add3A_78 = vector.broadcast %add3A_77 : i32 to vector<16xi32>
      %add3A_79 = arith.addi %iota3A_76, %add3A_78 : vector<16xi32>
      %iota3A_80 = tpu.iota {dimensions = array<i32: 0>} : vector<16xi32>
      %add3A_81 = arith.constant 80 : i32
      %add3A_82 = vector.broadcast %add3A_81 : i32 to vector<16xi32>
      %add3A_83 = arith.addi %iota3A_80, %add3A_82 : vector<16xi32>
      %iota3A_84 = tpu.iota {dimensions = array<i32: 0>} : vector<16xi32>
      %add3A_85 = arith.constant 96 : i32
      %add3A_86 = vector.broadcast %add3A_85 : i32 to vector<16xi32>
      %add3A_87 = arith.addi %iota3A_84, %add3A_86 : vector<16xi32>
      %iota3A_88 = tpu.iota {dimensions = array<i32: 0>} : vector<16xi32>
      %add3A_89 = arith.constant 112 : i32
      %add3A_90 = vector.broadcast %add3A_89 : i32 to vector<16xi32>
      %add3A_91 = arith.addi %iota3A_88, %add3A_90 : vector<16xi32>
      %iota3A_92 = tpu.iota {dimensions = array<i32: 0>} : vector<16xi32>
      %add3A_93 = arith.constant 8 : i32
      %add3A_94 = vector.broadcast %add3A_93 : i32 to vector<16xi32>
      %add3A_95 = arith.addi %iota3A_92, %add3A_94 : vector<16xi32>
      %jit3A = arith.constant 16 : i32
      %eq3A_96 = arith.constant 0 : i32
      %eq3A_97 = arith.cmpi eq, %jit3A, %eq3A_96 : i32
      %jit3A_98 = arith.constant 1 : i32
      %select_n3A = arith.select %eq3A_97, %jit3A_98, %jit3A : i32
      %rem3A = vector.broadcast %select_n3A : i32 to vector<16xi32>
      %rem3A_99 = arith.remsi %add3A_95, %rem3A : vector<16xi32>
      %ne3A = arith.constant 0 : i32
      %ne3A_100 = vector.broadcast %ne3A : i32 to vector<16xi32>
      %ne3A_101 = arith.cmpi ne, %rem3A_99, %ne3A_100 : vector<16xi32>
      %lt3A = arith.constant 0 : i32
      %lt3A_102 = vector.broadcast %lt3A : i32 to vector<16xi32>
      %lt3A_103 = arith.cmpi slt, %rem3A_99, %lt3A_102 : vector<16xi32>
      %lt3A_104 = arith.constant 0 : i32
      %lt3A_105 = arith.cmpi slt, %select_n3A, %lt3A_104 : i32
      %ne3A_106 = vector.broadcast %lt3A_105 : i1 to vector<16xi1>
      %ne3A_107 = vector.broadcast %ne3A_106 : vector<16xi1> to vector<16xi1>
      %ne3A_108 = arith.xori %lt3A_103, %ne3A_107 : vector<16xi1>
      %and3A = arith.andi %ne3A_108, %ne3A_101 : vector<16xi1>
      %add3A_109 = vector.broadcast %select_n3A : i32 to vector<16xi32>
      %add3A_110 = arith.addi %rem3A_99, %add3A_109 : vector<16xi32>
      %select_n3A_111 = arith.select %and3A, %add3A_110, %rem3A_99 : vector<16xi1>, vector<16xi32>
      %iota3A_112 = tpu.iota {dimensions = array<i32: 0>} : vector<16xi32>
      %add3A_113 = arith.constant 4 : i32
      %add3A_114 = vector.broadcast %add3A_113 : i32 to vector<16xi32>
      %add3A_115 = arith.addi %iota3A_112, %add3A_114 : vector<16xi32>
      %jit3A_116 = arith.constant 16 : i32
      %eq3A_117 = arith.constant 0 : i32
      %eq3A_118 = arith.cmpi eq, %jit3A_116, %eq3A_117 : i32
      %jit3A_119 = arith.constant 1 : i32
      %select_n3A_120 = arith.select %eq3A_118, %jit3A_119, %jit3A_116 : i32
      %rem3A_121 = vector.broadcast %select_n3A_120 : i32 to vector<16xi32>
      %rem3A_122 = arith.remsi %add3A_115, %rem3A_121 : vector<16xi32>
      %ne3A_123 = arith.constant 0 : i32
      %ne3A_124 = vector.broadcast %ne3A_123 : i32 to vector<16xi32>
      %ne3A_125 = arith.cmpi ne, %rem3A_122, %ne3A_124 : vector<16xi32>
      %lt3A_126 = arith.constant 0 : i32
      %lt3A_127 = vector.broadcast %lt3A_126 : i32 to vector<16xi32>
      %lt3A_128 = arith.cmpi slt, %rem3A_122, %lt3A_127 : vector<16xi32>
      %lt3A_129 = arith.constant 0 : i32
      %lt3A_130 = arith.cmpi slt, %select_n3A_120, %lt3A_129 : i32
      %ne3A_131 = vector.broadcast %lt3A_130 : i1 to vector<16xi1>
      %ne3A_132 = vector.broadcast %ne3A_131 : vector<16xi1> to vector<16xi1>
      %ne3A_133 = arith.xori %lt3A_128, %ne3A_132 : vector<16xi1>
      %and3A_134 = arith.andi %ne3A_133, %ne3A_125 : vector<16xi1>
      %add3A_135 = vector.broadcast %select_n3A_120 : i32 to vector<16xi32>
      %add3A_136 = arith.addi %rem3A_122, %add3A_135 : vector<16xi32>
      %select_n3A_137 = arith.select %and3A_134, %add3A_136, %rem3A_122 : vector<16xi1>, vector<16xi32>
      %iota3A_138 = tpu.iota {dimensions = array<i32: 0>} : vector<16xi32>
      %add3A_139 = arith.constant 2 : i32
      %add3A_140 = vector.broadcast %add3A_139 : i32 to vector<16xi32>
      %add3A_141 = arith.addi %iota3A_138, %add3A_140 : vector<16xi32>
      %jit3A_142 = arith.constant 16 : i32
      %eq3A_143 = arith.constant 0 : i32
      %eq3A_144 = arith.cmpi eq, %jit3A_142, %eq3A_143 : i32
      %jit3A_145 = arith.constant 1 : i32
      %select_n3A_146 = arith.select %eq3A_144, %jit3A_145, %jit3A_142 : i32
      %rem3A_147 = vector.broadcast %select_n3A_146 : i32 to vector<16xi32>
      %rem3A_148 = arith.remsi %add3A_141, %rem3A_147 : vector<16xi32>
      %ne3A_149 = arith.constant 0 : i32
      %ne3A_150 = vector.broadcast %ne3A_149 : i32 to vector<16xi32>
      %ne3A_151 = arith.cmpi ne, %rem3A_148, %ne3A_150 : vector<16xi32>
      %lt3A_152 = arith.constant 0 : i32
      %lt3A_153 = vector.broadcast %lt3A_152 : i32 to vector<16xi32>
      %lt3A_154 = arith.cmpi slt, %rem3A_148, %lt3A_153 : vector<16xi32>
      %lt3A_155 = arith.constant 0 : i32
      %lt3A_156 = arith.cmpi slt, %select_n3A_146, %lt3A_155 : i32
      %ne3A_157 = vector.broadcast %lt3A_156 : i1 to vector<16xi1>
      %ne3A_158 = vector.broadcast %ne3A_157 : vector<16xi1> to vector<16xi1>
      %ne3A_159 = arith.xori %lt3A_154, %ne3A_158 : vector<16xi1>
      %and3A_160 = arith.andi %ne3A_159, %ne3A_151 : vector<16xi1>
      %add3A_161 = vector.broadcast %select_n3A_146 : i32 to vector<16xi32>
      %add3A_162 = arith.addi %rem3A_148, %add3A_161 : vector<16xi32>
      %select_n3A_163 = arith.select %and3A_160, %add3A_162, %rem3A_148 : vector<16xi1>, vector<16xi32>
      %iota3A_164 = tpu.iota {dimensions = array<i32: 0>} : vector<16xi32>
      %add3A_165 = arith.constant 1 : i32
      %add3A_166 = vector.broadcast %add3A_165 : i32 to vector<16xi32>
      %add3A_167 = arith.addi %iota3A_164, %add3A_166 : vector<16xi32>
      %jit3A_168 = arith.constant 16 : i32
      %eq3A_169 = arith.constant 0 : i32
      %eq3A_170 = arith.cmpi eq, %jit3A_168, %eq3A_169 : i32
      %jit3A_171 = arith.constant 1 : i32
      %select_n3A_172 = arith.select %eq3A_170, %jit3A_171, %jit3A_168 : i32
      %rem3A_173 = vector.broadcast %select_n3A_172 : i32 to vector<16xi32>
      %rem3A_174 = arith.remsi %add3A_167, %rem3A_173 : vector<16xi32>
      %ne3A_175 = arith.constant 0 : i32
      %ne3A_176 = vector.broadcast %ne3A_175 : i32 to vector<16xi32>
      %ne3A_177 = arith.cmpi ne, %rem3A_174, %ne3A_176 : vector<16xi32>
      %lt3A_178 = arith.constant 0 : i32
      %lt3A_179 = vector.broadcast %lt3A_178 : i32 to vector<16xi32>
      %lt3A_180 = arith.cmpi slt, %rem3A_174, %lt3A_179 : vector<16xi32>
      %lt3A_181 = arith.constant 0 : i32
      %lt3A_182 = arith.cmpi slt, %select_n3A_172, %lt3A_181 : i32
      %ne3A_183 = vector.broadcast %lt3A_182 : i1 to vector<16xi1>
      %ne3A_184 = vector.broadcast %ne3A_183 : vector<16xi1> to vector<16xi1>
      %ne3A_185 = arith.xori %lt3A_180, %ne3A_184 : vector<16xi1>
      %and3A_186 = arith.andi %ne3A_185, %ne3A_177 : vector<16xi1>
      %add3A_187 = vector.broadcast %select_n3A_172 : i32 to vector<16xi32>
      %add3A_188 = arith.addi %rem3A_174, %add3A_187 : vector<16xi32>
      %select_n3A_189 = arith.select %and3A_186, %add3A_188, %rem3A_174 : vector<16xi1>, vector<16xi32>
      %scan3A = arith.constant 0 : i32
      %scan3A_190 = arith.constant 0 : i32
      %scan3A_191 = arith.constant 64 : i32
      %scan3A_192 = arith.addi %scan3A_190, %scan3A_191 : i32
      %scan3A_193 = arith.constant 4 : i32
      scf.for %scan3A_195 = %scan3A_190 to %scan3A_192 step %scan3A_193  : i32 {
        %add3A_196 = arith.constant 1 : i32
        %add3A_197 = arith.addi %scan3A_195, %add3A_196 : i32
        %convert_element_type3A_198 = arith.sitofp %add3A_197 : i32 to f32
        %get3A_199 = arith.constant 0 : index
        %get3A_200 = tpu.vector_load %arg8[%get3A_199] {strides = array<i32>} : memref<128xf32, #tpu.memory_space<vmem>>, vector<16xf32>,
        %get3A_201 = vector.shape_cast %get3A_200 : vector<16xf32> to vector<16xf32>
        %get3A_202 = arith.constant 16 : index
        %get3A_203 = tpu.vector_load %arg8[%get3A_202] {strides = array<i32>} : memref<128xf32, #tpu.memory_space<vmem>>, vector<16xf32>,
        %get3A_204 = vector.shape_cast %get3A_203 : vector<16xf32> to vector<16xf32>
        %get3A_205 = arith.constant 32 : index
        %get3A_206 = tpu.vector_load %arg8[%get3A_205] {strides = array<i32>} : memref<128xf32, #tpu.memory_space<vmem>>, vector<16xf32>,
        %get3A_207 = vector.shape_cast %get3A_206 : vector<16xf32> to vector<16xf32>
        %get3A_208 = arith.constant 48 : index
        %get3A_209 = tpu.vector_load %arg8[%get3A_208] {strides = array<i32>} : memref<128xf32, #tpu.memory_space<vmem>>, vector<16xf32>,
        %get3A_210 = vector.shape_cast %get3A_209 : vector<16xf32> to vector<16xf32>
        %get3A_211 = arith.constant 64 : index
        %get3A_212 = tpu.vector_load %arg8[%get3A_211] {strides = array<i32>} : memref<128xf32, #tpu.memory_space<vmem>>, vector<16xf32>,
        %get3A_213 = vector.shape_cast %get3A_212 : vector<16xf32> to vector<16xf32>
        %get3A_214 = arith.constant 80 : index
        %get3A_215 = tpu.vector_load %arg8[%get3A_214] {strides = array<i32>} : memref<128xf32, #tpu.memory_space<vmem>>, vector<16xf32>,
        %get3A_216 = vector.shape_cast %get3A_215 : vector<16xf32> to vector<16xf32>
        %get3A_217 = arith.constant 96 : index
        %get3A_218 = tpu.vector_load %arg8[%get3A_217] {strides = array<i32>} : memref<128xf32, #tpu.memory_space<vmem>>, vector<16xf32>,
        %get3A_219 = vector.shape_cast %get3A_218 : vector<16xf32> to vector<16xf32>
        %get3A_220 = arith.constant 112 : index
        %get3A_221 = tpu.vector_load %arg8[%get3A_220] {strides = array<i32>} : memref<128xf32, #tpu.memory_space<vmem>>, vector<16xf32>,
        %get3A_222 = vector.shape_cast %get3A_221 : vector<16xf32> to vector<16xf32>
        %max3A = arith.maximumf %get3A_201, %get3A_204 : vector<16xf32>
        %max3A_223 = arith.maximumf %max3A, %get3A_207 : vector<16xf32>
        %max3A_224 = arith.maximumf %max3A_223, %get3A_210 : vector<16xf32>
        %max3A_225 = arith.maximumf %max3A_224, %get3A_213 : vector<16xf32>
        %max3A_226 = arith.maximumf %max3A_225, %get3A_216 : vector<16xf32>
        %max3A_227 = arith.maximumf %max3A_226, %get3A_219 : vector<16xf32>
        %max3A_228 = arith.maximumf %max3A_227, %get3A_222 : vector<16xf32>
        %lt3A_229 = arith.constant 0 : i32
        %lt3A_230 = vector.broadcast %lt3A_229 : i32 to vector<16xi32>
        %lt3A_231 = arith.cmpi slt, %select_n3A_111, %lt3A_230 : vector<16xi32>
        %add3A_232 = arith.constant 16 : i32
        %add3A_233 = vector.broadcast %add3A_232 : i32 to vector<16xi32>
        %add3A_234 = arith.addi %select_n3A_111, %add3A_233 : vector<16xi32>
        %select_n3A_235 = arith.select %lt3A_231, %add3A_234, %select_n3A_111 : vector<16xi1>, vector<16xi32>
        %broadcast_in_dim3A_236 = vector.shape_cast %select_n3A_235 : vector<16xi32> to vector<16x1xi32>
        %gather3A = vector.shape_cast %broadcast_in_dim3A_236 : vector<16x1xi32> to vector<16xi32>
        %gather3A_237 = tpu.dynamic_gather %max3A_228[%gather3A] in [0] : vector<16xf32>, vector<16xi32> -> vector<16xf32>
        %max3A_238 = arith.maximumf %max3A_228, %gather3A_237 : vector<16xf32>
        %lt3A_239 = arith.constant 0 : i32
        %lt3A_240 = vector.broadcast %lt3A_239 : i32 to vector<16xi32>
        %lt3A_241 = arith.cmpi slt, %select_n3A_137, %lt3A_240 : vector<16xi32>
        %add3A_242 = arith.constant 16 : i32
        %add3A_243 = vector.broadcast %add3A_242 : i32 to vector<16xi32>
        %add3A_244 = arith.addi %select_n3A_137, %add3A_243 : vector<16xi32>
        %select_n3A_245 = arith.select %lt3A_241, %add3A_244, %select_n3A_137 : vector<16xi1>, vector<16xi32>
        %broadcast_in_dim3A_246 = vector.shape_cast %select_n3A_245 : vector<16xi32> to vector<16x1xi32>
        %gather3A_247 = vector.shape_cast %broadcast_in_dim3A_246 : vector<16x1xi32> to vector<16xi32>
        %gather3A_248 = tpu.dynamic_gather %max3A_238[%gather3A_247] in [0] : vector<16xf32>, vector<16xi32> -> vector<16xf32>
        %max3A_249 = arith.maximumf %max3A_238, %gather3A_248 : vector<16xf32>
        %lt3A_250 = arith.constant 0 : i32
        %lt3A_251 = vector.broadcast %lt3A_250 : i32 to vector<16xi32>
        %lt3A_252 = arith.cmpi slt, %select_n3A_163, %lt3A_251 : vector<16xi32>
        %add3A_253 = arith.constant 16 : i32
        %add3A_254 = vector.broadcast %add3A_253 : i32 to vector<16xi32>
        %add3A_255 = arith.addi %select_n3A_163, %add3A_254 : vector<16xi32>
        %select_n3A_256 = arith.select %lt3A_252, %add3A_255, %select_n3A_163 : vector<16xi1>, vector<16xi32>
        %broadcast_in_dim3A_257 = vector.shape_cast %select_n3A_256 : vector<16xi32> to vector<16x1xi32>
        %gather3A_258 = vector.shape_cast %broadcast_in_dim3A_257 : vector<16x1xi32> to vector<16xi32>
        %gather3A_259 = tpu.dynamic_gather %max3A_249[%gather3A_258] in [0] : vector<16xf32>, vector<16xi32> -> vector<16xf32>
        %max3A_260 = arith.maximumf %max3A_249, %gather3A_259 : vector<16xf32>
        %lt3A_261 = arith.constant 0 : i32
        %lt3A_262 = vector.broadcast %lt3A_261 : i32 to vector<16xi32>
        %lt3A_263 = arith.cmpi slt, %select_n3A_189, %lt3A_262 : vector<16xi32>
        %add3A_264 = arith.constant 16 : i32
        %add3A_265 = vector.broadcast %add3A_264 : i32 to vector<16xi32>
        %add3A_266 = arith.addi %select_n3A_189, %add3A_265 : vector<16xi32>
        %select_n3A_267 = arith.select %lt3A_263, %add3A_266, %select_n3A_189 : vector<16xi1>, vector<16xi32>
        %broadcast_in_dim3A_268 = vector.shape_cast %select_n3A_267 : vector<16xi32> to vector<16x1xi32>
        %gather3A_269 = vector.shape_cast %broadcast_in_dim3A_268 : vector<16x1xi32> to vector<16xi32>
        %gather3A_270 = tpu.dynamic_gather %max3A_260[%gather3A_269] in [0] : vector<16xf32>, vector<16xi32> -> vector<16xf32>
        %max3A_271 = arith.maximumf %max3A_260, %gather3A_270 : vector<16xf32>
        %broadcast_in_dim3A_272 = arith.constant 128 : i32
        %broadcast_in_dim3A_273 = vector.broadcast %broadcast_in_dim3A_272 : i32 to vector<16xi32>
        %eq3A_274 = arith.cmpf oeq, %get3A_201, %max3A_271 : vector<16xf32>
        %jit3A_275 = arith.constant 128 : i32
        %broadcast_in_dim3A_276 = vector.broadcast %jit3A_275 : i32 to vector<16xi32>
        %select_n3A_277 = arith.select %eq3A_274, %add3A_63, %broadcast_in_dim3A_276 : vector<16xi1>, vector<16xi32>
        %min3A = arith.minsi %broadcast_in_dim3A_273, %select_n3A_277 : vector<16xi32>
        %eq3A_278 = arith.cmpf oeq, %get3A_204, %max3A_271 : vector<16xf32>
        %jit3A_279 = arith.constant 128 : i32
        %broadcast_in_dim3A_280 = vector.broadcast %jit3A_279 : i32 to vector<16xi32>
        %select_n3A_281 = arith.select %eq3A_278, %add3A_67, %broadcast_in_dim3A_280 : vector<16xi1>, vector<16xi32>
        %min3A_282 = arith.minsi %min3A, %select_n3A_281 : vector<16xi32>
        %eq3A_283 = arith.cmpf oeq, %get3A_207, %max3A_271 : vector<16xf32>
        %jit3A_284 = arith.constant 128 : i32
        %broadcast_in_dim3A_285 = vector.broadcast %jit3A_284 : i32 to vector<16xi32>
        %select_n3A_286 = arith.select %eq3A_283, %add3A_71, %broadcast_in_dim3A_285 : vector<16xi1>, vector<16xi32>
        %min3A_287 = arith.minsi %min3A_282, %select_n3A_286 : vector<16xi32>
        %eq3A_288 = arith.cmpf oeq, %get3A_210, %max3A_271 : vector<16xf32>
        %jit3A_289 = arith.constant 128 : i32
        %broadcast_in_dim3A_290 = vector.broadcast %jit3A_289 : i32 to vector<16xi32>
        %select_n3A_291 = arith.select %eq3A_288, %add3A_75, %broadcast_in_dim3A_290 : vector<16xi1>, vector<16xi32>
        %min3A_292 = arith.minsi %min3A_287, %select_n3A_291 : vector<16xi32>
        %eq3A_293 = arith.cmpf oeq, %get3A_213, %max3A_271 : vector<16xf32>
        %jit3A_294 = arith.constant 128 : i32
        %broadcast_in_dim3A_295 = vector.broadcast %jit3A_294 : i32 to vector<16xi32>
        %select_n3A_296 = arith.select %eq3A_293, %add3A_79, %broadcast_in_dim3A_295 : vector<16xi1>, vector<16xi32>
        %min3A_297 = arith.minsi %min3A_292, %select_n3A_296 : vector<16xi32>
        %eq3A_298 = arith.cmpf oeq, %get3A_216, %max3A_271 : vector<16xf32>
        %jit3A_299 = arith.constant 128 : i32
        %broadcast_in_dim3A_300 = vector.broadcast %jit3A_299 : i32 to vector<16xi32>
        %select_n3A_301 = arith.select %eq3A_298, %add3A_83, %broadcast_in_dim3A_300 : vector<16xi1>, vector<16xi32>
        %min3A_302 = arith.minsi %min3A_297, %select_n3A_301 : vector<16xi32>
        %eq3A_303 = arith.cmpf oeq, %get3A_219, %max3A_271 : vector<16xf32>
        %jit3A_304 = arith.constant 128 : i32
        %broadcast_in_dim3A_305 = vector.broadcast %jit3A_304 : i32 to vector<16xi32>
        %select_n3A_306 = arith.select %eq3A_303, %add3A_87, %broadcast_in_dim3A_305 : vector<16xi1>, vector<16xi32>
        %min3A_307 = arith.minsi %min3A_302, %select_n3A_306 : vector<16xi32>
        %eq3A_308 = arith.cmpf oeq, %get3A_222, %max3A_271 : vector<16xf32>
        %jit3A_309 = arith.constant 128 : i32
        %broadcast_in_dim3A_310 = vector.broadcast %jit3A_309 : i32 to vector<16xi32>
        %select_n3A_311 = arith.select %eq3A_308, %add3A_91, %broadcast_in_dim3A_310 : vector<16xi1>, vector<16xi32>
        %min3A_312 = arith.minsi %min3A_307, %select_n3A_311 : vector<16xi32>
        %lt3A_313 = arith.constant 0 : i32
        %lt3A_314 = vector.broadcast %lt3A_313 : i32 to vector<16xi32>
        %lt3A_315 = arith.cmpi slt, %select_n3A_111, %lt3A_314 : vector<16xi32>
        %add3A_316 = arith.constant 16 : i32
        %add3A_317 = vector.broadcast %add3A_316 : i32 to vector<16xi32>
        %add3A_318 = arith.addi %select_n3A_111, %add3A_317 : vector<16xi32>
        %select_n3A_319 = arith.select %lt3A_315, %add3A_318, %select_n3A_111 : vector<16xi1>, vector<16xi32>
        %broadcast_in_dim3A_320 = vector.shape_cast %select_n3A_319 : vector<16xi32> to vector<16x1xi32>
        %gather3A_321 = vector.shape_cast %broadcast_in_dim3A_320 : vector<16x1xi32> to vector<16xi32>
        %gather3A_322 = tpu.dynamic_gather %min3A_312[%gather3A_321] in [0] : vector<16xi32>, vector<16xi32> -> vector<16xi32>
        %min3A_323 = arith.minsi %min3A_312, %gather3A_322 : vector<16xi32>
        %lt3A_324 = arith.constant 0 : i32
        %lt3A_325 = vector.broadcast %lt3A_324 : i32 to vector<16xi32>
        %lt3A_326 = arith.cmpi slt, %select_n3A_137, %lt3A_325 : vector<16xi32>
        %add3A_327 = arith.constant 16 : i32
        %add3A_328 = vector.broadcast %add3A_327 : i32 to vector<16xi32>
        %add3A_329 = arith.addi %select_n3A_137, %add3A_328 : vector<16xi32>
        %select_n3A_330 = arith.select %lt3A_326, %add3A_329, %select_n3A_137 : vector<16xi1>, vector<16xi32>
        %broadcast_in_dim3A_331 = vector.shape_cast %select_n3A_330 : vector<16xi32> to vector<16x1xi32>
        %gather3A_332 = vector.shape_cast %broadcast_in_dim3A_331 : vector<16x1xi32> to vector<16xi32>
        %gather3A_333 = tpu.dynamic_gather %min3A_323[%gather3A_332] in [0] : vector<16xi32>, vector<16xi32> -> vector<16xi32>
        %min3A_334 = arith.minsi %min3A_323, %gather3A_333 : vector<16xi32>
        %lt3A_335 = arith.constant 0 : i32
        %lt3A_336 = vector.broadcast %lt3A_335 : i32 to vector<16xi32>
        %lt3A_337 = arith.cmpi slt, %select_n3A_163, %lt3A_336 : vector<16xi32>
        %add3A_338 = arith.constant 16 : i32
        %add3A_339 = vector.broadcast %add3A_338 : i32 to vector<16xi32>
        %add3A_340 = arith.addi %select_n3A_163, %add3A_339 : vector<16xi32>
        %select_n3A_341 = arith.select %lt3A_337, %add3A_340, %select_n3A_163 : vector<16xi1>, vector<16xi32>
        %broadcast_in_dim3A_342 = vector.shape_cast %select_n3A_341 : vector<16xi32> to vector<16x1xi32>
        %gather3A_343 = vector.shape_cast %broadcast_in_dim3A_342 : vector<16x1xi32> to vector<16xi32>
        %gather3A_344 = tpu.dynamic_gather %min3A_334[%gather3A_343] in [0] : vector<16xi32>, vector<16xi32> -> vector<16xi32>
        %min3A_345 = arith.minsi %min3A_334, %gather3A_344 : vector<16xi32>
        %lt3A_346 = arith.constant 0 : i32
        %lt3A_347 = vector.broadcast %lt3A_346 : i32 to vector<16xi32>
        %lt3A_348 = arith.cmpi slt, %select_n3A_189, %lt3A_347 : vector<16xi32>
        %add3A_349 = arith.constant 16 : i32
        %add3A_350 = vector.broadcast %add3A_349 : i32 to vector<16xi32>
        %add3A_351 = arith.addi %select_n3A_189, %add3A_350 : vector<16xi32>
        %select_n3A_352 = arith.select %lt3A_348, %add3A_351, %select_n3A_189 : vector<16xi1>, vector<16xi32>
        %broadcast_in_dim3A_353 = vector.shape_cast %select_n3A_352 : vector<16xi32> to vector<16x1xi32>
        %gather3A_354 = vector.shape_cast %broadcast_in_dim3A_353 : vector<16x1xi32> to vector<16xi32>
        %gather3A_355 = tpu.dynamic_gather %min3A_345[%gather3A_354] in [0] : vector<16xi32>, vector<16xi32> -> vector<16xi32>
        %min3A_356 = arith.minsi %min3A_345, %gather3A_355 : vector<16xi32>
        %slice3A = vector.extract_strided_slice %min3A_356 {offsets = [0], sizes = [1], strides = [1]} : vector<16xi32> to vector<1xi32>
        %squeeze3A = vector.extract %slice3A[0] : i32 from vector<1xi32>
        %broadcast_in_dim3A_357 = vector.broadcast %convert_element_type3A_198 : f32 to vector<16xf32>
        %le3A = arith.cmpf ole, %broadcast_in_dim3A_357, %get3A_36 : vector<16xf32>
        %broadcast_in_dim3A_358 = vector.broadcast %squeeze3A : i32 to vector<16xi32>
        %eq3A_359 = arith.cmpi eq, %add3A_63, %broadcast_in_dim3A_358 : vector<16xi32>
        %get3A_360 = arith.index_cast %squeeze3A : i32 to index
        %get3A_361 = arith.constant 0 : index
        %get3A_362 = tpu.vector_load %arg7[%get3A_360, %get3A_361] {strides = array<i32>} : memref<128x128xf32, #tpu.memory_space<vmem>>, vector<1x16xf32>,
        %get3A_363 = vector.shape_cast %get3A_362 : vector<1x16xf32> to vector<16xf32>
        %get3A_364 = arith.constant 0 : index
        %get3A_365 = tpu.vector_load %arg11[%get3A_364] {strides = array<i32>} : memref<128xf32, #tpu.memory_space<vmem>>, vector<16xf32>,
        %get3A_366 = vector.shape_cast %get3A_365 : vector<16xf32> to vector<16xf32>
        %and3A_367 = arith.andi %le3A, %eq3A_359 : vector<16xi1>
        %jit3A_368 = arith.constant 1.000000e+00 : f32
        %broadcast_in_dim3A_369 = vector.broadcast %jit3A_368 : f32 to vector<16xf32>
        %select_n3A_370 = arith.select %and3A_367, %broadcast_in_dim3A_369, %get3A_366 : vector<16xi1>, vector<16xf32>
        %swap3A_371 = arith.constant 0 : index
        %swap3A_372 = tpu.vector_load %arg11[%swap3A_371] {strides = array<i32>} : memref<128xf32, #tpu.memory_space<vmem>>, vector<16xf32>,
        %swap3A_373 = vector.shape_cast %swap3A_372 : vector<16xf32> to vector<16xf32>
        %swap3A_374 = vector.shape_cast %select_n3A_370 : vector<16xf32> to vector<16xf32>
        tpu.vector_store %arg11[%swap3A_371], %swap3A_374 {strides = array<i32>} : memref<128xf32, #tpu.memory_space<vmem>>, vector<16xf32>,
        %add3A_375 = arith.addf %get3A_201, %get3A_39 : vector<16xf32>
        %sub3A = arith.subf %add3A_375, %get3A_363 : vector<16xf32>
        %jit3A_376 = arith.constant 0xFF800000 : f32
        %broadcast_in_dim3A_377 = vector.broadcast %jit3A_376 : f32 to vector<16xf32>
        %select_n3A_378 = arith.select %eq3A_359, %broadcast_in_dim3A_377, %sub3A : vector<16xi1>, vector<16xf32>
        %select_n3A_379 = arith.select %le3A, %select_n3A_378, %get3A_201 : vector<16xi1>, vector<16xf32>
        %swap3A_380 = arith.constant 0 : index
        %swap3A_381 = tpu.vector_load %arg8[%swap3A_380] {strides = array<i32>} : memref<128xf32, #tpu.memory_space<vmem>>, vector<16xf32>,
        %swap3A_382 = vector.shape_cast %swap3A_381 : vector<16xf32> to vector<16xf32>
        %swap3A_383 = vector.shape_cast %select_n3A_379 : vector<16xf32> to vector<16xf32>
        tpu.vector_store %arg8[%swap3A_380], %swap3A_383 {strides = array<i32>} : memref<128xf32, #tpu.memory_space<vmem>>, vector<16xf32>,
        %eq3A_384 = arith.cmpi eq, %add3A_67, %broadcast_in_dim3A_358 : vector<16xi32>
        %get3A_385 = arith.index_cast %squeeze3A : i32 to index
        %get3A_386 = arith.constant 16 : index
        %get3A_387 = tpu.vector_load %arg7[%get3A_385, %get3A_386] {strides = array<i32>} : memref<128x128xf32, #tpu.memory_space<vmem>>, vector<1x16xf32>,
        %get3A_388 = vector.shape_cast %get3A_387 : vector<1x16xf32> to vector<16xf32>
        %get3A_389 = arith.constant 16 : index
        %get3A_390 = tpu.vector_load %arg11[%get3A_389] {strides = array<i32>} : memref<128xf32, #tpu.memory_space<vmem>>, vector<16xf32>,
        %get3A_391 = vector.shape_cast %get3A_390 : vector<16xf32> to vector<16xf32>
        %and3A_392 = arith.andi %le3A, %eq3A_384 : vector<16xi1>
        %jit3A_393 = arith.constant 1.000000e+00 : f32
        %broadcast_in_dim3A_394 = vector.broadcast %jit3A_393 : f32 to vector<16xf32>
        %select_n3A_395 = arith.select %and3A_392, %broadcast_in_dim3A_394, %get3A_391 : vector<16xi1>, vector<16xf32>
        %swap3A_396 = arith.constant 16 : index
        %swap3A_397 = tpu.vector_load %arg11[%swap3A_396] {strides = array<i32>} : memref<128xf32, #tpu.memory_space<vmem>>, vector<16xf32>,
        %swap3A_398 = vector.shape_cast %swap3A_397 : vector<16xf32> to vector<16xf32>
        %swap3A_399 = vector.shape_cast %select_n3A_395 : vector<16xf32> to vector<16xf32>
        tpu.vector_store %arg11[%swap3A_396], %swap3A_399 {strides = array<i32>} : memref<128xf32, #tpu.memory_space<vmem>>, vector<16xf32>,
        %add3A_400 = arith.addf %get3A_204, %get3A_42 : vector<16xf32>
        %sub3A_401 = arith.subf %add3A_400, %get3A_388 : vector<16xf32>
        %jit3A_402 = arith.constant 0xFF800000 : f32
        %broadcast_in_dim3A_403 = vector.broadcast %jit3A_402 : f32 to vector<16xf32>
        %select_n3A_404 = arith.select %eq3A_384, %broadcast_in_dim3A_403, %sub3A_401 : vector<16xi1>, vector<16xf32>
        %select_n3A_405 = arith.select %le3A, %select_n3A_404, %get3A_204 : vector<16xi1>, vector<16xf32>
        %swap3A_406 = arith.constant 16 : index
        %swap3A_407 = tpu.vector_load %arg8[%swap3A_406] {strides = array<i32>} : memref<128xf32, #tpu.memory_space<vmem>>, vector<16xf32>,
        %swap3A_408 = vector.shape_cast %swap3A_407 : vector<16xf32> to vector<16xf32>
        %swap3A_409 = vector.shape_cast %select_n3A_405 : vector<16xf32> to vector<16xf32>
        tpu.vector_store %arg8[%swap3A_406], %swap3A_409 {strides = array<i32>} : memref<128xf32, #tpu.memory_space<vmem>>, vector<16xf32>,
        %eq3A_410 = arith.cmpi eq, %add3A_71, %broadcast_in_dim3A_358 : vector<16xi32>
        %get3A_411 = arith.index_cast %squeeze3A : i32 to index
        %get3A_412 = arith.constant 32 : index
        %get3A_413 = tpu.vector_load %arg7[%get3A_411, %get3A_412] {strides = array<i32>} : memref<128x128xf32, #tpu.memory_space<vmem>>, vector<1x16xf32>,
        %get3A_414 = vector.shape_cast %get3A_413 : vector<1x16xf32> to vector<16xf32>
        %get3A_415 = arith.constant 32 : index
        %get3A_416 = tpu.vector_load %arg11[%get3A_415] {strides = array<i32>} : memref<128xf32, #tpu.memory_space<vmem>>, vector<16xf32>,
        %get3A_417 = vector.shape_cast %get3A_416 : vector<16xf32> to vector<16xf32>
        %and3A_418 = arith.andi %le3A, %eq3A_410 : vector<16xi1>
        %jit3A_419 = arith.constant 1.000000e+00 : f32
        %broadcast_in_dim3A_420 = vector.broadcast %jit3A_419 : f32 to vector<16xf32>
        %select_n3A_421 = arith.select %and3A_418, %broadcast_in_dim3A_420, %get3A_417 : vector<16xi1>, vector<16xf32>
        %swap3A_422 = arith.constant 32 : index
        %swap3A_423 = tpu.vector_load %arg11[%swap3A_422] {strides = array<i32>} : memref<128xf32, #tpu.memory_space<vmem>>, vector<16xf32>,
        %swap3A_424 = vector.shape_cast %swap3A_423 : vector<16xf32> to vector<16xf32>
        %swap3A_425 = vector.shape_cast %select_n3A_421 : vector<16xf32> to vector<16xf32>
        tpu.vector_store %arg11[%swap3A_422], %swap3A_425 {strides = array<i32>} : memref<128xf32, #tpu.memory_space<vmem>>, vector<16xf32>,
        %add3A_426 = arith.addf %get3A_207, %get3A_45 : vector<16xf32>
        %sub3A_427 = arith.subf %add3A_426, %get3A_414 : vector<16xf32>
        %jit3A_428 = arith.constant 0xFF800000 : f32
        %broadcast_in_dim3A_429 = vector.broadcast %jit3A_428 : f32 to vector<16xf32>
        %select_n3A_430 = arith.select %eq3A_410, %broadcast_in_dim3A_429, %sub3A_427 : vector<16xi1>, vector<16xf32>
        %select_n3A_431 = arith.select %le3A, %select_n3A_430, %get3A_207 : vector<16xi1>, vector<16xf32>
        %swap3A_432 = arith.constant 32 : index
        %swap3A_433 = tpu.vector_load %arg8[%swap3A_432] {strides = array<i32>} : memref<128xf32, #tpu.memory_space<vmem>>, vector<16xf32>,
        %swap3A_434 = vector.shape_cast %swap3A_433 : vector<16xf32> to vector<16xf32>
        %swap3A_435 = vector.shape_cast %select_n3A_431 : vector<16xf32> to vector<16xf32>
        tpu.vector_store %arg8[%swap3A_432], %swap3A_435 {strides = array<i32>} : memref<128xf32, #tpu.memory_space<vmem>>, vector<16xf32>,
        %eq3A_436 = arith.cmpi eq, %add3A_75, %broadcast_in_dim3A_358 : vector<16xi32>
        %get3A_437 = arith.index_cast %squeeze3A : i32 to index
        %get3A_438 = arith.constant 48 : index
        %get3A_439 = tpu.vector_load %arg7[%get3A_437, %get3A_438] {strides = array<i32>} : memref<128x128xf32, #tpu.memory_space<vmem>>, vector<1x16xf32>,
        %get3A_440 = vector.shape_cast %get3A_439 : vector<1x16xf32> to vector<16xf32>
        %get3A_441 = arith.constant 48 : index
        %get3A_442 = tpu.vector_load %arg11[%get3A_441] {strides = array<i32>} : memref<128xf32, #tpu.memory_space<vmem>>, vector<16xf32>,
        %get3A_443 = vector.shape_cast %get3A_442 : vector<16xf32> to vector<16xf32>
        %and3A_444 = arith.andi %le3A, %eq3A_436 : vector<16xi1>
        %jit3A_445 = arith.constant 1.000000e+00 : f32
        %broadcast_in_dim3A_446 = vector.broadcast %jit3A_445 : f32 to vector<16xf32>
        %select_n3A_447 = arith.select %and3A_444, %broadcast_in_dim3A_446, %get3A_443 : vector<16xi1>, vector<16xf32>
        %swap3A_448 = arith.constant 48 : index
        %swap3A_449 = tpu.vector_load %arg11[%swap3A_448] {strides = array<i32>} : memref<128xf32, #tpu.memory_space<vmem>>, vector<16xf32>,
        %swap3A_450 = vector.shape_cast %swap3A_449 : vector<16xf32> to vector<16xf32>
        %swap3A_451 = vector.shape_cast %select_n3A_447 : vector<16xf32> to vector<16xf32>
        tpu.vector_store %arg11[%swap3A_448], %swap3A_451 {strides = array<i32>} : memref<128xf32, #tpu.memory_space<vmem>>, vector<16xf32>,
        %add3A_452 = arith.addf %get3A_210, %get3A_48 : vector<16xf32>
        %sub3A_453 = arith.subf %add3A_452, %get3A_440 : vector<16xf32>
        %jit3A_454 = arith.constant 0xFF800000 : f32
        %broadcast_in_dim3A_455 = vector.broadcast %jit3A_454 : f32 to vector<16xf32>
        %select_n3A_456 = arith.select %eq3A_436, %broadcast_in_dim3A_455, %sub3A_453 : vector<16xi1>, vector<16xf32>
        %select_n3A_457 = arith.select %le3A, %select_n3A_456, %get3A_210 : vector<16xi1>, vector<16xf32>
        %swap3A_458 = arith.constant 48 : index
        %swap3A_459 = tpu.vector_load %arg8[%swap3A_458] {strides = array<i32>} : memref<128xf32, #tpu.memory_space<vmem>>, vector<16xf32>,
        %swap3A_460 = vector.shape_cast %swap3A_459 : vector<16xf32> to vector<16xf32>
        %swap3A_461 = vector.shape_cast %select_n3A_457 : vector<16xf32> to vector<16xf32>
        tpu.vector_store %arg8[%swap3A_458], %swap3A_461 {strides = array<i32>} : memref<128xf32, #tpu.memory_space<vmem>>, vector<16xf32>,
        %eq3A_462 = arith.cmpi eq, %add3A_79, %broadcast_in_dim3A_358 : vector<16xi32>
        %get3A_463 = arith.index_cast %squeeze3A : i32 to index
        %get3A_464 = arith.constant 64 : index
        %get3A_465 = tpu.vector_load %arg7[%get3A_463, %get3A_464] {strides = array<i32>} : memref<128x128xf32, #tpu.memory_space<vmem>>, vector<1x16xf32>,
        %get3A_466 = vector.shape_cast %get3A_465 : vector<1x16xf32> to vector<16xf32>
        %get3A_467 = arith.constant 64 : index
        %get3A_468 = tpu.vector_load %arg11[%get3A_467] {strides = array<i32>} : memref<128xf32, #tpu.memory_space<vmem>>, vector<16xf32>,
        %get3A_469 = vector.shape_cast %get3A_468 : vector<16xf32> to vector<16xf32>
        %and3A_470 = arith.andi %le3A, %eq3A_462 : vector<16xi1>
        %jit3A_471 = arith.constant 1.000000e+00 : f32
        %broadcast_in_dim3A_472 = vector.broadcast %jit3A_471 : f32 to vector<16xf32>
        %select_n3A_473 = arith.select %and3A_470, %broadcast_in_dim3A_472, %get3A_469 : vector<16xi1>, vector<16xf32>
        %swap3A_474 = arith.constant 64 : index
        %swap3A_475 = tpu.vector_load %arg11[%swap3A_474] {strides = array<i32>} : memref<128xf32, #tpu.memory_space<vmem>>, vector<16xf32>,
        %swap3A_476 = vector.shape_cast %swap3A_475 : vector<16xf32> to vector<16xf32>
        %swap3A_477 = vector.shape_cast %select_n3A_473 : vector<16xf32> to vector<16xf32>
        tpu.vector_store %arg11[%swap3A_474], %swap3A_477 {strides = array<i32>} : memref<128xf32, #tpu.memory_space<vmem>>, vector<16xf32>,
        %add3A_478 = arith.addf %get3A_213, %get3A_51 : vector<16xf32>
        %sub3A_479 = arith.subf %add3A_478, %get3A_466 : vector<16xf32>
        %jit3A_480 = arith.constant 0xFF800000 : f32
        %broadcast_in_dim3A_481 = vector.broadcast %jit3A_480 : f32 to vector<16xf32>
        %select_n3A_482 = arith.select %eq3A_462, %broadcast_in_dim3A_481, %sub3A_479 : vector<16xi1>, vector<16xf32>
        %select_n3A_483 = arith.select %le3A, %select_n3A_482, %get3A_213 : vector<16xi1>, vector<16xf32>
        %swap3A_484 = arith.constant 64 : index
        %swap3A_485 = tpu.vector_load %arg8[%swap3A_484] {strides = array<i32>} : memref<128xf32, #tpu.memory_space<vmem>>, vector<16xf32>,
        %swap3A_486 = vector.shape_cast %swap3A_485 : vector<16xf32> to vector<16xf32>
        %swap3A_487 = vector.shape_cast %select_n3A_483 : vector<16xf32> to vector<16xf32>
        tpu.vector_store %arg8[%swap3A_484], %swap3A_487 {strides = array<i32>} : memref<128xf32, #tpu.memory_space<vmem>>, vector<16xf32>,
        %eq3A_488 = arith.cmpi eq, %add3A_83, %broadcast_in_dim3A_358 : vector<16xi32>
        %get3A_489 = arith.index_cast %squeeze3A : i32 to index
        %get3A_490 = arith.constant 80 : index
        %get3A_491 = tpu.vector_load %arg7[%get3A_489, %get3A_490] {strides = array<i32>} : memref<128x128xf32, #tpu.memory_space<vmem>>, vector<1x16xf32>,
        %get3A_492 = vector.shape_cast %get3A_491 : vector<1x16xf32> to vector<16xf32>
        %get3A_493 = arith.constant 80 : index
        %get3A_494 = tpu.vector_load %arg11[%get3A_493] {strides = array<i32>} : memref<128xf32, #tpu.memory_space<vmem>>, vector<16xf32>,
        %get3A_495 = vector.shape_cast %get3A_494 : vector<16xf32> to vector<16xf32>
        %and3A_496 = arith.andi %le3A, %eq3A_488 : vector<16xi1>
        %jit3A_497 = arith.constant 1.000000e+00 : f32
        %broadcast_in_dim3A_498 = vector.broadcast %jit3A_497 : f32 to vector<16xf32>
        %select_n3A_499 = arith.select %and3A_496, %broadcast_in_dim3A_498, %get3A_495 : vector<16xi1>, vector<16xf32>
        %swap3A_500 = arith.constant 80 : index
        %swap3A_501 = tpu.vector_load %arg11[%swap3A_500] {strides = array<i32>} : memref<128xf32, #tpu.memory_space<vmem>>, vector<16xf32>,
        %swap3A_502 = vector.shape_cast %swap3A_501 : vector<16xf32> to vector<16xf32>
        %swap3A_503 = vector.shape_cast %select_n3A_499 : vector<16xf32> to vector<16xf32>
        tpu.vector_store %arg11[%swap3A_500], %swap3A_503 {strides = array<i32>} : memref<128xf32, #tpu.memory_space<vmem>>, vector<16xf32>,
        %add3A_504 = arith.addf %get3A_216, %get3A_54 : vector<16xf32>
        %sub3A_505 = arith.subf %add3A_504, %get3A_492 : vector<16xf32>
        %jit3A_506 = arith.constant 0xFF800000 : f32
        %broadcast_in_dim3A_507 = vector.broadcast %jit3A_506 : f32 to vector<16xf32>
        %select_n3A_508 = arith.select %eq3A_488, %broadcast_in_dim3A_507, %sub3A_505 : vector<16xi1>, vector<16xf32>
        %select_n3A_509 = arith.select %le3A, %select_n3A_508, %get3A_216 : vector<16xi1>, vector<16xf32>
        %swap3A_510 = arith.constant 80 : index
        %swap3A_511 = tpu.vector_load %arg8[%swap3A_510] {strides = array<i32>} : memref<128xf32, #tpu.memory_space<vmem>>, vector<16xf32>,
        %swap3A_512 = vector.shape_cast %swap3A_511 : vector<16xf32> to vector<16xf32>
        %swap3A_513 = vector.shape_cast %select_n3A_509 : vector<16xf32> to vector<16xf32>
        tpu.vector_store %arg8[%swap3A_510], %swap3A_513 {strides = array<i32>} : memref<128xf32, #tpu.memory_space<vmem>>, vector<16xf32>,
        %eq3A_514 = arith.cmpi eq, %add3A_87, %broadcast_in_dim3A_358 : vector<16xi32>
        %get3A_515 = arith.index_cast %squeeze3A : i32 to index
        %get3A_516 = arith.constant 96 : index
        %get3A_517 = tpu.vector_load %arg7[%get3A_515, %get3A_516] {strides = array<i32>} : memref<128x128xf32, #tpu.memory_space<vmem>>, vector<1x16xf32>,
        %get3A_518 = vector.shape_cast %get3A_517 : vector<1x16xf32> to vector<16xf32>
        %get3A_519 = arith.constant 96 : index
        %get3A_520 = tpu.vector_load %arg11[%get3A_519] {strides = array<i32>} : memref<128xf32, #tpu.memory_space<vmem>>, vector<16xf32>,
        %get3A_521 = vector.shape_cast %get3A_520 : vector<16xf32> to vector<16xf32>
        %and3A_522 = arith.andi %le3A, %eq3A_514 : vector<16xi1>
        %jit3A_523 = arith.constant 1.000000e+00 : f32
        %broadcast_in_dim3A_524 = vector.broadcast %jit3A_523 : f32 to vector<16xf32>
        %select_n3A_525 = arith.select %and3A_522, %broadcast_in_dim3A_524, %get3A_521 : vector<16xi1>, vector<16xf32>
        %swap3A_526 = arith.constant 96 : index
        %swap3A_527 = tpu.vector_load %arg11[%swap3A_526] {strides = array<i32>} : memref<128xf32, #tpu.memory_space<vmem>>, vector<16xf32>,
        %swap3A_528 = vector.shape_cast %swap3A_527 : vector<16xf32> to vector<16xf32>
        %swap3A_529 = vector.shape_cast %select_n3A_525 : vector<16xf32> to vector<16xf32>
        tpu.vector_store %arg11[%swap3A_526], %swap3A_529 {strides = array<i32>} : memref<128xf32, #tpu.memory_space<vmem>>, vector<16xf32>,
        %add3A_530 = arith.addf %get3A_219, %get3A_57 : vector<16xf32>
        %sub3A_531 = arith.subf %add3A_530, %get3A_518 : vector<16xf32>
        %jit3A_532 = arith.constant 0xFF800000 : f32
        %broadcast_in_dim3A_533 = vector.broadcast %jit3A_532 : f32 to vector<16xf32>
        %select_n3A_534 = arith.select %eq3A_514, %broadcast_in_dim3A_533, %sub3A_531 : vector<16xi1>, vector<16xf32>
        %select_n3A_535 = arith.select %le3A, %select_n3A_534, %get3A_219 : vector<16xi1>, vector<16xf32>
        %swap3A_536 = arith.constant 96 : index
        %swap3A_537 = tpu.vector_load %arg8[%swap3A_536] {strides = array<i32>} : memref<128xf32, #tpu.memory_space<vmem>>, vector<16xf32>,
        %swap3A_538 = vector.shape_cast %swap3A_537 : vector<16xf32> to vector<16xf32>
        %swap3A_539 = vector.shape_cast %select_n3A_535 : vector<16xf32> to vector<16xf32>
        tpu.vector_store %arg8[%swap3A_536], %swap3A_539 {strides = array<i32>} : memref<128xf32, #tpu.memory_space<vmem>>, vector<16xf32>,
        %eq3A_540 = arith.cmpi eq, %add3A_91, %broadcast_in_dim3A_358 : vector<16xi32>
        %get3A_541 = arith.index_cast %squeeze3A : i32 to index
        %get3A_542 = arith.constant 112 : index
        %get3A_543 = tpu.vector_load %arg7[%get3A_541, %get3A_542] {strides = array<i32>} : memref<128x128xf32, #tpu.memory_space<vmem>>, vector<1x16xf32>,
        %get3A_544 = vector.shape_cast %get3A_543 : vector<1x16xf32> to vector<16xf32>
        %get3A_545 = arith.constant 112 : index
        %get3A_546 = tpu.vector_load %arg11[%get3A_545] {strides = array<i32>} : memref<128xf32, #tpu.memory_space<vmem>>, vector<16xf32>,
        %get3A_547 = vector.shape_cast %get3A_546 : vector<16xf32> to vector<16xf32>
        %and3A_548 = arith.andi %le3A, %eq3A_540 : vector<16xi1>
        %jit3A_549 = arith.constant 1.000000e+00 : f32
        %broadcast_in_dim3A_550 = vector.broadcast %jit3A_549 : f32 to vector<16xf32>
        %select_n3A_551 = arith.select %and3A_548, %broadcast_in_dim3A_550, %get3A_547 : vector<16xi1>, vector<16xf32>
        %swap3A_552 = arith.constant 112 : index
        %swap3A_553 = tpu.vector_load %arg11[%swap3A_552] {strides = array<i32>} : memref<128xf32, #tpu.memory_space<vmem>>, vector<16xf32>,
        %swap3A_554 = vector.shape_cast %swap3A_553 : vector<16xf32> to vector<16xf32>
        %swap3A_555 = vector.shape_cast %select_n3A_551 : vector<16xf32> to vector<16xf32>
        tpu.vector_store %arg11[%swap3A_552], %swap3A_555 {strides = array<i32>} : memref<128xf32, #tpu.memory_space<vmem>>, vector<16xf32>,
        %add3A_556 = arith.addf %get3A_222, %get3A_60 : vector<16xf32>
        %sub3A_557 = arith.subf %add3A_556, %get3A_544 : vector<16xf32>
        %jit3A_558 = arith.constant 0xFF800000 : f32
        %broadcast_in_dim3A_559 = vector.broadcast %jit3A_558 : f32 to vector<16xf32>
        %select_n3A_560 = arith.select %eq3A_540, %broadcast_in_dim3A_559, %sub3A_557 : vector<16xi1>, vector<16xf32>
        %select_n3A_561 = arith.select %le3A, %select_n3A_560, %get3A_222 : vector<16xi1>, vector<16xf32>
        %swap3A_562 = arith.constant 112 : index
        %swap3A_563 = tpu.vector_load %arg8[%swap3A_562] {strides = array<i32>} : memref<128xf32, #tpu.memory_space<vmem>>, vector<16xf32>,
        %swap3A_564 = vector.shape_cast %swap3A_563 : vector<16xf32> to vector<16xf32>
        %swap3A_565 = vector.shape_cast %select_n3A_561 : vector<16xf32> to vector<16xf32>
        tpu.vector_store %arg8[%swap3A_562], %swap3A_565 {strides = array<i32>} : memref<128xf32, #tpu.memory_space<vmem>>, vector<16xf32>,
        %scan3A_566 = arith.constant 1 : i32
        %scan3A_567 = arith.addi %scan3A_195, %scan3A_566 : i32
        %add3A_568 = arith.constant 1 : i32
        %add3A_569 = arith.addi %scan3A_567, %add3A_568 : i32
        %convert_element_type3A_570 = arith.sitofp %add3A_569 : i32 to f32
        %get3A_571 = arith.constant 0 : index
        %get3A_572 = tpu.vector_load %arg8[%get3A_571] {strides = array<i32>} : memref<128xf32, #tpu.memory_space<vmem>>, vector<16xf32>,
        %get3A_573 = vector.shape_cast %get3A_572 : vector<16xf32> to vector<16xf32>
        %get3A_574 = arith.constant 16 : index
        %get3A_575 = tpu.vector_load %arg8[%get3A_574] {strides = array<i32>} : memref<128xf32, #tpu.memory_space<vmem>>, vector<16xf32>,
        %get3A_576 = vector.shape_cast %get3A_575 : vector<16xf32> to vector<16xf32>
        %get3A_577 = arith.constant 32 : index
        %get3A_578 = tpu.vector_load %arg8[%get3A_577] {strides = array<i32>} : memref<128xf32, #tpu.memory_space<vmem>>, vector<16xf32>,
        %get3A_579 = vector.shape_cast %get3A_578 : vector<16xf32> to vector<16xf32>
        %get3A_580 = arith.constant 48 : index
        %get3A_581 = tpu.vector_load %arg8[%get3A_580] {strides = array<i32>} : memref<128xf32, #tpu.memory_space<vmem>>, vector<16xf32>,
        %get3A_582 = vector.shape_cast %get3A_581 : vector<16xf32> to vector<16xf32>
        %get3A_583 = arith.constant 64 : index
        %get3A_584 = tpu.vector_load %arg8[%get3A_583] {strides = array<i32>} : memref<128xf32, #tpu.memory_space<vmem>>, vector<16xf32>,
        %get3A_585 = vector.shape_cast %get3A_584 : vector<16xf32> to vector<16xf32>
        %get3A_586 = arith.constant 80 : index
        %get3A_587 = tpu.vector_load %arg8[%get3A_586] {strides = array<i32>} : memref<128xf32, #tpu.memory_space<vmem>>, vector<16xf32>,
        %get3A_588 = vector.shape_cast %get3A_587 : vector<16xf32> to vector<16xf32>
        %get3A_589 = arith.constant 96 : index
        %get3A_590 = tpu.vector_load %arg8[%get3A_589] {strides = array<i32>} : memref<128xf32, #tpu.memory_space<vmem>>, vector<16xf32>,
        %get3A_591 = vector.shape_cast %get3A_590 : vector<16xf32> to vector<16xf32>
        %get3A_592 = arith.constant 112 : index
        %get3A_593 = tpu.vector_load %arg8[%get3A_592] {strides = array<i32>} : memref<128xf32, #tpu.memory_space<vmem>>, vector<16xf32>,
        %get3A_594 = vector.shape_cast %get3A_593 : vector<16xf32> to vector<16xf32>
        %max3A_595 = arith.maximumf %get3A_573, %get3A_576 : vector<16xf32>
        %max3A_596 = arith.maximumf %max3A_595, %get3A_579 : vector<16xf32>
        %max3A_597 = arith.maximumf %max3A_596, %get3A_582 : vector<16xf32>
        %max3A_598 = arith.maximumf %max3A_597, %get3A_585 : vector<16xf32>
        %max3A_599 = arith.maximumf %max3A_598, %get3A_588 : vector<16xf32>
        %max3A_600 = arith.maximumf %max3A_599, %get3A_591 : vector<16xf32>
        %max3A_601 = arith.maximumf %max3A_600, %get3A_594 : vector<16xf32>
        %lt3A_602 = arith.constant 0 : i32
        %lt3A_603 = vector.broadcast %lt3A_602 : i32 to vector<16xi32>
        %lt3A_604 = arith.cmpi slt, %select_n3A_111, %lt3A_603 : vector<16xi32>
        %add3A_605 = arith.constant 16 : i32
        %add3A_606 = vector.broadcast %add3A_605 : i32 to vector<16xi32>
        %add3A_607 = arith.addi %select_n3A_111, %add3A_606 : vector<16xi32>
        %select_n3A_608 = arith.select %lt3A_604, %add3A_607, %select_n3A_111 : vector<16xi1>, vector<16xi32>
        %broadcast_in_dim3A_609 = vector.shape_cast %select_n3A_608 : vector<16xi32> to vector<16x1xi32>
        %gather3A_610 = vector.shape_cast %broadcast_in_dim3A_609 : vector<16x1xi32> to vector<16xi32>
        %gather3A_611 = tpu.dynamic_gather %max3A_601[%gather3A_610] in [0] : vector<16xf32>, vector<16xi32> -> vector<16xf32>
        %max3A_612 = arith.maximumf %max3A_601, %gather3A_611 : vector<16xf32>
        %lt3A_613 = arith.constant 0 : i32
        %lt3A_614 = vector.broadcast %lt3A_613 : i32 to vector<16xi32>
        %lt3A_615 = arith.cmpi slt, %select_n3A_137, %lt3A_614 : vector<16xi32>
        %add3A_616 = arith.constant 16 : i32
        %add3A_617 = vector.broadcast %add3A_616 : i32 to vector<16xi32>
        %add3A_618 = arith.addi %select_n3A_137, %add3A_617 : vector<16xi32>
        %select_n3A_619 = arith.select %lt3A_615, %add3A_618, %select_n3A_137 : vector<16xi1>, vector<16xi32>
        %broadcast_in_dim3A_620 = vector.shape_cast %select_n3A_619 : vector<16xi32> to vector<16x1xi32>
        %gather3A_621 = vector.shape_cast %broadcast_in_dim3A_620 : vector<16x1xi32> to vector<16xi32>
        %gather3A_622 = tpu.dynamic_gather %max3A_612[%gather3A_621] in [0] : vector<16xf32>, vector<16xi32> -> vector<16xf32>
        %max3A_623 = arith.maximumf %max3A_612, %gather3A_622 : vector<16xf32>
        %lt3A_624 = arith.constant 0 : i32
        %lt3A_625 = vector.broadcast %lt3A_624 : i32 to vector<16xi32>
        %lt3A_626 = arith.cmpi slt, %select_n3A_163, %lt3A_625 : vector<16xi32>
        %add3A_627 = arith.constant 16 : i32
        %add3A_628 = vector.broadcast %add3A_627 : i32 to vector<16xi32>
        %add3A_629 = arith.addi %select_n3A_163, %add3A_628 : vector<16xi32>
        %select_n3A_630 = arith.select %lt3A_626, %add3A_629, %select_n3A_163 : vector<16xi1>, vector<16xi32>
        %broadcast_in_dim3A_631 = vector.shape_cast %select_n3A_630 : vector<16xi32> to vector<16x1xi32>
        %gather3A_632 = vector.shape_cast %broadcast_in_dim3A_631 : vector<16x1xi32> to vector<16xi32>
        %gather3A_633 = tpu.dynamic_gather %max3A_623[%gather3A_632] in [0] : vector<16xf32>, vector<16xi32> -> vector<16xf32>
        %max3A_634 = arith.maximumf %max3A_623, %gather3A_633 : vector<16xf32>
        %lt3A_635 = arith.constant 0 : i32
        %lt3A_636 = vector.broadcast %lt3A_635 : i32 to vector<16xi32>
        %lt3A_637 = arith.cmpi slt, %select_n3A_189, %lt3A_636 : vector<16xi32>
        %add3A_638 = arith.constant 16 : i32
        %add3A_639 = vector.broadcast %add3A_638 : i32 to vector<16xi32>
        %add3A_640 = arith.addi %select_n3A_189, %add3A_639 : vector<16xi32>
        %select_n3A_641 = arith.select %lt3A_637, %add3A_640, %select_n3A_189 : vector<16xi1>, vector<16xi32>
        %broadcast_in_dim3A_642 = vector.shape_cast %select_n3A_641 : vector<16xi32> to vector<16x1xi32>
        %gather3A_643 = vector.shape_cast %broadcast_in_dim3A_642 : vector<16x1xi32> to vector<16xi32>
        %gather3A_644 = tpu.dynamic_gather %max3A_634[%gather3A_643] in [0] : vector<16xf32>, vector<16xi32> -> vector<16xf32>
        %max3A_645 = arith.maximumf %max3A_634, %gather3A_644 : vector<16xf32>
        %broadcast_in_dim3A_646 = arith.constant 128 : i32
        %broadcast_in_dim3A_647 = vector.broadcast %broadcast_in_dim3A_646 : i32 to vector<16xi32>
        %eq3A_648 = arith.cmpf oeq, %get3A_573, %max3A_645 : vector<16xf32>
        %jit3A_649 = arith.constant 128 : i32
        %broadcast_in_dim3A_650 = vector.broadcast %jit3A_649 : i32 to vector<16xi32>
        %select_n3A_651 = arith.select %eq3A_648, %add3A_63, %broadcast_in_dim3A_650 : vector<16xi1>, vector<16xi32>
        %min3A_652 = arith.minsi %broadcast_in_dim3A_647, %select_n3A_651 : vector<16xi32>
        %eq3A_653 = arith.cmpf oeq, %get3A_576, %max3A_645 : vector<16xf32>
        %jit3A_654 = arith.constant 128 : i32
        %broadcast_in_dim3A_655 = vector.broadcast %jit3A_654 : i32 to vector<16xi32>
        %select_n3A_656 = arith.select %eq3A_653, %add3A_67, %broadcast_in_dim3A_655 : vector<16xi1>, vector<16xi32>
        %min3A_657 = arith.minsi %min3A_652, %select_n3A_656 : vector<16xi32>
        %eq3A_658 = arith.cmpf oeq, %get3A_579, %max3A_645 : vector<16xf32>
        %jit3A_659 = arith.constant 128 : i32
        %broadcast_in_dim3A_660 = vector.broadcast %jit3A_659 : i32 to vector<16xi32>
        %select_n3A_661 = arith.select %eq3A_658, %add3A_71, %broadcast_in_dim3A_660 : vector<16xi1>, vector<16xi32>
        %min3A_662 = arith.minsi %min3A_657, %select_n3A_661 : vector<16xi32>
        %eq3A_663 = arith.cmpf oeq, %get3A_582, %max3A_645 : vector<16xf32>
        %jit3A_664 = arith.constant 128 : i32
        %broadcast_in_dim3A_665 = vector.broadcast %jit3A_664 : i32 to vector<16xi32>
        %select_n3A_666 = arith.select %eq3A_663, %add3A_75, %broadcast_in_dim3A_665 : vector<16xi1>, vector<16xi32>
        %min3A_667 = arith.minsi %min3A_662, %select_n3A_666 : vector<16xi32>
        %eq3A_668 = arith.cmpf oeq, %get3A_585, %max3A_645 : vector<16xf32>
        %jit3A_669 = arith.constant 128 : i32
        %broadcast_in_dim3A_670 = vector.broadcast %jit3A_669 : i32 to vector<16xi32>
        %select_n3A_671 = arith.select %eq3A_668, %add3A_79, %broadcast_in_dim3A_670 : vector<16xi1>, vector<16xi32>
        %min3A_672 = arith.minsi %min3A_667, %select_n3A_671 : vector<16xi32>
        %eq3A_673 = arith.cmpf oeq, %get3A_588, %max3A_645 : vector<16xf32>
        %jit3A_674 = arith.constant 128 : i32
        %broadcast_in_dim3A_675 = vector.broadcast %jit3A_674 : i32 to vector<16xi32>
        %select_n3A_676 = arith.select %eq3A_673, %add3A_83, %broadcast_in_dim3A_675 : vector<16xi1>, vector<16xi32>
        %min3A_677 = arith.minsi %min3A_672, %select_n3A_676 : vector<16xi32>
        %eq3A_678 = arith.cmpf oeq, %get3A_591, %max3A_645 : vector<16xf32>
        %jit3A_679 = arith.constant 128 : i32
        %broadcast_in_dim3A_680 = vector.broadcast %jit3A_679 : i32 to vector<16xi32>
        %select_n3A_681 = arith.select %eq3A_678, %add3A_87, %broadcast_in_dim3A_680 : vector<16xi1>, vector<16xi32>
        %min3A_682 = arith.minsi %min3A_677, %select_n3A_681 : vector<16xi32>
        %eq3A_683 = arith.cmpf oeq, %get3A_594, %max3A_645 : vector<16xf32>
        %jit3A_684 = arith.constant 128 : i32
        %broadcast_in_dim3A_685 = vector.broadcast %jit3A_684 : i32 to vector<16xi32>
        %select_n3A_686 = arith.select %eq3A_683, %add3A_91, %broadcast_in_dim3A_685 : vector<16xi1>, vector<16xi32>
        %min3A_687 = arith.minsi %min3A_682, %select_n3A_686 : vector<16xi32>
        %lt3A_688 = arith.constant 0 : i32
        %lt3A_689 = vector.broadcast %lt3A_688 : i32 to vector<16xi32>
        %lt3A_690 = arith.cmpi slt, %select_n3A_111, %lt3A_689 : vector<16xi32>
        %add3A_691 = arith.constant 16 : i32
        %add3A_692 = vector.broadcast %add3A_691 : i32 to vector<16xi32>
        %add3A_693 = arith.addi %select_n3A_111, %add3A_692 : vector<16xi32>
        %select_n3A_694 = arith.select %lt3A_690, %add3A_693, %select_n3A_111 : vector<16xi1>, vector<16xi32>
        %broadcast_in_dim3A_695 = vector.shape_cast %select_n3A_694 : vector<16xi32> to vector<16x1xi32>
        %gather3A_696 = vector.shape_cast %broadcast_in_dim3A_695 : vector<16x1xi32> to vector<16xi32>
        %gather3A_697 = tpu.dynamic_gather %min3A_687[%gather3A_696] in [0] : vector<16xi32>, vector<16xi32> -> vector<16xi32>
        %min3A_698 = arith.minsi %min3A_687, %gather3A_697 : vector<16xi32>
        %lt3A_699 = arith.constant 0 : i32
        %lt3A_700 = vector.broadcast %lt3A_699 : i32 to vector<16xi32>
        %lt3A_701 = arith.cmpi slt, %select_n3A_137, %lt3A_700 : vector<16xi32>
        %add3A_702 = arith.constant 16 : i32
        %add3A_703 = vector.broadcast %add3A_702 : i32 to vector<16xi32>
        %add3A_704 = arith.addi %select_n3A_137, %add3A_703 : vector<16xi32>
        %select_n3A_705 = arith.select %lt3A_701, %add3A_704, %select_n3A_137 : vector<16xi1>, vector<16xi32>
        %broadcast_in_dim3A_706 = vector.shape_cast %select_n3A_705 : vector<16xi32> to vector<16x1xi32>
        %gather3A_707 = vector.shape_cast %broadcast_in_dim3A_706 : vector<16x1xi32> to vector<16xi32>
        %gather3A_708 = tpu.dynamic_gather %min3A_698[%gather3A_707] in [0] : vector<16xi32>, vector<16xi32> -> vector<16xi32>
        %min3A_709 = arith.minsi %min3A_698, %gather3A_708 : vector<16xi32>
        %lt3A_710 = arith.constant 0 : i32
        %lt3A_711 = vector.broadcast %lt3A_710 : i32 to vector<16xi32>
        %lt3A_712 = arith.cmpi slt, %select_n3A_163, %lt3A_711 : vector<16xi32>
        %add3A_713 = arith.constant 16 : i32
        %add3A_714 = vector.broadcast %add3A_713 : i32 to vector<16xi32>
        %add3A_715 = arith.addi %select_n3A_163, %add3A_714 : vector<16xi32>
        %select_n3A_716 = arith.select %lt3A_712, %add3A_715, %select_n3A_163 : vector<16xi1>, vector<16xi32>
        %broadcast_in_dim3A_717 = vector.shape_cast %select_n3A_716 : vector<16xi32> to vector<16x1xi32>
        %gather3A_718 = vector.shape_cast %broadcast_in_dim3A_717 : vector<16x1xi32> to vector<16xi32>
        %gather3A_719 = tpu.dynamic_gather %min3A_709[%gather3A_718] in [0] : vector<16xi32>, vector<16xi32> -> vector<16xi32>
        %min3A_720 = arith.minsi %min3A_709, %gather3A_719 : vector<16xi32>
        %lt3A_721 = arith.constant 0 : i32
        %lt3A_722 = vector.broadcast %lt3A_721 : i32 to vector<16xi32>
        %lt3A_723 = arith.cmpi slt, %select_n3A_189, %lt3A_722 : vector<16xi32>
        %add3A_724 = arith.constant 16 : i32
        %add3A_725 = vector.broadcast %add3A_724 : i32 to vector<16xi32>
        %add3A_726 = arith.addi %select_n3A_189, %add3A_725 : vector<16xi32>
        %select_n3A_727 = arith.select %lt3A_723, %add3A_726, %select_n3A_189 : vector<16xi1>, vector<16xi32>
        %broadcast_in_dim3A_728 = vector.shape_cast %select_n3A_727 : vector<16xi32> to vector<16x1xi32>
        %gather3A_729 = vector.shape_cast %broadcast_in_dim3A_728 : vector<16x1xi32> to vector<16xi32>
        %gather3A_730 = tpu.dynamic_gather %min3A_720[%gather3A_729] in [0] : vector<16xi32>, vector<16xi32> -> vector<16xi32>
        %min3A_731 = arith.minsi %min3A_720, %gather3A_730 : vector<16xi32>
        %slice3A_732 = vector.extract_strided_slice %min3A_731 {offsets = [0], sizes = [1], strides = [1]} : vector<16xi32> to vector<1xi32>
        %squeeze3A_733 = vector.extract %slice3A_732[0] : i32 from vector<1xi32>
        %broadcast_in_dim3A_734 = vector.broadcast %convert_element_type3A_570 : f32 to vector<16xf32>
        %le3A_735 = arith.cmpf ole, %broadcast_in_dim3A_734, %get3A_36 : vector<16xf32>
        %broadcast_in_dim3A_736 = vector.broadcast %squeeze3A_733 : i32 to vector<16xi32>
        %eq3A_737 = arith.cmpi eq, %add3A_63, %broadcast_in_dim3A_736 : vector<16xi32>
        %get3A_738 = arith.index_cast %squeeze3A_733 : i32 to index
        %get3A_739 = arith.constant 0 : index
        %get3A_740 = tpu.vector_load %arg7[%get3A_738, %get3A_739] {strides = array<i32>} : memref<128x128xf32, #tpu.memory_space<vmem>>, vector<1x16xf32>,
        %get3A_741 = vector.shape_cast %get3A_740 : vector<1x16xf32> to vector<16xf32>
        %get3A_742 = arith.constant 0 : index
        %get3A_743 = tpu.vector_load %arg11[%get3A_742] {strides = array<i32>} : memref<128xf32, #tpu.memory_space<vmem>>, vector<16xf32>,
        %get3A_744 = vector.shape_cast %get3A_743 : vector<16xf32> to vector<16xf32>
        %and3A_745 = arith.andi %le3A_735, %eq3A_737 : vector<16xi1>
        %jit3A_746 = arith.constant 1.000000e+00 : f32
        %broadcast_in_dim3A_747 = vector.broadcast %jit3A_746 : f32 to vector<16xf32>
        %select_n3A_748 = arith.select %and3A_745, %broadcast_in_dim3A_747, %get3A_744 : vector<16xi1>, vector<16xf32>
        %swap3A_749 = arith.constant 0 : index
        %swap3A_750 = tpu.vector_load %arg11[%swap3A_749] {strides = array<i32>} : memref<128xf32, #tpu.memory_space<vmem>>, vector<16xf32>,
        %swap3A_751 = vector.shape_cast %swap3A_750 : vector<16xf32> to vector<16xf32>
        %swap3A_752 = vector.shape_cast %select_n3A_748 : vector<16xf32> to vector<16xf32>
        tpu.vector_store %arg11[%swap3A_749], %swap3A_752 {strides = array<i32>} : memref<128xf32, #tpu.memory_space<vmem>>, vector<16xf32>,
        %add3A_753 = arith.addf %get3A_573, %get3A_39 : vector<16xf32>
        %sub3A_754 = arith.subf %add3A_753, %get3A_741 : vector<16xf32>
        %jit3A_755 = arith.constant 0xFF800000 : f32
        %broadcast_in_dim3A_756 = vector.broadcast %jit3A_755 : f32 to vector<16xf32>
        %select_n3A_757 = arith.select %eq3A_737, %broadcast_in_dim3A_756, %sub3A_754 : vector<16xi1>, vector<16xf32>
        %select_n3A_758 = arith.select %le3A_735, %select_n3A_757, %get3A_573 : vector<16xi1>, vector<16xf32>
        %swap3A_759 = arith.constant 0 : index
        %swap3A_760 = tpu.vector_load %arg8[%swap3A_759] {strides = array<i32>} : memref<128xf32, #tpu.memory_space<vmem>>, vector<16xf32>,
        %swap3A_761 = vector.shape_cast %swap3A_760 : vector<16xf32> to vector<16xf32>
        %swap3A_762 = vector.shape_cast %select_n3A_758 : vector<16xf32> to vector<16xf32>
        tpu.vector_store %arg8[%swap3A_759], %swap3A_762 {strides = array<i32>} : memref<128xf32, #tpu.memory_space<vmem>>, vector<16xf32>,
        %eq3A_763 = arith.cmpi eq, %add3A_67, %broadcast_in_dim3A_736 : vector<16xi32>
        %get3A_764 = arith.index_cast %squeeze3A_733 : i32 to index
        %get3A_765 = arith.constant 16 : index
        %get3A_766 = tpu.vector_load %arg7[%get3A_764, %get3A_765] {strides = array<i32>} : memref<128x128xf32, #tpu.memory_space<vmem>>, vector<1x16xf32>,
        %get3A_767 = vector.shape_cast %get3A_766 : vector<1x16xf32> to vector<16xf32>
        %get3A_768 = arith.constant 16 : index
        %get3A_769 = tpu.vector_load %arg11[%get3A_768] {strides = array<i32>} : memref<128xf32, #tpu.memory_space<vmem>>, vector<16xf32>,
        %get3A_770 = vector.shape_cast %get3A_769 : vector<16xf32> to vector<16xf32>
        %and3A_771 = arith.andi %le3A_735, %eq3A_763 : vector<16xi1>
        %jit3A_772 = arith.constant 1.000000e+00 : f32
        %broadcast_in_dim3A_773 = vector.broadcast %jit3A_772 : f32 to vector<16xf32>
        %select_n3A_774 = arith.select %and3A_771, %broadcast_in_dim3A_773, %get3A_770 : vector<16xi1>, vector<16xf32>
        %swap3A_775 = arith.constant 16 : index
        %swap3A_776 = tpu.vector_load %arg11[%swap3A_775] {strides = array<i32>} : memref<128xf32, #tpu.memory_space<vmem>>, vector<16xf32>,
        %swap3A_777 = vector.shape_cast %swap3A_776 : vector<16xf32> to vector<16xf32>
        %swap3A_778 = vector.shape_cast %select_n3A_774 : vector<16xf32> to vector<16xf32>
        tpu.vector_store %arg11[%swap3A_775], %swap3A_778 {strides = array<i32>} : memref<128xf32, #tpu.memory_space<vmem>>, vector<16xf32>,
        %add3A_779 = arith.addf %get3A_576, %get3A_42 : vector<16xf32>
        %sub3A_780 = arith.subf %add3A_779, %get3A_767 : vector<16xf32>
        %jit3A_781 = arith.constant 0xFF800000 : f32
        %broadcast_in_dim3A_782 = vector.broadcast %jit3A_781 : f32 to vector<16xf32>
        %select_n3A_783 = arith.select %eq3A_763, %broadcast_in_dim3A_782, %sub3A_780 : vector<16xi1>, vector<16xf32>
        %select_n3A_784 = arith.select %le3A_735, %select_n3A_783, %get3A_576 : vector<16xi1>, vector<16xf32>
        %swap3A_785 = arith.constant 16 : index
        %swap3A_786 = tpu.vector_load %arg8[%swap3A_785] {strides = array<i32>} : memref<128xf32, #tpu.memory_space<vmem>>, vector<16xf32>,
        %swap3A_787 = vector.shape_cast %swap3A_786 : vector<16xf32> to vector<16xf32>
        %swap3A_788 = vector.shape_cast %select_n3A_784 : vector<16xf32> to vector<16xf32>
        tpu.vector_store %arg8[%swap3A_785], %swap3A_788 {strides = array<i32>} : memref<128xf32, #tpu.memory_space<vmem>>, vector<16xf32>,
        %eq3A_789 = arith.cmpi eq, %add3A_71, %broadcast_in_dim3A_736 : vector<16xi32>
        %get3A_790 = arith.index_cast %squeeze3A_733 : i32 to index
        %get3A_791 = arith.constant 32 : index
        %get3A_792 = tpu.vector_load %arg7[%get3A_790, %get3A_791] {strides = array<i32>} : memref<128x128xf32, #tpu.memory_space<vmem>>, vector<1x16xf32>,
        %get3A_793 = vector.shape_cast %get3A_792 : vector<1x16xf32> to vector<16xf32>
        %get3A_794 = arith.constant 32 : index
        %get3A_795 = tpu.vector_load %arg11[%get3A_794] {strides = array<i32>} : memref<128xf32, #tpu.memory_space<vmem>>, vector<16xf32>,
        %get3A_796 = vector.shape_cast %get3A_795 : vector<16xf32> to vector<16xf32>
        %and3A_797 = arith.andi %le3A_735, %eq3A_789 : vector<16xi1>
        %jit3A_798 = arith.constant 1.000000e+00 : f32
        %broadcast_in_dim3A_799 = vector.broadcast %jit3A_798 : f32 to vector<16xf32>
        %select_n3A_800 = arith.select %and3A_797, %broadcast_in_dim3A_799, %get3A_796 : vector<16xi1>, vector<16xf32>
        %swap3A_801 = arith.constant 32 : index
        %swap3A_802 = tpu.vector_load %arg11[%swap3A_801] {strides = array<i32>} : memref<128xf32, #tpu.memory_space<vmem>>, vector<16xf32>,
        %swap3A_803 = vector.shape_cast %swap3A_802 : vector<16xf32> to vector<16xf32>
        %swap3A_804 = vector.shape_cast %select_n3A_800 : vector<16xf32> to vector<16xf32>
        tpu.vector_store %arg11[%swap3A_801], %swap3A_804 {strides = array<i32>} : memref<128xf32, #tpu.memory_space<vmem>>, vector<16xf32>,
        %add3A_805 = arith.addf %get3A_579, %get3A_45 : vector<16xf32>
        %sub3A_806 = arith.subf %add3A_805, %get3A_793 : vector<16xf32>
        %jit3A_807 = arith.constant 0xFF800000 : f32
        %broadcast_in_dim3A_808 = vector.broadcast %jit3A_807 : f32 to vector<16xf32>
        %select_n3A_809 = arith.select %eq3A_789, %broadcast_in_dim3A_808, %sub3A_806 : vector<16xi1>, vector<16xf32>
        %select_n3A_810 = arith.select %le3A_735, %select_n3A_809, %get3A_579 : vector<16xi1>, vector<16xf32>
        %swap3A_811 = arith.constant 32 : index
        %swap3A_812 = tpu.vector_load %arg8[%swap3A_811] {strides = array<i32>} : memref<128xf32, #tpu.memory_space<vmem>>, vector<16xf32>,
        %swap3A_813 = vector.shape_cast %swap3A_812 : vector<16xf32> to vector<16xf32>
        %swap3A_814 = vector.shape_cast %select_n3A_810 : vector<16xf32> to vector<16xf32>
        tpu.vector_store %arg8[%swap3A_811], %swap3A_814 {strides = array<i32>} : memref<128xf32, #tpu.memory_space<vmem>>, vector<16xf32>,
        %eq3A_815 = arith.cmpi eq, %add3A_75, %broadcast_in_dim3A_736 : vector<16xi32>
        %get3A_816 = arith.index_cast %squeeze3A_733 : i32 to index
        %get3A_817 = arith.constant 48 : index
        %get3A_818 = tpu.vector_load %arg7[%get3A_816, %get3A_817] {strides = array<i32>} : memref<128x128xf32, #tpu.memory_space<vmem>>, vector<1x16xf32>,
        %get3A_819 = vector.shape_cast %get3A_818 : vector<1x16xf32> to vector<16xf32>
        %get3A_820 = arith.constant 48 : index
        %get3A_821 = tpu.vector_load %arg11[%get3A_820] {strides = array<i32>} : memref<128xf32, #tpu.memory_space<vmem>>, vector<16xf32>,
        %get3A_822 = vector.shape_cast %get3A_821 : vector<16xf32> to vector<16xf32>
        %and3A_823 = arith.andi %le3A_735, %eq3A_815 : vector<16xi1>
        %jit3A_824 = arith.constant 1.000000e+00 : f32
        %broadcast_in_dim3A_825 = vector.broadcast %jit3A_824 : f32 to vector<16xf32>
        %select_n3A_826 = arith.select %and3A_823, %broadcast_in_dim3A_825, %get3A_822 : vector<16xi1>, vector<16xf32>
        %swap3A_827 = arith.constant 48 : index
        %swap3A_828 = tpu.vector_load %arg11[%swap3A_827] {strides = array<i32>} : memref<128xf32, #tpu.memory_space<vmem>>, vector<16xf32>,
        %swap3A_829 = vector.shape_cast %swap3A_828 : vector<16xf32> to vector<16xf32>
        %swap3A_830 = vector.shape_cast %select_n3A_826 : vector<16xf32> to vector<16xf32>
        tpu.vector_store %arg11[%swap3A_827], %swap3A_830 {strides = array<i32>} : memref<128xf32, #tpu.memory_space<vmem>>, vector<16xf32>,
        %add3A_831 = arith.addf %get3A_582, %get3A_48 : vector<16xf32>
        %sub3A_832 = arith.subf %add3A_831, %get3A_819 : vector<16xf32>
        %jit3A_833 = arith.constant 0xFF800000 : f32
        %broadcast_in_dim3A_834 = vector.broadcast %jit3A_833 : f32 to vector<16xf32>
        %select_n3A_835 = arith.select %eq3A_815, %broadcast_in_dim3A_834, %sub3A_832 : vector<16xi1>, vector<16xf32>
        %select_n3A_836 = arith.select %le3A_735, %select_n3A_835, %get3A_582 : vector<16xi1>, vector<16xf32>
        %swap3A_837 = arith.constant 48 : index
        %swap3A_838 = tpu.vector_load %arg8[%swap3A_837] {strides = array<i32>} : memref<128xf32, #tpu.memory_space<vmem>>, vector<16xf32>,
        %swap3A_839 = vector.shape_cast %swap3A_838 : vector<16xf32> to vector<16xf32>
        %swap3A_840 = vector.shape_cast %select_n3A_836 : vector<16xf32> to vector<16xf32>
        tpu.vector_store %arg8[%swap3A_837], %swap3A_840 {strides = array<i32>} : memref<128xf32, #tpu.memory_space<vmem>>, vector<16xf32>,
        %eq3A_841 = arith.cmpi eq, %add3A_79, %broadcast_in_dim3A_736 : vector<16xi32>
        %get3A_842 = arith.index_cast %squeeze3A_733 : i32 to index
        %get3A_843 = arith.constant 64 : index
        %get3A_844 = tpu.vector_load %arg7[%get3A_842, %get3A_843] {strides = array<i32>} : memref<128x128xf32, #tpu.memory_space<vmem>>, vector<1x16xf32>,
        %get3A_845 = vector.shape_cast %get3A_844 : vector<1x16xf32> to vector<16xf32>
        %get3A_846 = arith.constant 64 : index
        %get3A_847 = tpu.vector_load %arg11[%get3A_846] {strides = array<i32>} : memref<128xf32, #tpu.memory_space<vmem>>, vector<16xf32>,
        %get3A_848 = vector.shape_cast %get3A_847 : vector<16xf32> to vector<16xf32>
        %and3A_849 = arith.andi %le3A_735, %eq3A_841 : vector<16xi1>
        %jit3A_850 = arith.constant 1.000000e+00 : f32
        %broadcast_in_dim3A_851 = vector.broadcast %jit3A_850 : f32 to vector<16xf32>
        %select_n3A_852 = arith.select %and3A_849, %broadcast_in_dim3A_851, %get3A_848 : vector<16xi1>, vector<16xf32>
        %swap3A_853 = arith.constant 64 : index
        %swap3A_854 = tpu.vector_load %arg11[%swap3A_853] {strides = array<i32>} : memref<128xf32, #tpu.memory_space<vmem>>, vector<16xf32>,
        %swap3A_855 = vector.shape_cast %swap3A_854 : vector<16xf32> to vector<16xf32>
        %swap3A_856 = vector.shape_cast %select_n3A_852 : vector<16xf32> to vector<16xf32>
        tpu.vector_store %arg11[%swap3A_853], %swap3A_856 {strides = array<i32>} : memref<128xf32, #tpu.memory_space<vmem>>, vector<16xf32>,
        %add3A_857 = arith.addf %get3A_585, %get3A_51 : vector<16xf32>
        %sub3A_858 = arith.subf %add3A_857, %get3A_845 : vector<16xf32>
        %jit3A_859 = arith.constant 0xFF800000 : f32
        %broadcast_in_dim3A_860 = vector.broadcast %jit3A_859 : f32 to vector<16xf32>
        %select_n3A_861 = arith.select %eq3A_841, %broadcast_in_dim3A_860, %sub3A_858 : vector<16xi1>, vector<16xf32>
        %select_n3A_862 = arith.select %le3A_735, %select_n3A_861, %get3A_585 : vector<16xi1>, vector<16xf32>
        %swap3A_863 = arith.constant 64 : index
        %swap3A_864 = tpu.vector_load %arg8[%swap3A_863] {strides = array<i32>} : memref<128xf32, #tpu.memory_space<vmem>>, vector<16xf32>,
        %swap3A_865 = vector.shape_cast %swap3A_864 : vector<16xf32> to vector<16xf32>
        %swap3A_866 = vector.shape_cast %select_n3A_862 : vector<16xf32> to vector<16xf32>
        tpu.vector_store %arg8[%swap3A_863], %swap3A_866 {strides = array<i32>} : memref<128xf32, #tpu.memory_space<vmem>>, vector<16xf32>,
        %eq3A_867 = arith.cmpi eq, %add3A_83, %broadcast_in_dim3A_736 : vector<16xi32>
        %get3A_868 = arith.index_cast %squeeze3A_733 : i32 to index
        %get3A_869 = arith.constant 80 : index
        %get3A_870 = tpu.vector_load %arg7[%get3A_868, %get3A_869] {strides = array<i32>} : memref<128x128xf32, #tpu.memory_space<vmem>>, vector<1x16xf32>,
        %get3A_871 = vector.shape_cast %get3A_870 : vector<1x16xf32> to vector<16xf32>
        %get3A_872 = arith.constant 80 : index
        %get3A_873 = tpu.vector_load %arg11[%get3A_872] {strides = array<i32>} : memref<128xf32, #tpu.memory_space<vmem>>, vector<16xf32>,
        %get3A_874 = vector.shape_cast %get3A_873 : vector<16xf32> to vector<16xf32>
        %and3A_875 = arith.andi %le3A_735, %eq3A_867 : vector<16xi1>
        %jit3A_876 = arith.constant 1.000000e+00 : f32
        %broadcast_in_dim3A_877 = vector.broadcast %jit3A_876 : f32 to vector<16xf32>
        %select_n3A_878 = arith.select %and3A_875, %broadcast_in_dim3A_877, %get3A_874 : vector<16xi1>, vector<16xf32>
        %swap3A_879 = arith.constant 80 : index
        %swap3A_880 = tpu.vector_load %arg11[%swap3A_879] {strides = array<i32>} : memref<128xf32, #tpu.memory_space<vmem>>, vector<16xf32>,
        %swap3A_881 = vector.shape_cast %swap3A_880 : vector<16xf32> to vector<16xf32>
        %swap3A_882 = vector.shape_cast %select_n3A_878 : vector<16xf32> to vector<16xf32>
        tpu.vector_store %arg11[%swap3A_879], %swap3A_882 {strides = array<i32>} : memref<128xf32, #tpu.memory_space<vmem>>, vector<16xf32>,
        %add3A_883 = arith.addf %get3A_588, %get3A_54 : vector<16xf32>
        %sub3A_884 = arith.subf %add3A_883, %get3A_871 : vector<16xf32>
        %jit3A_885 = arith.constant 0xFF800000 : f32
        %broadcast_in_dim3A_886 = vector.broadcast %jit3A_885 : f32 to vector<16xf32>
        %select_n3A_887 = arith.select %eq3A_867, %broadcast_in_dim3A_886, %sub3A_884 : vector<16xi1>, vector<16xf32>
        %select_n3A_888 = arith.select %le3A_735, %select_n3A_887, %get3A_588 : vector<16xi1>, vector<16xf32>
        %swap3A_889 = arith.constant 80 : index
        %swap3A_890 = tpu.vector_load %arg8[%swap3A_889] {strides = array<i32>} : memref<128xf32, #tpu.memory_space<vmem>>, vector<16xf32>,
        %swap3A_891 = vector.shape_cast %swap3A_890 : vector<16xf32> to vector<16xf32>
        %swap3A_892 = vector.shape_cast %select_n3A_888 : vector<16xf32> to vector<16xf32>
        tpu.vector_store %arg8[%swap3A_889], %swap3A_892 {strides = array<i32>} : memref<128xf32, #tpu.memory_space<vmem>>, vector<16xf32>,
        %eq3A_893 = arith.cmpi eq, %add3A_87, %broadcast_in_dim3A_736 : vector<16xi32>
        %get3A_894 = arith.index_cast %squeeze3A_733 : i32 to index
        %get3A_895 = arith.constant 96 : index
        %get3A_896 = tpu.vector_load %arg7[%get3A_894, %get3A_895] {strides = array<i32>} : memref<128x128xf32, #tpu.memory_space<vmem>>, vector<1x16xf32>,
        %get3A_897 = vector.shape_cast %get3A_896 : vector<1x16xf32> to vector<16xf32>
        %get3A_898 = arith.constant 96 : index
        %get3A_899 = tpu.vector_load %arg11[%get3A_898] {strides = array<i32>} : memref<128xf32, #tpu.memory_space<vmem>>, vector<16xf32>,
        %get3A_900 = vector.shape_cast %get3A_899 : vector<16xf32> to vector<16xf32>
        %and3A_901 = arith.andi %le3A_735, %eq3A_893 : vector<16xi1>
        %jit3A_902 = arith.constant 1.000000e+00 : f32
        %broadcast_in_dim3A_903 = vector.broadcast %jit3A_902 : f32 to vector<16xf32>
        %select_n3A_904 = arith.select %and3A_901, %broadcast_in_dim3A_903, %get3A_900 : vector<16xi1>, vector<16xf32>
        %swap3A_905 = arith.constant 96 : index
        %swap3A_906 = tpu.vector_load %arg11[%swap3A_905] {strides = array<i32>} : memref<128xf32, #tpu.memory_space<vmem>>, vector<16xf32>,
        %swap3A_907 = vector.shape_cast %swap3A_906 : vector<16xf32> to vector<16xf32>
        %swap3A_908 = vector.shape_cast %select_n3A_904 : vector<16xf32> to vector<16xf32>
        tpu.vector_store %arg11[%swap3A_905], %swap3A_908 {strides = array<i32>} : memref<128xf32, #tpu.memory_space<vmem>>, vector<16xf32>,
        %add3A_909 = arith.addf %get3A_591, %get3A_57 : vector<16xf32>
        %sub3A_910 = arith.subf %add3A_909, %get3A_897 : vector<16xf32>
        %jit3A_911 = arith.constant 0xFF800000 : f32
        %broadcast_in_dim3A_912 = vector.broadcast %jit3A_911 : f32 to vector<16xf32>
        %select_n3A_913 = arith.select %eq3A_893, %broadcast_in_dim3A_912, %sub3A_910 : vector<16xi1>, vector<16xf32>
        %select_n3A_914 = arith.select %le3A_735, %select_n3A_913, %get3A_591 : vector<16xi1>, vector<16xf32>
        %swap3A_915 = arith.constant 96 : index
        %swap3A_916 = tpu.vector_load %arg8[%swap3A_915] {strides = array<i32>} : memref<128xf32, #tpu.memory_space<vmem>>, vector<16xf32>,
        %swap3A_917 = vector.shape_cast %swap3A_916 : vector<16xf32> to vector<16xf32>
        %swap3A_918 = vector.shape_cast %select_n3A_914 : vector<16xf32> to vector<16xf32>
        tpu.vector_store %arg8[%swap3A_915], %swap3A_918 {strides = array<i32>} : memref<128xf32, #tpu.memory_space<vmem>>, vector<16xf32>,
        %eq3A_919 = arith.cmpi eq, %add3A_91, %broadcast_in_dim3A_736 : vector<16xi32>
        %get3A_920 = arith.index_cast %squeeze3A_733 : i32 to index
        %get3A_921 = arith.constant 112 : index
        %get3A_922 = tpu.vector_load %arg7[%get3A_920, %get3A_921] {strides = array<i32>} : memref<128x128xf32, #tpu.memory_space<vmem>>, vector<1x16xf32>,
        %get3A_923 = vector.shape_cast %get3A_922 : vector<1x16xf32> to vector<16xf32>
        %get3A_924 = arith.constant 112 : index
        %get3A_925 = tpu.vector_load %arg11[%get3A_924] {strides = array<i32>} : memref<128xf32, #tpu.memory_space<vmem>>, vector<16xf32>,
        %get3A_926 = vector.shape_cast %get3A_925 : vector<16xf32> to vector<16xf32>
        %and3A_927 = arith.andi %le3A_735, %eq3A_919 : vector<16xi1>
        %jit3A_928 = arith.constant 1.000000e+00 : f32
        %broadcast_in_dim3A_929 = vector.broadcast %jit3A_928 : f32 to vector<16xf32>
        %select_n3A_930 = arith.select %and3A_927, %broadcast_in_dim3A_929, %get3A_926 : vector<16xi1>, vector<16xf32>
        %swap3A_931 = arith.constant 112 : index
        %swap3A_932 = tpu.vector_load %arg11[%swap3A_931] {strides = array<i32>} : memref<128xf32, #tpu.memory_space<vmem>>, vector<16xf32>,
        %swap3A_933 = vector.shape_cast %swap3A_932 : vector<16xf32> to vector<16xf32>
        %swap3A_934 = vector.shape_cast %select_n3A_930 : vector<16xf32> to vector<16xf32>
        tpu.vector_store %arg11[%swap3A_931], %swap3A_934 {strides = array<i32>} : memref<128xf32, #tpu.memory_space<vmem>>, vector<16xf32>,
        %add3A_935 = arith.addf %get3A_594, %get3A_60 : vector<16xf32>
        %sub3A_936 = arith.subf %add3A_935, %get3A_923 : vector<16xf32>
        %jit3A_937 = arith.constant 0xFF800000 : f32
        %broadcast_in_dim3A_938 = vector.broadcast %jit3A_937 : f32 to vector<16xf32>
        %select_n3A_939 = arith.select %eq3A_919, %broadcast_in_dim3A_938, %sub3A_936 : vector<16xi1>, vector<16xf32>
        %select_n3A_940 = arith.select %le3A_735, %select_n3A_939, %get3A_594 : vector<16xi1>, vector<16xf32>
        %swap3A_941 = arith.constant 112 : index
        %swap3A_942 = tpu.vector_load %arg8[%swap3A_941] {strides = array<i32>} : memref<128xf32, #tpu.memory_space<vmem>>, vector<16xf32>,
        %swap3A_943 = vector.shape_cast %swap3A_942 : vector<16xf32> to vector<16xf32>
        %swap3A_944 = vector.shape_cast %select_n3A_940 : vector<16xf32> to vector<16xf32>
        tpu.vector_store %arg8[%swap3A_941], %swap3A_944 {strides = array<i32>} : memref<128xf32, #tpu.memory_space<vmem>>, vector<16xf32>,
        %scan3A_945 = arith.constant 2 : i32
        %scan3A_946 = arith.addi %scan3A_195, %scan3A_945 : i32
        %add3A_947 = arith.constant 1 : i32
        %add3A_948 = arith.addi %scan3A_946, %add3A_947 : i32
        %convert_element_type3A_949 = arith.sitofp %add3A_948 : i32 to f32
        %get3A_950 = arith.constant 0 : index
        %get3A_951 = tpu.vector_load %arg8[%get3A_950] {strides = array<i32>} : memref<128xf32, #tpu.memory_space<vmem>>, vector<16xf32>,
        %get3A_952 = vector.shape_cast %get3A_951 : vector<16xf32> to vector<16xf32>
        %get3A_953 = arith.constant 16 : index
        %get3A_954 = tpu.vector_load %arg8[%get3A_953] {strides = array<i32>} : memref<128xf32, #tpu.memory_space<vmem>>, vector<16xf32>,
        %get3A_955 = vector.shape_cast %get3A_954 : vector<16xf32> to vector<16xf32>
        %get3A_956 = arith.constant 32 : index
        %get3A_957 = tpu.vector_load %arg8[%get3A_956] {strides = array<i32>} : memref<128xf32, #tpu.memory_space<vmem>>, vector<16xf32>,
        %get3A_958 = vector.shape_cast %get3A_957 : vector<16xf32> to vector<16xf32>
        %get3A_959 = arith.constant 48 : index
        %get3A_960 = tpu.vector_load %arg8[%get3A_959] {strides = array<i32>} : memref<128xf32, #tpu.memory_space<vmem>>, vector<16xf32>,
        %get3A_961 = vector.shape_cast %get3A_960 : vector<16xf32> to vector<16xf32>
        %get3A_962 = arith.constant 64 : index
        %get3A_963 = tpu.vector_load %arg8[%get3A_962] {strides = array<i32>} : memref<128xf32, #tpu.memory_space<vmem>>, vector<16xf32>,
        %get3A_964 = vector.shape_cast %get3A_963 : vector<16xf32> to vector<16xf32>
        %get3A_965 = arith.constant 80 : index
        %get3A_966 = tpu.vector_load %arg8[%get3A_965] {strides = array<i32>} : memref<128xf32, #tpu.memory_space<vmem>>, vector<16xf32>,
        %get3A_967 = vector.shape_cast %get3A_966 : vector<16xf32> to vector<16xf32>
        %get3A_968 = arith.constant 96 : index
        %get3A_969 = tpu.vector_load %arg8[%get3A_968] {strides = array<i32>} : memref<128xf32, #tpu.memory_space<vmem>>, vector<16xf32>,
        %get3A_970 = vector.shape_cast %get3A_969 : vector<16xf32> to vector<16xf32>
        %get3A_971 = arith.constant 112 : index
        %get3A_972 = tpu.vector_load %arg8[%get3A_971] {strides = array<i32>} : memref<128xf32, #tpu.memory_space<vmem>>, vector<16xf32>,
        %get3A_973 = vector.shape_cast %get3A_972 : vector<16xf32> to vector<16xf32>
        %max3A_974 = arith.maximumf %get3A_952, %get3A_955 : vector<16xf32>
        %max3A_975 = arith.maximumf %max3A_974, %get3A_958 : vector<16xf32>
        %max3A_976 = arith.maximumf %max3A_975, %get3A_961 : vector<16xf32>
        %max3A_977 = arith.maximumf %max3A_976, %get3A_964 : vector<16xf32>
        %max3A_978 = arith.maximumf %max3A_977, %get3A_967 : vector<16xf32>
        %max3A_979 = arith.maximumf %max3A_978, %get3A_970 : vector<16xf32>
        %max3A_980 = arith.maximumf %max3A_979, %get3A_973 : vector<16xf32>
        %lt3A_981 = arith.constant 0 : i32
        %lt3A_982 = vector.broadcast %lt3A_981 : i32 to vector<16xi32>
        %lt3A_983 = arith.cmpi slt, %select_n3A_111, %lt3A_982 : vector<16xi32>
        %add3A_984 = arith.constant 16 : i32
        %add3A_985 = vector.broadcast %add3A_984 : i32 to vector<16xi32>
        %add3A_986 = arith.addi %select_n3A_111, %add3A_985 : vector<16xi32>
        %select_n3A_987 = arith.select %lt3A_983, %add3A_986, %select_n3A_111 : vector<16xi1>, vector<16xi32>
        %broadcast_in_dim3A_988 = vector.shape_cast %select_n3A_987 : vector<16xi32> to vector<16x1xi32>
        %gather3A_989 = vector.shape_cast %broadcast_in_dim3A_988 : vector<16x1xi32> to vector<16xi32>
        %gather3A_990 = tpu.dynamic_gather %max3A_980[%gather3A_989] in [0] : vector<16xf32>, vector<16xi32> -> vector<16xf32>
        %max3A_991 = arith.maximumf %max3A_980, %gather3A_990 : vector<16xf32>
        %lt3A_992 = arith.constant 0 : i32
        %lt3A_993 = vector.broadcast %lt3A_992 : i32 to vector<16xi32>
        %lt3A_994 = arith.cmpi slt, %select_n3A_137, %lt3A_993 : vector<16xi32>
        %add3A_995 = arith.constant 16 : i32
        %add3A_996 = vector.broadcast %add3A_995 : i32 to vector<16xi32>
        %add3A_997 = arith.addi %select_n3A_137, %add3A_996 : vector<16xi32>
        %select_n3A_998 = arith.select %lt3A_994, %add3A_997, %select_n3A_137 : vector<16xi1>, vector<16xi32>
        %broadcast_in_dim3A_999 = vector.shape_cast %select_n3A_998 : vector<16xi32> to vector<16x1xi32>
        %gather3A_1000 = vector.shape_cast %broadcast_in_dim3A_999 : vector<16x1xi32> to vector<16xi32>
        %gather3A_1001 = tpu.dynamic_gather %max3A_991[%gather3A_1000] in [0] : vector<16xf32>, vector<16xi32> -> vector<16xf32>
        %max3A_1002 = arith.maximumf %max3A_991, %gather3A_1001 : vector<16xf32>
        %lt3A_1003 = arith.constant 0 : i32
        %lt3A_1004 = vector.broadcast %lt3A_1003 : i32 to vector<16xi32>
        %lt3A_1005 = arith.cmpi slt, %select_n3A_163, %lt3A_1004 : vector<16xi32>
        %add3A_1006 = arith.constant 16 : i32
        %add3A_1007 = vector.broadcast %add3A_1006 : i32 to vector<16xi32>
        %add3A_1008 = arith.addi %select_n3A_163, %add3A_1007 : vector<16xi32>
        %select_n3A_1009 = arith.select %lt3A_1005, %add3A_1008, %select_n3A_163 : vector<16xi1>, vector<16xi32>
        %broadcast_in_dim3A_1010 = vector.shape_cast %select_n3A_1009 : vector<16xi32> to vector<16x1xi32>
        %gather3A_1011 = vector.shape_cast %broadcast_in_dim3A_1010 : vector<16x1xi32> to vector<16xi32>
        %gather3A_1012 = tpu.dynamic_gather %max3A_1002[%gather3A_1011] in [0] : vector<16xf32>, vector<16xi32> -> vector<16xf32>
        %max3A_1013 = arith.maximumf %max3A_1002, %gather3A_1012 : vector<16xf32>
        %lt3A_1014 = arith.constant 0 : i32
        %lt3A_1015 = vector.broadcast %lt3A_1014 : i32 to vector<16xi32>
        %lt3A_1016 = arith.cmpi slt, %select_n3A_189, %lt3A_1015 : vector<16xi32>
        %add3A_1017 = arith.constant 16 : i32
        %add3A_1018 = vector.broadcast %add3A_1017 : i32 to vector<16xi32>
        %add3A_1019 = arith.addi %select_n3A_189, %add3A_1018 : vector<16xi32>
        %select_n3A_1020 = arith.select %lt3A_1016, %add3A_1019, %select_n3A_189 : vector<16xi1>, vector<16xi32>
        %broadcast_in_dim3A_1021 = vector.shape_cast %select_n3A_1020 : vector<16xi32> to vector<16x1xi32>
        %gather3A_1022 = vector.shape_cast %broadcast_in_dim3A_1021 : vector<16x1xi32> to vector<16xi32>
        %gather3A_1023 = tpu.dynamic_gather %max3A_1013[%gather3A_1022] in [0] : vector<16xf32>, vector<16xi32> -> vector<16xf32>
        %max3A_1024 = arith.maximumf %max3A_1013, %gather3A_1023 : vector<16xf32>
        %broadcast_in_dim3A_1025 = arith.constant 128 : i32
        %broadcast_in_dim3A_1026 = vector.broadcast %broadcast_in_dim3A_1025 : i32 to vector<16xi32>
        %eq3A_1027 = arith.cmpf oeq, %get3A_952, %max3A_1024 : vector<16xf32>
        %jit3A_1028 = arith.constant 128 : i32
        %broadcast_in_dim3A_1029 = vector.broadcast %jit3A_1028 : i32 to vector<16xi32>
        %select_n3A_1030 = arith.select %eq3A_1027, %add3A_63, %broadcast_in_dim3A_1029 : vector<16xi1>, vector<16xi32>
        %min3A_1031 = arith.minsi %broadcast_in_dim3A_1026, %select_n3A_1030 : vector<16xi32>
        %eq3A_1032 = arith.cmpf oeq, %get3A_955, %max3A_1024 : vector<16xf32>
        %jit3A_1033 = arith.constant 128 : i32
        %broadcast_in_dim3A_1034 = vector.broadcast %jit3A_1033 : i32 to vector<16xi32>
        %select_n3A_1035 = arith.select %eq3A_1032, %add3A_67, %broadcast_in_dim3A_1034 : vector<16xi1>, vector<16xi32>
        %min3A_1036 = arith.minsi %min3A_1031, %select_n3A_1035 : vector<16xi32>
        %eq3A_1037 = arith.cmpf oeq, %get3A_958, %max3A_1024 : vector<16xf32>
        %jit3A_1038 = arith.constant 128 : i32
        %broadcast_in_dim3A_1039 = vector.broadcast %jit3A_1038 : i32 to vector<16xi32>
        %select_n3A_1040 = arith.select %eq3A_1037, %add3A_71, %broadcast_in_dim3A_1039 : vector<16xi1>, vector<16xi32>
        %min3A_1041 = arith.minsi %min3A_1036, %select_n3A_1040 : vector<16xi32>
        %eq3A_1042 = arith.cmpf oeq, %get3A_961, %max3A_1024 : vector<16xf32>
        %jit3A_1043 = arith.constant 128 : i32
        %broadcast_in_dim3A_1044 = vector.broadcast %jit3A_1043 : i32 to vector<16xi32>
        %select_n3A_1045 = arith.select %eq3A_1042, %add3A_75, %broadcast_in_dim3A_1044 : vector<16xi1>, vector<16xi32>
        %min3A_1046 = arith.minsi %min3A_1041, %select_n3A_1045 : vector<16xi32>
        %eq3A_1047 = arith.cmpf oeq, %get3A_964, %max3A_1024 : vector<16xf32>
        %jit3A_1048 = arith.constant 128 : i32
        %broadcast_in_dim3A_1049 = vector.broadcast %jit3A_1048 : i32 to vector<16xi32>
        %select_n3A_1050 = arith.select %eq3A_1047, %add3A_79, %broadcast_in_dim3A_1049 : vector<16xi1>, vector<16xi32>
        %min3A_1051 = arith.minsi %min3A_1046, %select_n3A_1050 : vector<16xi32>
        %eq3A_1052 = arith.cmpf oeq, %get3A_967, %max3A_1024 : vector<16xf32>
        %jit3A_1053 = arith.constant 128 : i32
        %broadcast_in_dim3A_1054 = vector.broadcast %jit3A_1053 : i32 to vector<16xi32>
        %select_n3A_1055 = arith.select %eq3A_1052, %add3A_83, %broadcast_in_dim3A_1054 : vector<16xi1>, vector<16xi32>
        %min3A_1056 = arith.minsi %min3A_1051, %select_n3A_1055 : vector<16xi32>
        %eq3A_1057 = arith.cmpf oeq, %get3A_970, %max3A_1024 : vector<16xf32>
        %jit3A_1058 = arith.constant 128 : i32
        %broadcast_in_dim3A_1059 = vector.broadcast %jit3A_1058 : i32 to vector<16xi32>
        %select_n3A_1060 = arith.select %eq3A_1057, %add3A_87, %broadcast_in_dim3A_1059 : vector<16xi1>, vector<16xi32>
        %min3A_1061 = arith.minsi %min3A_1056, %select_n3A_1060 : vector<16xi32>
        %eq3A_1062 = arith.cmpf oeq, %get3A_973, %max3A_1024 : vector<16xf32>
        %jit3A_1063 = arith.constant 128 : i32
        %broadcast_in_dim3A_1064 = vector.broadcast %jit3A_1063 : i32 to vector<16xi32>
        %select_n3A_1065 = arith.select %eq3A_1062, %add3A_91, %broadcast_in_dim3A_1064 : vector<16xi1>, vector<16xi32>
        %min3A_1066 = arith.minsi %min3A_1061, %select_n3A_1065 : vector<16xi32>
        %lt3A_1067 = arith.constant 0 : i32
        %lt3A_1068 = vector.broadcast %lt3A_1067 : i32 to vector<16xi32>
        %lt3A_1069 = arith.cmpi slt, %select_n3A_111, %lt3A_1068 : vector<16xi32>
        %add3A_1070 = arith.constant 16 : i32
        %add3A_1071 = vector.broadcast %add3A_1070 : i32 to vector<16xi32>
        %add3A_1072 = arith.addi %select_n3A_111, %add3A_1071 : vector<16xi32>
        %select_n3A_1073 = arith.select %lt3A_1069, %add3A_1072, %select_n3A_111 : vector<16xi1>, vector<16xi32>
        %broadcast_in_dim3A_1074 = vector.shape_cast %select_n3A_1073 : vector<16xi32> to vector<16x1xi32>
        %gather3A_1075 = vector.shape_cast %broadcast_in_dim3A_1074 : vector<16x1xi32> to vector<16xi32>
        %gather3A_1076 = tpu.dynamic_gather %min3A_1066[%gather3A_1075] in [0] : vector<16xi32>, vector<16xi32> -> vector<16xi32>
        %min3A_1077 = arith.minsi %min3A_1066, %gather3A_1076 : vector<16xi32>
        %lt3A_1078 = arith.constant 0 : i32
        %lt3A_1079 = vector.broadcast %lt3A_1078 : i32 to vector<16xi32>
        %lt3A_1080 = arith.cmpi slt, %select_n3A_137, %lt3A_1079 : vector<16xi32>
        %add3A_1081 = arith.constant 16 : i32
        %add3A_1082 = vector.broadcast %add3A_1081 : i32 to vector<16xi32>
        %add3A_1083 = arith.addi %select_n3A_137, %add3A_1082 : vector<16xi32>
        %select_n3A_1084 = arith.select %lt3A_1080, %add3A_1083, %select_n3A_137 : vector<16xi1>, vector<16xi32>
        %broadcast_in_dim3A_1085 = vector.shape_cast %select_n3A_1084 : vector<16xi32> to vector<16x1xi32>
        %gather3A_1086 = vector.shape_cast %broadcast_in_dim3A_1085 : vector<16x1xi32> to vector<16xi32>
        %gather3A_1087 = tpu.dynamic_gather %min3A_1077[%gather3A_1086] in [0] : vector<16xi32>, vector<16xi32> -> vector<16xi32>
        %min3A_1088 = arith.minsi %min3A_1077, %gather3A_1087 : vector<16xi32>
        %lt3A_1089 = arith.constant 0 : i32
        %lt3A_1090 = vector.broadcast %lt3A_1089 : i32 to vector<16xi32>
        %lt3A_1091 = arith.cmpi slt, %select_n3A_163, %lt3A_1090 : vector<16xi32>
        %add3A_1092 = arith.constant 16 : i32
        %add3A_1093 = vector.broadcast %add3A_1092 : i32 to vector<16xi32>
        %add3A_1094 = arith.addi %select_n3A_163, %add3A_1093 : vector<16xi32>
        %select_n3A_1095 = arith.select %lt3A_1091, %add3A_1094, %select_n3A_163 : vector<16xi1>, vector<16xi32>
        %broadcast_in_dim3A_1096 = vector.shape_cast %select_n3A_1095 : vector<16xi32> to vector<16x1xi32>
        %gather3A_1097 = vector.shape_cast %broadcast_in_dim3A_1096 : vector<16x1xi32> to vector<16xi32>
        %gather3A_1098 = tpu.dynamic_gather %min3A_1088[%gather3A_1097] in [0] : vector<16xi32>, vector<16xi32> -> vector<16xi32>
        %min3A_1099 = arith.minsi %min3A_1088, %gather3A_1098 : vector<16xi32>
        %lt3A_1100 = arith.constant 0 : i32
        %lt3A_1101 = vector.broadcast %lt3A_1100 : i32 to vector<16xi32>
        %lt3A_1102 = arith.cmpi slt, %select_n3A_189, %lt3A_1101 : vector<16xi32>
        %add3A_1103 = arith.constant 16 : i32
        %add3A_1104 = vector.broadcast %add3A_1103 : i32 to vector<16xi32>
        %add3A_1105 = arith.addi %select_n3A_189, %add3A_1104 : vector<16xi32>
        %select_n3A_1106 = arith.select %lt3A_1102, %add3A_1105, %select_n3A_189 : vector<16xi1>, vector<16xi32>
        %broadcast_in_dim3A_1107 = vector.shape_cast %select_n3A_1106 : vector<16xi32> to vector<16x1xi32>
        %gather3A_1108 = vector.shape_cast %broadcast_in_dim3A_1107 : vector<16x1xi32> to vector<16xi32>
        %gather3A_1109 = tpu.dynamic_gather %min3A_1099[%gather3A_1108] in [0] : vector<16xi32>, vector<16xi32> -> vector<16xi32>
        %min3A_1110 = arith.minsi %min3A_1099, %gather3A_1109 : vector<16xi32>
        %slice3A_1111 = vector.extract_strided_slice %min3A_1110 {offsets = [0], sizes = [1], strides = [1]} : vector<16xi32> to vector<1xi32>
        %squeeze3A_1112 = vector.extract %slice3A_1111[0] : i32 from vector<1xi32>
        %broadcast_in_dim3A_1113 = vector.broadcast %convert_element_type3A_949 : f32 to vector<16xf32>
        %le3A_1114 = arith.cmpf ole, %broadcast_in_dim3A_1113, %get3A_36 : vector<16xf32>
        %broadcast_in_dim3A_1115 = vector.broadcast %squeeze3A_1112 : i32 to vector<16xi32>
        %eq3A_1116 = arith.cmpi eq, %add3A_63, %broadcast_in_dim3A_1115 : vector<16xi32>
        %get3A_1117 = arith.index_cast %squeeze3A_1112 : i32 to index
        %get3A_1118 = arith.constant 0 : index
        %get3A_1119 = tpu.vector_load %arg7[%get3A_1117, %get3A_1118] {strides = array<i32>} : memref<128x128xf32, #tpu.memory_space<vmem>>, vector<1x16xf32>,
        %get3A_1120 = vector.shape_cast %get3A_1119 : vector<1x16xf32> to vector<16xf32>
        %get3A_1121 = arith.constant 0 : index
        %get3A_1122 = tpu.vector_load %arg11[%get3A_1121] {strides = array<i32>} : memref<128xf32, #tpu.memory_space<vmem>>, vector<16xf32>,
        %get3A_1123 = vector.shape_cast %get3A_1122 : vector<16xf32> to vector<16xf32>
        %and3A_1124 = arith.andi %le3A_1114, %eq3A_1116 : vector<16xi1>
        %jit3A_1125 = arith.constant 1.000000e+00 : f32
        %broadcast_in_dim3A_1126 = vector.broadcast %jit3A_1125 : f32 to vector<16xf32>
        %select_n3A_1127 = arith.select %and3A_1124, %broadcast_in_dim3A_1126, %get3A_1123 : vector<16xi1>, vector<16xf32>
        %swap3A_1128 = arith.constant 0 : index
        %swap3A_1129 = tpu.vector_load %arg11[%swap3A_1128] {strides = array<i32>} : memref<128xf32, #tpu.memory_space<vmem>>, vector<16xf32>,
        %swap3A_1130 = vector.shape_cast %swap3A_1129 : vector<16xf32> to vector<16xf32>
        %swap3A_1131 = vector.shape_cast %select_n3A_1127 : vector<16xf32> to vector<16xf32>
        tpu.vector_store %arg11[%swap3A_1128], %swap3A_1131 {strides = array<i32>} : memref<128xf32, #tpu.memory_space<vmem>>, vector<16xf32>,
        %add3A_1132 = arith.addf %get3A_952, %get3A_39 : vector<16xf32>
        %sub3A_1133 = arith.subf %add3A_1132, %get3A_1120 : vector<16xf32>
        %jit3A_1134 = arith.constant 0xFF800000 : f32
        %broadcast_in_dim3A_1135 = vector.broadcast %jit3A_1134 : f32 to vector<16xf32>
        %select_n3A_1136 = arith.select %eq3A_1116, %broadcast_in_dim3A_1135, %sub3A_1133 : vector<16xi1>, vector<16xf32>
        %select_n3A_1137 = arith.select %le3A_1114, %select_n3A_1136, %get3A_952 : vector<16xi1>, vector<16xf32>
        %swap3A_1138 = arith.constant 0 : index
        %swap3A_1139 = tpu.vector_load %arg8[%swap3A_1138] {strides = array<i32>} : memref<128xf32, #tpu.memory_space<vmem>>, vector<16xf32>,
        %swap3A_1140 = vector.shape_cast %swap3A_1139 : vector<16xf32> to vector<16xf32>
        %swap3A_1141 = vector.shape_cast %select_n3A_1137 : vector<16xf32> to vector<16xf32>
        tpu.vector_store %arg8[%swap3A_1138], %swap3A_1141 {strides = array<i32>} : memref<128xf32, #tpu.memory_space<vmem>>, vector<16xf32>,
        %eq3A_1142 = arith.cmpi eq, %add3A_67, %broadcast_in_dim3A_1115 : vector<16xi32>
        %get3A_1143 = arith.index_cast %squeeze3A_1112 : i32 to index
        %get3A_1144 = arith.constant 16 : index
        %get3A_1145 = tpu.vector_load %arg7[%get3A_1143, %get3A_1144] {strides = array<i32>} : memref<128x128xf32, #tpu.memory_space<vmem>>, vector<1x16xf32>,
        %get3A_1146 = vector.shape_cast %get3A_1145 : vector<1x16xf32> to vector<16xf32>
        %get3A_1147 = arith.constant 16 : index
        %get3A_1148 = tpu.vector_load %arg11[%get3A_1147] {strides = array<i32>} : memref<128xf32, #tpu.memory_space<vmem>>, vector<16xf32>,
        %get3A_1149 = vector.shape_cast %get3A_1148 : vector<16xf32> to vector<16xf32>
        %and3A_1150 = arith.andi %le3A_1114, %eq3A_1142 : vector<16xi1>
        %jit3A_1151 = arith.constant 1.000000e+00 : f32
        %broadcast_in_dim3A_1152 = vector.broadcast %jit3A_1151 : f32 to vector<16xf32>
        %select_n3A_1153 = arith.select %and3A_1150, %broadcast_in_dim3A_1152, %get3A_1149 : vector<16xi1>, vector<16xf32>
        %swap3A_1154 = arith.constant 16 : index
        %swap3A_1155 = tpu.vector_load %arg11[%swap3A_1154] {strides = array<i32>} : memref<128xf32, #tpu.memory_space<vmem>>, vector<16xf32>,
        %swap3A_1156 = vector.shape_cast %swap3A_1155 : vector<16xf32> to vector<16xf32>
        %swap3A_1157 = vector.shape_cast %select_n3A_1153 : vector<16xf32> to vector<16xf32>
        tpu.vector_store %arg11[%swap3A_1154], %swap3A_1157 {strides = array<i32>} : memref<128xf32, #tpu.memory_space<vmem>>, vector<16xf32>,
        %add3A_1158 = arith.addf %get3A_955, %get3A_42 : vector<16xf32>
        %sub3A_1159 = arith.subf %add3A_1158, %get3A_1146 : vector<16xf32>
        %jit3A_1160 = arith.constant 0xFF800000 : f32
        %broadcast_in_dim3A_1161 = vector.broadcast %jit3A_1160 : f32 to vector<16xf32>
        %select_n3A_1162 = arith.select %eq3A_1142, %broadcast_in_dim3A_1161, %sub3A_1159 : vector<16xi1>, vector<16xf32>
        %select_n3A_1163 = arith.select %le3A_1114, %select_n3A_1162, %get3A_955 : vector<16xi1>, vector<16xf32>
        %swap3A_1164 = arith.constant 16 : index
        %swap3A_1165 = tpu.vector_load %arg8[%swap3A_1164] {strides = array<i32>} : memref<128xf32, #tpu.memory_space<vmem>>, vector<16xf32>,
        %swap3A_1166 = vector.shape_cast %swap3A_1165 : vector<16xf32> to vector<16xf32>
        %swap3A_1167 = vector.shape_cast %select_n3A_1163 : vector<16xf32> to vector<16xf32>
        tpu.vector_store %arg8[%swap3A_1164], %swap3A_1167 {strides = array<i32>} : memref<128xf32, #tpu.memory_space<vmem>>, vector<16xf32>,
        %eq3A_1168 = arith.cmpi eq, %add3A_71, %broadcast_in_dim3A_1115 : vector<16xi32>
        %get3A_1169 = arith.index_cast %squeeze3A_1112 : i32 to index
        %get3A_1170 = arith.constant 32 : index
        %get3A_1171 = tpu.vector_load %arg7[%get3A_1169, %get3A_1170] {strides = array<i32>} : memref<128x128xf32, #tpu.memory_space<vmem>>, vector<1x16xf32>,
        %get3A_1172 = vector.shape_cast %get3A_1171 : vector<1x16xf32> to vector<16xf32>
        %get3A_1173 = arith.constant 32 : index
        %get3A_1174 = tpu.vector_load %arg11[%get3A_1173] {strides = array<i32>} : memref<128xf32, #tpu.memory_space<vmem>>, vector<16xf32>,
        %get3A_1175 = vector.shape_cast %get3A_1174 : vector<16xf32> to vector<16xf32>
        %and3A_1176 = arith.andi %le3A_1114, %eq3A_1168 : vector<16xi1>
        %jit3A_1177 = arith.constant 1.000000e+00 : f32
        %broadcast_in_dim3A_1178 = vector.broadcast %jit3A_1177 : f32 to vector<16xf32>
        %select_n3A_1179 = arith.select %and3A_1176, %broadcast_in_dim3A_1178, %get3A_1175 : vector<16xi1>, vector<16xf32>
        %swap3A_1180 = arith.constant 32 : index
        %swap3A_1181 = tpu.vector_load %arg11[%swap3A_1180] {strides = array<i32>} : memref<128xf32, #tpu.memory_space<vmem>>, vector<16xf32>,
        %swap3A_1182 = vector.shape_cast %swap3A_1181 : vector<16xf32> to vector<16xf32>
        %swap3A_1183 = vector.shape_cast %select_n3A_1179 : vector<16xf32> to vector<16xf32>
        tpu.vector_store %arg11[%swap3A_1180], %swap3A_1183 {strides = array<i32>} : memref<128xf32, #tpu.memory_space<vmem>>, vector<16xf32>,
        %add3A_1184 = arith.addf %get3A_958, %get3A_45 : vector<16xf32>
        %sub3A_1185 = arith.subf %add3A_1184, %get3A_1172 : vector<16xf32>
        %jit3A_1186 = arith.constant 0xFF800000 : f32
        %broadcast_in_dim3A_1187 = vector.broadcast %jit3A_1186 : f32 to vector<16xf32>
        %select_n3A_1188 = arith.select %eq3A_1168, %broadcast_in_dim3A_1187, %sub3A_1185 : vector<16xi1>, vector<16xf32>
        %select_n3A_1189 = arith.select %le3A_1114, %select_n3A_1188, %get3A_958 : vector<16xi1>, vector<16xf32>
        %swap3A_1190 = arith.constant 32 : index
        %swap3A_1191 = tpu.vector_load %arg8[%swap3A_1190] {strides = array<i32>} : memref<128xf32, #tpu.memory_space<vmem>>, vector<16xf32>,
        %swap3A_1192 = vector.shape_cast %swap3A_1191 : vector<16xf32> to vector<16xf32>
        %swap3A_1193 = vector.shape_cast %select_n3A_1189 : vector<16xf32> to vector<16xf32>
        tpu.vector_store %arg8[%swap3A_1190], %swap3A_1193 {strides = array<i32>} : memref<128xf32, #tpu.memory_space<vmem>>, vector<16xf32>,
        %eq3A_1194 = arith.cmpi eq, %add3A_75, %broadcast_in_dim3A_1115 : vector<16xi32>
        %get3A_1195 = arith.index_cast %squeeze3A_1112 : i32 to index
        %get3A_1196 = arith.constant 48 : index
        %get3A_1197 = tpu.vector_load %arg7[%get3A_1195, %get3A_1196] {strides = array<i32>} : memref<128x128xf32, #tpu.memory_space<vmem>>, vector<1x16xf32>,
        %get3A_1198 = vector.shape_cast %get3A_1197 : vector<1x16xf32> to vector<16xf32>
        %get3A_1199 = arith.constant 48 : index
        %get3A_1200 = tpu.vector_load %arg11[%get3A_1199] {strides = array<i32>} : memref<128xf32, #tpu.memory_space<vmem>>, vector<16xf32>,
        %get3A_1201 = vector.shape_cast %get3A_1200 : vector<16xf32> to vector<16xf32>
        %and3A_1202 = arith.andi %le3A_1114, %eq3A_1194 : vector<16xi1>
        %jit3A_1203 = arith.constant 1.000000e+00 : f32
        %broadcast_in_dim3A_1204 = vector.broadcast %jit3A_1203 : f32 to vector<16xf32>
        %select_n3A_1205 = arith.select %and3A_1202, %broadcast_in_dim3A_1204, %get3A_1201 : vector<16xi1>, vector<16xf32>
        %swap3A_1206 = arith.constant 48 : index
        %swap3A_1207 = tpu.vector_load %arg11[%swap3A_1206] {strides = array<i32>} : memref<128xf32, #tpu.memory_space<vmem>>, vector<16xf32>,
        %swap3A_1208 = vector.shape_cast %swap3A_1207 : vector<16xf32> to vector<16xf32>
        %swap3A_1209 = vector.shape_cast %select_n3A_1205 : vector<16xf32> to vector<16xf32>
        tpu.vector_store %arg11[%swap3A_1206], %swap3A_1209 {strides = array<i32>} : memref<128xf32, #tpu.memory_space<vmem>>, vector<16xf32>,
        %add3A_1210 = arith.addf %get3A_961, %get3A_48 : vector<16xf32>
        %sub3A_1211 = arith.subf %add3A_1210, %get3A_1198 : vector<16xf32>
        %jit3A_1212 = arith.constant 0xFF800000 : f32
        %broadcast_in_dim3A_1213 = vector.broadcast %jit3A_1212 : f32 to vector<16xf32>
        %select_n3A_1214 = arith.select %eq3A_1194, %broadcast_in_dim3A_1213, %sub3A_1211 : vector<16xi1>, vector<16xf32>
        %select_n3A_1215 = arith.select %le3A_1114, %select_n3A_1214, %get3A_961 : vector<16xi1>, vector<16xf32>
        %swap3A_1216 = arith.constant 48 : index
        %swap3A_1217 = tpu.vector_load %arg8[%swap3A_1216] {strides = array<i32>} : memref<128xf32, #tpu.memory_space<vmem>>, vector<16xf32>,
        %swap3A_1218 = vector.shape_cast %swap3A_1217 : vector<16xf32> to vector<16xf32>
        %swap3A_1219 = vector.shape_cast %select_n3A_1215 : vector<16xf32> to vector<16xf32>
        tpu.vector_store %arg8[%swap3A_1216], %swap3A_1219 {strides = array<i32>} : memref<128xf32, #tpu.memory_space<vmem>>, vector<16xf32>,
        %eq3A_1220 = arith.cmpi eq, %add3A_79, %broadcast_in_dim3A_1115 : vector<16xi32>
        %get3A_1221 = arith.index_cast %squeeze3A_1112 : i32 to index
        %get3A_1222 = arith.constant 64 : index
        %get3A_1223 = tpu.vector_load %arg7[%get3A_1221, %get3A_1222] {strides = array<i32>} : memref<128x128xf32, #tpu.memory_space<vmem>>, vector<1x16xf32>,
        %get3A_1224 = vector.shape_cast %get3A_1223 : vector<1x16xf32> to vector<16xf32>
        %get3A_1225 = arith.constant 64 : index
        %get3A_1226 = tpu.vector_load %arg11[%get3A_1225] {strides = array<i32>} : memref<128xf32, #tpu.memory_space<vmem>>, vector<16xf32>,
        %get3A_1227 = vector.shape_cast %get3A_1226 : vector<16xf32> to vector<16xf32>
        %and3A_1228 = arith.andi %le3A_1114, %eq3A_1220 : vector<16xi1>
        %jit3A_1229 = arith.constant 1.000000e+00 : f32
        %broadcast_in_dim3A_1230 = vector.broadcast %jit3A_1229 : f32 to vector<16xf32>
        %select_n3A_1231 = arith.select %and3A_1228, %broadcast_in_dim3A_1230, %get3A_1227 : vector<16xi1>, vector<16xf32>
        %swap3A_1232 = arith.constant 64 : index
        %swap3A_1233 = tpu.vector_load %arg11[%swap3A_1232] {strides = array<i32>} : memref<128xf32, #tpu.memory_space<vmem>>, vector<16xf32>,
        %swap3A_1234 = vector.shape_cast %swap3A_1233 : vector<16xf32> to vector<16xf32>
        %swap3A_1235 = vector.shape_cast %select_n3A_1231 : vector<16xf32> to vector<16xf32>
        tpu.vector_store %arg11[%swap3A_1232], %swap3A_1235 {strides = array<i32>} : memref<128xf32, #tpu.memory_space<vmem>>, vector<16xf32>,
        %add3A_1236 = arith.addf %get3A_964, %get3A_51 : vector<16xf32>
        %sub3A_1237 = arith.subf %add3A_1236, %get3A_1224 : vector<16xf32>
        %jit3A_1238 = arith.constant 0xFF800000 : f32
        %broadcast_in_dim3A_1239 = vector.broadcast %jit3A_1238 : f32 to vector<16xf32>
        %select_n3A_1240 = arith.select %eq3A_1220, %broadcast_in_dim3A_1239, %sub3A_1237 : vector<16xi1>, vector<16xf32>
        %select_n3A_1241 = arith.select %le3A_1114, %select_n3A_1240, %get3A_964 : vector<16xi1>, vector<16xf32>
        %swap3A_1242 = arith.constant 64 : index
        %swap3A_1243 = tpu.vector_load %arg8[%swap3A_1242] {strides = array<i32>} : memref<128xf32, #tpu.memory_space<vmem>>, vector<16xf32>,
        %swap3A_1244 = vector.shape_cast %swap3A_1243 : vector<16xf32> to vector<16xf32>
        %swap3A_1245 = vector.shape_cast %select_n3A_1241 : vector<16xf32> to vector<16xf32>
        tpu.vector_store %arg8[%swap3A_1242], %swap3A_1245 {strides = array<i32>} : memref<128xf32, #tpu.memory_space<vmem>>, vector<16xf32>,
        %eq3A_1246 = arith.cmpi eq, %add3A_83, %broadcast_in_dim3A_1115 : vector<16xi32>
        %get3A_1247 = arith.index_cast %squeeze3A_1112 : i32 to index
        %get3A_1248 = arith.constant 80 : index
        %get3A_1249 = tpu.vector_load %arg7[%get3A_1247, %get3A_1248] {strides = array<i32>} : memref<128x128xf32, #tpu.memory_space<vmem>>, vector<1x16xf32>,
        %get3A_1250 = vector.shape_cast %get3A_1249 : vector<1x16xf32> to vector<16xf32>
        %get3A_1251 = arith.constant 80 : index
        %get3A_1252 = tpu.vector_load %arg11[%get3A_1251] {strides = array<i32>} : memref<128xf32, #tpu.memory_space<vmem>>, vector<16xf32>,
        %get3A_1253 = vector.shape_cast %get3A_1252 : vector<16xf32> to vector<16xf32>
        %and3A_1254 = arith.andi %le3A_1114, %eq3A_1246 : vector<16xi1>
        %jit3A_1255 = arith.constant 1.000000e+00 : f32
        %broadcast_in_dim3A_1256 = vector.broadcast %jit3A_1255 : f32 to vector<16xf32>
        %select_n3A_1257 = arith.select %and3A_1254, %broadcast_in_dim3A_1256, %get3A_1253 : vector<16xi1>, vector<16xf32>
        %swap3A_1258 = arith.constant 80 : index
        %swap3A_1259 = tpu.vector_load %arg11[%swap3A_1258] {strides = array<i32>} : memref<128xf32, #tpu.memory_space<vmem>>, vector<16xf32>,
        %swap3A_1260 = vector.shape_cast %swap3A_1259 : vector<16xf32> to vector<16xf32>
        %swap3A_1261 = vector.shape_cast %select_n3A_1257 : vector<16xf32> to vector<16xf32>
        tpu.vector_store %arg11[%swap3A_1258], %swap3A_1261 {strides = array<i32>} : memref<128xf32, #tpu.memory_space<vmem>>, vector<16xf32>,
        %add3A_1262 = arith.addf %get3A_967, %get3A_54 : vector<16xf32>
        %sub3A_1263 = arith.subf %add3A_1262, %get3A_1250 : vector<16xf32>
        %jit3A_1264 = arith.constant 0xFF800000 : f32
        %broadcast_in_dim3A_1265 = vector.broadcast %jit3A_1264 : f32 to vector<16xf32>
        %select_n3A_1266 = arith.select %eq3A_1246, %broadcast_in_dim3A_1265, %sub3A_1263 : vector<16xi1>, vector<16xf32>
        %select_n3A_1267 = arith.select %le3A_1114, %select_n3A_1266, %get3A_967 : vector<16xi1>, vector<16xf32>
        %swap3A_1268 = arith.constant 80 : index
        %swap3A_1269 = tpu.vector_load %arg8[%swap3A_1268] {strides = array<i32>} : memref<128xf32, #tpu.memory_space<vmem>>, vector<16xf32>,
        %swap3A_1270 = vector.shape_cast %swap3A_1269 : vector<16xf32> to vector<16xf32>
        %swap3A_1271 = vector.shape_cast %select_n3A_1267 : vector<16xf32> to vector<16xf32>
        tpu.vector_store %arg8[%swap3A_1268], %swap3A_1271 {strides = array<i32>} : memref<128xf32, #tpu.memory_space<vmem>>, vector<16xf32>,
        %eq3A_1272 = arith.cmpi eq, %add3A_87, %broadcast_in_dim3A_1115 : vector<16xi32>
        %get3A_1273 = arith.index_cast %squeeze3A_1112 : i32 to index
        %get3A_1274 = arith.constant 96 : index
        %get3A_1275 = tpu.vector_load %arg7[%get3A_1273, %get3A_1274] {strides = array<i32>} : memref<128x128xf32, #tpu.memory_space<vmem>>, vector<1x16xf32>,
        %get3A_1276 = vector.shape_cast %get3A_1275 : vector<1x16xf32> to vector<16xf32>
        %get3A_1277 = arith.constant 96 : index
        %get3A_1278 = tpu.vector_load %arg11[%get3A_1277] {strides = array<i32>} : memref<128xf32, #tpu.memory_space<vmem>>, vector<16xf32>,
        %get3A_1279 = vector.shape_cast %get3A_1278 : vector<16xf32> to vector<16xf32>
        %and3A_1280 = arith.andi %le3A_1114, %eq3A_1272 : vector<16xi1>
        %jit3A_1281 = arith.constant 1.000000e+00 : f32
        %broadcast_in_dim3A_1282 = vector.broadcast %jit3A_1281 : f32 to vector<16xf32>
        %select_n3A_1283 = arith.select %and3A_1280, %broadcast_in_dim3A_1282, %get3A_1279 : vector<16xi1>, vector<16xf32>
        %swap3A_1284 = arith.constant 96 : index
        %swap3A_1285 = tpu.vector_load %arg11[%swap3A_1284] {strides = array<i32>} : memref<128xf32, #tpu.memory_space<vmem>>, vector<16xf32>,
        %swap3A_1286 = vector.shape_cast %swap3A_1285 : vector<16xf32> to vector<16xf32>
        %swap3A_1287 = vector.shape_cast %select_n3A_1283 : vector<16xf32> to vector<16xf32>
        tpu.vector_store %arg11[%swap3A_1284], %swap3A_1287 {strides = array<i32>} : memref<128xf32, #tpu.memory_space<vmem>>, vector<16xf32>,
        %add3A_1288 = arith.addf %get3A_970, %get3A_57 : vector<16xf32>
        %sub3A_1289 = arith.subf %add3A_1288, %get3A_1276 : vector<16xf32>
        %jit3A_1290 = arith.constant 0xFF800000 : f32
        %broadcast_in_dim3A_1291 = vector.broadcast %jit3A_1290 : f32 to vector<16xf32>
        %select_n3A_1292 = arith.select %eq3A_1272, %broadcast_in_dim3A_1291, %sub3A_1289 : vector<16xi1>, vector<16xf32>
        %select_n3A_1293 = arith.select %le3A_1114, %select_n3A_1292, %get3A_970 : vector<16xi1>, vector<16xf32>
        %swap3A_1294 = arith.constant 96 : index
        %swap3A_1295 = tpu.vector_load %arg8[%swap3A_1294] {strides = array<i32>} : memref<128xf32, #tpu.memory_space<vmem>>, vector<16xf32>,
        %swap3A_1296 = vector.shape_cast %swap3A_1295 : vector<16xf32> to vector<16xf32>
        %swap3A_1297 = vector.shape_cast %select_n3A_1293 : vector<16xf32> to vector<16xf32>
        tpu.vector_store %arg8[%swap3A_1294], %swap3A_1297 {strides = array<i32>} : memref<128xf32, #tpu.memory_space<vmem>>, vector<16xf32>,
        %eq3A_1298 = arith.cmpi eq, %add3A_91, %broadcast_in_dim3A_1115 : vector<16xi32>
        %get3A_1299 = arith.index_cast %squeeze3A_1112 : i32 to index
        %get3A_1300 = arith.constant 112 : index
        %get3A_1301 = tpu.vector_load %arg7[%get3A_1299, %get3A_1300] {strides = array<i32>} : memref<128x128xf32, #tpu.memory_space<vmem>>, vector<1x16xf32>,
        %get3A_1302 = vector.shape_cast %get3A_1301 : vector<1x16xf32> to vector<16xf32>
        %get3A_1303 = arith.constant 112 : index
        %get3A_1304 = tpu.vector_load %arg11[%get3A_1303] {strides = array<i32>} : memref<128xf32, #tpu.memory_space<vmem>>, vector<16xf32>,
        %get3A_1305 = vector.shape_cast %get3A_1304 : vector<16xf32> to vector<16xf32>
        %and3A_1306 = arith.andi %le3A_1114, %eq3A_1298 : vector<16xi1>
        %jit3A_1307 = arith.constant 1.000000e+00 : f32
        %broadcast_in_dim3A_1308 = vector.broadcast %jit3A_1307 : f32 to vector<16xf32>
        %select_n3A_1309 = arith.select %and3A_1306, %broadcast_in_dim3A_1308, %get3A_1305 : vector<16xi1>, vector<16xf32>
        %swap3A_1310 = arith.constant 112 : index
        %swap3A_1311 = tpu.vector_load %arg11[%swap3A_1310] {strides = array<i32>} : memref<128xf32, #tpu.memory_space<vmem>>, vector<16xf32>,
        %swap3A_1312 = vector.shape_cast %swap3A_1311 : vector<16xf32> to vector<16xf32>
        %swap3A_1313 = vector.shape_cast %select_n3A_1309 : vector<16xf32> to vector<16xf32>
        tpu.vector_store %arg11[%swap3A_1310], %swap3A_1313 {strides = array<i32>} : memref<128xf32, #tpu.memory_space<vmem>>, vector<16xf32>,
        %add3A_1314 = arith.addf %get3A_973, %get3A_60 : vector<16xf32>
        %sub3A_1315 = arith.subf %add3A_1314, %get3A_1302 : vector<16xf32>
        %jit3A_1316 = arith.constant 0xFF800000 : f32
        %broadcast_in_dim3A_1317 = vector.broadcast %jit3A_1316 : f32 to vector<16xf32>
        %select_n3A_1318 = arith.select %eq3A_1298, %broadcast_in_dim3A_1317, %sub3A_1315 : vector<16xi1>, vector<16xf32>
        %select_n3A_1319 = arith.select %le3A_1114, %select_n3A_1318, %get3A_973 : vector<16xi1>, vector<16xf32>
        %swap3A_1320 = arith.constant 112 : index
        %swap3A_1321 = tpu.vector_load %arg8[%swap3A_1320] {strides = array<i32>} : memref<128xf32, #tpu.memory_space<vmem>>, vector<16xf32>,
        %swap3A_1322 = vector.shape_cast %swap3A_1321 : vector<16xf32> to vector<16xf32>
        %swap3A_1323 = vector.shape_cast %select_n3A_1319 : vector<16xf32> to vector<16xf32>
        tpu.vector_store %arg8[%swap3A_1320], %swap3A_1323 {strides = array<i32>} : memref<128xf32, #tpu.memory_space<vmem>>, vector<16xf32>,
        %scan3A_1324 = arith.constant 3 : i32
        %scan3A_1325 = arith.addi %scan3A_195, %scan3A_1324 : i32
        %add3A_1326 = arith.constant 1 : i32
        %add3A_1327 = arith.addi %scan3A_1325, %add3A_1326 : i32
        %convert_element_type3A_1328 = arith.sitofp %add3A_1327 : i32 to f32
        %get3A_1329 = arith.constant 0 : index
        %get3A_1330 = tpu.vector_load %arg8[%get3A_1329] {strides = array<i32>} : memref<128xf32, #tpu.memory_space<vmem>>, vector<16xf32>,
        %get3A_1331 = vector.shape_cast %get3A_1330 : vector<16xf32> to vector<16xf32>
        %get3A_1332 = arith.constant 16 : index
        %get3A_1333 = tpu.vector_load %arg8[%get3A_1332] {strides = array<i32>} : memref<128xf32, #tpu.memory_space<vmem>>, vector<16xf32>,
        %get3A_1334 = vector.shape_cast %get3A_1333 : vector<16xf32> to vector<16xf32>
        %get3A_1335 = arith.constant 32 : index
        %get3A_1336 = tpu.vector_load %arg8[%get3A_1335] {strides = array<i32>} : memref<128xf32, #tpu.memory_space<vmem>>, vector<16xf32>,
        %get3A_1337 = vector.shape_cast %get3A_1336 : vector<16xf32> to vector<16xf32>
        %get3A_1338 = arith.constant 48 : index
        %get3A_1339 = tpu.vector_load %arg8[%get3A_1338] {strides = array<i32>} : memref<128xf32, #tpu.memory_space<vmem>>, vector<16xf32>,
        %get3A_1340 = vector.shape_cast %get3A_1339 : vector<16xf32> to vector<16xf32>
        %get3A_1341 = arith.constant 64 : index
        %get3A_1342 = tpu.vector_load %arg8[%get3A_1341] {strides = array<i32>} : memref<128xf32, #tpu.memory_space<vmem>>, vector<16xf32>,
        %get3A_1343 = vector.shape_cast %get3A_1342 : vector<16xf32> to vector<16xf32>
        %get3A_1344 = arith.constant 80 : index
        %get3A_1345 = tpu.vector_load %arg8[%get3A_1344] {strides = array<i32>} : memref<128xf32, #tpu.memory_space<vmem>>, vector<16xf32>,
        %get3A_1346 = vector.shape_cast %get3A_1345 : vector<16xf32> to vector<16xf32>
        %get3A_1347 = arith.constant 96 : index
        %get3A_1348 = tpu.vector_load %arg8[%get3A_1347] {strides = array<i32>} : memref<128xf32, #tpu.memory_space<vmem>>, vector<16xf32>,
        %get3A_1349 = vector.shape_cast %get3A_1348 : vector<16xf32> to vector<16xf32>
        %get3A_1350 = arith.constant 112 : index
        %get3A_1351 = tpu.vector_load %arg8[%get3A_1350] {strides = array<i32>} : memref<128xf32, #tpu.memory_space<vmem>>, vector<16xf32>,
        %get3A_1352 = vector.shape_cast %get3A_1351 : vector<16xf32> to vector<16xf32>
        %max3A_1353 = arith.maximumf %get3A_1331, %get3A_1334 : vector<16xf32>
        %max3A_1354 = arith.maximumf %max3A_1353, %get3A_1337 : vector<16xf32>
        %max3A_1355 = arith.maximumf %max3A_1354, %get3A_1340 : vector<16xf32>
        %max3A_1356 = arith.maximumf %max3A_1355, %get3A_1343 : vector<16xf32>
        %max3A_1357 = arith.maximumf %max3A_1356, %get3A_1346 : vector<16xf32>
        %max3A_1358 = arith.maximumf %max3A_1357, %get3A_1349 : vector<16xf32>
        %max3A_1359 = arith.maximumf %max3A_1358, %get3A_1352 : vector<16xf32>
        %lt3A_1360 = arith.constant 0 : i32
        %lt3A_1361 = vector.broadcast %lt3A_1360 : i32 to vector<16xi32>
        %lt3A_1362 = arith.cmpi slt, %select_n3A_111, %lt3A_1361 : vector<16xi32>
        %add3A_1363 = arith.constant 16 : i32
        %add3A_1364 = vector.broadcast %add3A_1363 : i32 to vector<16xi32>
        %add3A_1365 = arith.addi %select_n3A_111, %add3A_1364 : vector<16xi32>
        %select_n3A_1366 = arith.select %lt3A_1362, %add3A_1365, %select_n3A_111 : vector<16xi1>, vector<16xi32>
        %broadcast_in_dim3A_1367 = vector.shape_cast %select_n3A_1366 : vector<16xi32> to vector<16x1xi32>
        %gather3A_1368 = vector.shape_cast %broadcast_in_dim3A_1367 : vector<16x1xi32> to vector<16xi32>
        %gather3A_1369 = tpu.dynamic_gather %max3A_1359[%gather3A_1368] in [0] : vector<16xf32>, vector<16xi32> -> vector<16xf32>
        %max3A_1370 = arith.maximumf %max3A_1359, %gather3A_1369 : vector<16xf32>
        %lt3A_1371 = arith.constant 0 : i32
        %lt3A_1372 = vector.broadcast %lt3A_1371 : i32 to vector<16xi32>
        %lt3A_1373 = arith.cmpi slt, %select_n3A_137, %lt3A_1372 : vector<16xi32>
        %add3A_1374 = arith.constant 16 : i32
        %add3A_1375 = vector.broadcast %add3A_1374 : i32 to vector<16xi32>
        %add3A_1376 = arith.addi %select_n3A_137, %add3A_1375 : vector<16xi32>
        %select_n3A_1377 = arith.select %lt3A_1373, %add3A_1376, %select_n3A_137 : vector<16xi1>, vector<16xi32>
        %broadcast_in_dim3A_1378 = vector.shape_cast %select_n3A_1377 : vector<16xi32> to vector<16x1xi32>
        %gather3A_1379 = vector.shape_cast %broadcast_in_dim3A_1378 : vector<16x1xi32> to vector<16xi32>
        %gather3A_1380 = tpu.dynamic_gather %max3A_1370[%gather3A_1379] in [0] : vector<16xf32>, vector<16xi32> -> vector<16xf32>
        %max3A_1381 = arith.maximumf %max3A_1370, %gather3A_1380 : vector<16xf32>
        %lt3A_1382 = arith.constant 0 : i32
        %lt3A_1383 = vector.broadcast %lt3A_1382 : i32 to vector<16xi32>
        %lt3A_1384 = arith.cmpi slt, %select_n3A_163, %lt3A_1383 : vector<16xi32>
        %add3A_1385 = arith.constant 16 : i32
        %add3A_1386 = vector.broadcast %add3A_1385 : i32 to vector<16xi32>
        %add3A_1387 = arith.addi %select_n3A_163, %add3A_1386 : vector<16xi32>
        %select_n3A_1388 = arith.select %lt3A_1384, %add3A_1387, %select_n3A_163 : vector<16xi1>, vector<16xi32>
        %broadcast_in_dim3A_1389 = vector.shape_cast %select_n3A_1388 : vector<16xi32> to vector<16x1xi32>
        %gather3A_1390 = vector.shape_cast %broadcast_in_dim3A_1389 : vector<16x1xi32> to vector<16xi32>
        %gather3A_1391 = tpu.dynamic_gather %max3A_1381[%gather3A_1390] in [0] : vector<16xf32>, vector<16xi32> -> vector<16xf32>
        %max3A_1392 = arith.maximumf %max3A_1381, %gather3A_1391 : vector<16xf32>
        %lt3A_1393 = arith.constant 0 : i32
        %lt3A_1394 = vector.broadcast %lt3A_1393 : i32 to vector<16xi32>
        %lt3A_1395 = arith.cmpi slt, %select_n3A_189, %lt3A_1394 : vector<16xi32>
        %add3A_1396 = arith.constant 16 : i32
        %add3A_1397 = vector.broadcast %add3A_1396 : i32 to vector<16xi32>
        %add3A_1398 = arith.addi %select_n3A_189, %add3A_1397 : vector<16xi32>
        %select_n3A_1399 = arith.select %lt3A_1395, %add3A_1398, %select_n3A_189 : vector<16xi1>, vector<16xi32>
        %broadcast_in_dim3A_1400 = vector.shape_cast %select_n3A_1399 : vector<16xi32> to vector<16x1xi32>
        %gather3A_1401 = vector.shape_cast %broadcast_in_dim3A_1400 : vector<16x1xi32> to vector<16xi32>
        %gather3A_1402 = tpu.dynamic_gather %max3A_1392[%gather3A_1401] in [0] : vector<16xf32>, vector<16xi32> -> vector<16xf32>
        %max3A_1403 = arith.maximumf %max3A_1392, %gather3A_1402 : vector<16xf32>
        %broadcast_in_dim3A_1404 = arith.constant 128 : i32
        %broadcast_in_dim3A_1405 = vector.broadcast %broadcast_in_dim3A_1404 : i32 to vector<16xi32>
        %eq3A_1406 = arith.cmpf oeq, %get3A_1331, %max3A_1403 : vector<16xf32>
        %jit3A_1407 = arith.constant 128 : i32
        %broadcast_in_dim3A_1408 = vector.broadcast %jit3A_1407 : i32 to vector<16xi32>
        %select_n3A_1409 = arith.select %eq3A_1406, %add3A_63, %broadcast_in_dim3A_1408 : vector<16xi1>, vector<16xi32>
        %min3A_1410 = arith.minsi %broadcast_in_dim3A_1405, %select_n3A_1409 : vector<16xi32>
        %eq3A_1411 = arith.cmpf oeq, %get3A_1334, %max3A_1403 : vector<16xf32>
        %jit3A_1412 = arith.constant 128 : i32
        %broadcast_in_dim3A_1413 = vector.broadcast %jit3A_1412 : i32 to vector<16xi32>
        %select_n3A_1414 = arith.select %eq3A_1411, %add3A_67, %broadcast_in_dim3A_1413 : vector<16xi1>, vector<16xi32>
        %min3A_1415 = arith.minsi %min3A_1410, %select_n3A_1414 : vector<16xi32>
        %eq3A_1416 = arith.cmpf oeq, %get3A_1337, %max3A_1403 : vector<16xf32>
        %jit3A_1417 = arith.constant 128 : i32
        %broadcast_in_dim3A_1418 = vector.broadcast %jit3A_1417 : i32 to vector<16xi32>
        %select_n3A_1419 = arith.select %eq3A_1416, %add3A_71, %broadcast_in_dim3A_1418 : vector<16xi1>, vector<16xi32>
        %min3A_1420 = arith.minsi %min3A_1415, %select_n3A_1419 : vector<16xi32>
        %eq3A_1421 = arith.cmpf oeq, %get3A_1340, %max3A_1403 : vector<16xf32>
        %jit3A_1422 = arith.constant 128 : i32
        %broadcast_in_dim3A_1423 = vector.broadcast %jit3A_1422 : i32 to vector<16xi32>
        %select_n3A_1424 = arith.select %eq3A_1421, %add3A_75, %broadcast_in_dim3A_1423 : vector<16xi1>, vector<16xi32>
        %min3A_1425 = arith.minsi %min3A_1420, %select_n3A_1424 : vector<16xi32>
        %eq3A_1426 = arith.cmpf oeq, %get3A_1343, %max3A_1403 : vector<16xf32>
        %jit3A_1427 = arith.constant 128 : i32
        %broadcast_in_dim3A_1428 = vector.broadcast %jit3A_1427 : i32 to vector<16xi32>
        %select_n3A_1429 = arith.select %eq3A_1426, %add3A_79, %broadcast_in_dim3A_1428 : vector<16xi1>, vector<16xi32>
        %min3A_1430 = arith.minsi %min3A_1425, %select_n3A_1429 : vector<16xi32>
        %eq3A_1431 = arith.cmpf oeq, %get3A_1346, %max3A_1403 : vector<16xf32>
        %jit3A_1432 = arith.constant 128 : i32
        %broadcast_in_dim3A_1433 = vector.broadcast %jit3A_1432 : i32 to vector<16xi32>
        %select_n3A_1434 = arith.select %eq3A_1431, %add3A_83, %broadcast_in_dim3A_1433 : vector<16xi1>, vector<16xi32>
        %min3A_1435 = arith.minsi %min3A_1430, %select_n3A_1434 : vector<16xi32>
        %eq3A_1436 = arith.cmpf oeq, %get3A_1349, %max3A_1403 : vector<16xf32>
        %jit3A_1437 = arith.constant 128 : i32
        %broadcast_in_dim3A_1438 = vector.broadcast %jit3A_1437 : i32 to vector<16xi32>
        %select_n3A_1439 = arith.select %eq3A_1436, %add3A_87, %broadcast_in_dim3A_1438 : vector<16xi1>, vector<16xi32>
        %min3A_1440 = arith.minsi %min3A_1435, %select_n3A_1439 : vector<16xi32>
        %eq3A_1441 = arith.cmpf oeq, %get3A_1352, %max3A_1403 : vector<16xf32>
        %jit3A_1442 = arith.constant 128 : i32
        %broadcast_in_dim3A_1443 = vector.broadcast %jit3A_1442 : i32 to vector<16xi32>
        %select_n3A_1444 = arith.select %eq3A_1441, %add3A_91, %broadcast_in_dim3A_1443 : vector<16xi1>, vector<16xi32>
        %min3A_1445 = arith.minsi %min3A_1440, %select_n3A_1444 : vector<16xi32>
        %lt3A_1446 = arith.constant 0 : i32
        %lt3A_1447 = vector.broadcast %lt3A_1446 : i32 to vector<16xi32>
        %lt3A_1448 = arith.cmpi slt, %select_n3A_111, %lt3A_1447 : vector<16xi32>
        %add3A_1449 = arith.constant 16 : i32
        %add3A_1450 = vector.broadcast %add3A_1449 : i32 to vector<16xi32>
        %add3A_1451 = arith.addi %select_n3A_111, %add3A_1450 : vector<16xi32>
        %select_n3A_1452 = arith.select %lt3A_1448, %add3A_1451, %select_n3A_111 : vector<16xi1>, vector<16xi32>
        %broadcast_in_dim3A_1453 = vector.shape_cast %select_n3A_1452 : vector<16xi32> to vector<16x1xi32>
        %gather3A_1454 = vector.shape_cast %broadcast_in_dim3A_1453 : vector<16x1xi32> to vector<16xi32>
        %gather3A_1455 = tpu.dynamic_gather %min3A_1445[%gather3A_1454] in [0] : vector<16xi32>, vector<16xi32> -> vector<16xi32>
        %min3A_1456 = arith.minsi %min3A_1445, %gather3A_1455 : vector<16xi32>
        %lt3A_1457 = arith.constant 0 : i32
        %lt3A_1458 = vector.broadcast %lt3A_1457 : i32 to vector<16xi32>
        %lt3A_1459 = arith.cmpi slt, %select_n3A_137, %lt3A_1458 : vector<16xi32>
        %add3A_1460 = arith.constant 16 : i32
        %add3A_1461 = vector.broadcast %add3A_1460 : i32 to vector<16xi32>
        %add3A_1462 = arith.addi %select_n3A_137, %add3A_1461 : vector<16xi32>
        %select_n3A_1463 = arith.select %lt3A_1459, %add3A_1462, %select_n3A_137 : vector<16xi1>, vector<16xi32>
        %broadcast_in_dim3A_1464 = vector.shape_cast %select_n3A_1463 : vector<16xi32> to vector<16x1xi32>
        %gather3A_1465 = vector.shape_cast %broadcast_in_dim3A_1464 : vector<16x1xi32> to vector<16xi32>
        %gather3A_1466 = tpu.dynamic_gather %min3A_1456[%gather3A_1465] in [0] : vector<16xi32>, vector<16xi32> -> vector<16xi32>
        %min3A_1467 = arith.minsi %min3A_1456, %gather3A_1466 : vector<16xi32>
        %lt3A_1468 = arith.constant 0 : i32
        %lt3A_1469 = vector.broadcast %lt3A_1468 : i32 to vector<16xi32>
        %lt3A_1470 = arith.cmpi slt, %select_n3A_163, %lt3A_1469 : vector<16xi32>
        %add3A_1471 = arith.constant 16 : i32
        %add3A_1472 = vector.broadcast %add3A_1471 : i32 to vector<16xi32>
        %add3A_1473 = arith.addi %select_n3A_163, %add3A_1472 : vector<16xi32>
        %select_n3A_1474 = arith.select %lt3A_1470, %add3A_1473, %select_n3A_163 : vector<16xi1>, vector<16xi32>
        %broadcast_in_dim3A_1475 = vector.shape_cast %select_n3A_1474 : vector<16xi32> to vector<16x1xi32>
        %gather3A_1476 = vector.shape_cast %broadcast_in_dim3A_1475 : vector<16x1xi32> to vector<16xi32>
        %gather3A_1477 = tpu.dynamic_gather %min3A_1467[%gather3A_1476] in [0] : vector<16xi32>, vector<16xi32> -> vector<16xi32>
        %min3A_1478 = arith.minsi %min3A_1467, %gather3A_1477 : vector<16xi32>
        %lt3A_1479 = arith.constant 0 : i32
        %lt3A_1480 = vector.broadcast %lt3A_1479 : i32 to vector<16xi32>
        %lt3A_1481 = arith.cmpi slt, %select_n3A_189, %lt3A_1480 : vector<16xi32>
        %add3A_1482 = arith.constant 16 : i32
        %add3A_1483 = vector.broadcast %add3A_1482 : i32 to vector<16xi32>
        %add3A_1484 = arith.addi %select_n3A_189, %add3A_1483 : vector<16xi32>
        %select_n3A_1485 = arith.select %lt3A_1481, %add3A_1484, %select_n3A_189 : vector<16xi1>, vector<16xi32>
        %broadcast_in_dim3A_1486 = vector.shape_cast %select_n3A_1485 : vector<16xi32> to vector<16x1xi32>
        %gather3A_1487 = vector.shape_cast %broadcast_in_dim3A_1486 : vector<16x1xi32> to vector<16xi32>
        %gather3A_1488 = tpu.dynamic_gather %min3A_1478[%gather3A_1487] in [0] : vector<16xi32>, vector<16xi32> -> vector<16xi32>
        %min3A_1489 = arith.minsi %min3A_1478, %gather3A_1488 : vector<16xi32>
        %slice3A_1490 = vector.extract_strided_slice %min3A_1489 {offsets = [0], sizes = [1], strides = [1]} : vector<16xi32> to vector<1xi32>
        %squeeze3A_1491 = vector.extract %slice3A_1490[0] : i32 from vector<1xi32>
        %broadcast_in_dim3A_1492 = vector.broadcast %convert_element_type3A_1328 : f32 to vector<16xf32>
        %le3A_1493 = arith.cmpf ole, %broadcast_in_dim3A_1492, %get3A_36 : vector<16xf32>
        %broadcast_in_dim3A_1494 = vector.broadcast %squeeze3A_1491 : i32 to vector<16xi32>
        %eq3A_1495 = arith.cmpi eq, %add3A_63, %broadcast_in_dim3A_1494 : vector<16xi32>
        %get3A_1496 = arith.index_cast %squeeze3A_1491 : i32 to index
        %get3A_1497 = arith.constant 0 : index
        %get3A_1498 = tpu.vector_load %arg7[%get3A_1496, %get3A_1497] {strides = array<i32>} : memref<128x128xf32, #tpu.memory_space<vmem>>, vector<1x16xf32>,
        %get3A_1499 = vector.shape_cast %get3A_1498 : vector<1x16xf32> to vector<16xf32>
        %get3A_1500 = arith.constant 0 : index
        %get3A_1501 = tpu.vector_load %arg11[%get3A_1500] {strides = array<i32>} : memref<128xf32, #tpu.memory_space<vmem>>, vector<16xf32>,
        %get3A_1502 = vector.shape_cast %get3A_1501 : vector<16xf32> to vector<16xf32>
        %and3A_1503 = arith.andi %le3A_1493, %eq3A_1495 : vector<16xi1>
        %jit3A_1504 = arith.constant 1.000000e+00 : f32
        %broadcast_in_dim3A_1505 = vector.broadcast %jit3A_1504 : f32 to vector<16xf32>
        %select_n3A_1506 = arith.select %and3A_1503, %broadcast_in_dim3A_1505, %get3A_1502 : vector<16xi1>, vector<16xf32>
        %swap3A_1507 = arith.constant 0 : index
        %swap3A_1508 = tpu.vector_load %arg11[%swap3A_1507] {strides = array<i32>} : memref<128xf32, #tpu.memory_space<vmem>>, vector<16xf32>,
        %swap3A_1509 = vector.shape_cast %swap3A_1508 : vector<16xf32> to vector<16xf32>
        %swap3A_1510 = vector.shape_cast %select_n3A_1506 : vector<16xf32> to vector<16xf32>
        tpu.vector_store %arg11[%swap3A_1507], %swap3A_1510 {strides = array<i32>} : memref<128xf32, #tpu.memory_space<vmem>>, vector<16xf32>,
        %add3A_1511 = arith.addf %get3A_1331, %get3A_39 : vector<16xf32>
        %sub3A_1512 = arith.subf %add3A_1511, %get3A_1499 : vector<16xf32>
        %jit3A_1513 = arith.constant 0xFF800000 : f32
        %broadcast_in_dim3A_1514 = vector.broadcast %jit3A_1513 : f32 to vector<16xf32>
        %select_n3A_1515 = arith.select %eq3A_1495, %broadcast_in_dim3A_1514, %sub3A_1512 : vector<16xi1>, vector<16xf32>
        %select_n3A_1516 = arith.select %le3A_1493, %select_n3A_1515, %get3A_1331 : vector<16xi1>, vector<16xf32>
        %swap3A_1517 = arith.constant 0 : index
        %swap3A_1518 = tpu.vector_load %arg8[%swap3A_1517] {strides = array<i32>} : memref<128xf32, #tpu.memory_space<vmem>>, vector<16xf32>,
        %swap3A_1519 = vector.shape_cast %swap3A_1518 : vector<16xf32> to vector<16xf32>
        %swap3A_1520 = vector.shape_cast %select_n3A_1516 : vector<16xf32> to vector<16xf32>
        tpu.vector_store %arg8[%swap3A_1517], %swap3A_1520 {strides = array<i32>} : memref<128xf32, #tpu.memory_space<vmem>>, vector<16xf32>,
        %eq3A_1521 = arith.cmpi eq, %add3A_67, %broadcast_in_dim3A_1494 : vector<16xi32>
        %get3A_1522 = arith.index_cast %squeeze3A_1491 : i32 to index
        %get3A_1523 = arith.constant 16 : index
        %get3A_1524 = tpu.vector_load %arg7[%get3A_1522, %get3A_1523] {strides = array<i32>} : memref<128x128xf32, #tpu.memory_space<vmem>>, vector<1x16xf32>,
        %get3A_1525 = vector.shape_cast %get3A_1524 : vector<1x16xf32> to vector<16xf32>
        %get3A_1526 = arith.constant 16 : index
        %get3A_1527 = tpu.vector_load %arg11[%get3A_1526] {strides = array<i32>} : memref<128xf32, #tpu.memory_space<vmem>>, vector<16xf32>,
        %get3A_1528 = vector.shape_cast %get3A_1527 : vector<16xf32> to vector<16xf32>
        %and3A_1529 = arith.andi %le3A_1493, %eq3A_1521 : vector<16xi1>
        %jit3A_1530 = arith.constant 1.000000e+00 : f32
        %broadcast_in_dim3A_1531 = vector.broadcast %jit3A_1530 : f32 to vector<16xf32>
        %select_n3A_1532 = arith.select %and3A_1529, %broadcast_in_dim3A_1531, %get3A_1528 : vector<16xi1>, vector<16xf32>
        %swap3A_1533 = arith.constant 16 : index
        %swap3A_1534 = tpu.vector_load %arg11[%swap3A_1533] {strides = array<i32>} : memref<128xf32, #tpu.memory_space<vmem>>, vector<16xf32>,
        %swap3A_1535 = vector.shape_cast %swap3A_1534 : vector<16xf32> to vector<16xf32>
        %swap3A_1536 = vector.shape_cast %select_n3A_1532 : vector<16xf32> to vector<16xf32>
        tpu.vector_store %arg11[%swap3A_1533], %swap3A_1536 {strides = array<i32>} : memref<128xf32, #tpu.memory_space<vmem>>, vector<16xf32>,
        %add3A_1537 = arith.addf %get3A_1334, %get3A_42 : vector<16xf32>
        %sub3A_1538 = arith.subf %add3A_1537, %get3A_1525 : vector<16xf32>
        %jit3A_1539 = arith.constant 0xFF800000 : f32
        %broadcast_in_dim3A_1540 = vector.broadcast %jit3A_1539 : f32 to vector<16xf32>
        %select_n3A_1541 = arith.select %eq3A_1521, %broadcast_in_dim3A_1540, %sub3A_1538 : vector<16xi1>, vector<16xf32>
        %select_n3A_1542 = arith.select %le3A_1493, %select_n3A_1541, %get3A_1334 : vector<16xi1>, vector<16xf32>
        %swap3A_1543 = arith.constant 16 : index
        %swap3A_1544 = tpu.vector_load %arg8[%swap3A_1543] {strides = array<i32>} : memref<128xf32, #tpu.memory_space<vmem>>, vector<16xf32>,
        %swap3A_1545 = vector.shape_cast %swap3A_1544 : vector<16xf32> to vector<16xf32>
        %swap3A_1546 = vector.shape_cast %select_n3A_1542 : vector<16xf32> to vector<16xf32>
        tpu.vector_store %arg8[%swap3A_1543], %swap3A_1546 {strides = array<i32>} : memref<128xf32, #tpu.memory_space<vmem>>, vector<16xf32>,
        %eq3A_1547 = arith.cmpi eq, %add3A_71, %broadcast_in_dim3A_1494 : vector<16xi32>
        %get3A_1548 = arith.index_cast %squeeze3A_1491 : i32 to index
        %get3A_1549 = arith.constant 32 : index
        %get3A_1550 = tpu.vector_load %arg7[%get3A_1548, %get3A_1549] {strides = array<i32>} : memref<128x128xf32, #tpu.memory_space<vmem>>, vector<1x16xf32>,
        %get3A_1551 = vector.shape_cast %get3A_1550 : vector<1x16xf32> to vector<16xf32>
        %get3A_1552 = arith.constant 32 : index
        %get3A_1553 = tpu.vector_load %arg11[%get3A_1552] {strides = array<i32>} : memref<128xf32, #tpu.memory_space<vmem>>, vector<16xf32>,
        %get3A_1554 = vector.shape_cast %get3A_1553 : vector<16xf32> to vector<16xf32>
        %and3A_1555 = arith.andi %le3A_1493, %eq3A_1547 : vector<16xi1>
        %jit3A_1556 = arith.constant 1.000000e+00 : f32
        %broadcast_in_dim3A_1557 = vector.broadcast %jit3A_1556 : f32 to vector<16xf32>
        %select_n3A_1558 = arith.select %and3A_1555, %broadcast_in_dim3A_1557, %get3A_1554 : vector<16xi1>, vector<16xf32>
        %swap3A_1559 = arith.constant 32 : index
        %swap3A_1560 = tpu.vector_load %arg11[%swap3A_1559] {strides = array<i32>} : memref<128xf32, #tpu.memory_space<vmem>>, vector<16xf32>,
        %swap3A_1561 = vector.shape_cast %swap3A_1560 : vector<16xf32> to vector<16xf32>
        %swap3A_1562 = vector.shape_cast %select_n3A_1558 : vector<16xf32> to vector<16xf32>
        tpu.vector_store %arg11[%swap3A_1559], %swap3A_1562 {strides = array<i32>} : memref<128xf32, #tpu.memory_space<vmem>>, vector<16xf32>,
        %add3A_1563 = arith.addf %get3A_1337, %get3A_45 : vector<16xf32>
        %sub3A_1564 = arith.subf %add3A_1563, %get3A_1551 : vector<16xf32>
        %jit3A_1565 = arith.constant 0xFF800000 : f32
        %broadcast_in_dim3A_1566 = vector.broadcast %jit3A_1565 : f32 to vector<16xf32>
        %select_n3A_1567 = arith.select %eq3A_1547, %broadcast_in_dim3A_1566, %sub3A_1564 : vector<16xi1>, vector<16xf32>
        %select_n3A_1568 = arith.select %le3A_1493, %select_n3A_1567, %get3A_1337 : vector<16xi1>, vector<16xf32>
        %swap3A_1569 = arith.constant 32 : index
        %swap3A_1570 = tpu.vector_load %arg8[%swap3A_1569] {strides = array<i32>} : memref<128xf32, #tpu.memory_space<vmem>>, vector<16xf32>,
        %swap3A_1571 = vector.shape_cast %swap3A_1570 : vector<16xf32> to vector<16xf32>
        %swap3A_1572 = vector.shape_cast %select_n3A_1568 : vector<16xf32> to vector<16xf32>
        tpu.vector_store %arg8[%swap3A_1569], %swap3A_1572 {strides = array<i32>} : memref<128xf32, #tpu.memory_space<vmem>>, vector<16xf32>,
        %eq3A_1573 = arith.cmpi eq, %add3A_75, %broadcast_in_dim3A_1494 : vector<16xi32>
        %get3A_1574 = arith.index_cast %squeeze3A_1491 : i32 to index
        %get3A_1575 = arith.constant 48 : index
        %get3A_1576 = tpu.vector_load %arg7[%get3A_1574, %get3A_1575] {strides = array<i32>} : memref<128x128xf32, #tpu.memory_space<vmem>>, vector<1x16xf32>,
        %get3A_1577 = vector.shape_cast %get3A_1576 : vector<1x16xf32> to vector<16xf32>
        %get3A_1578 = arith.constant 48 : index
        %get3A_1579 = tpu.vector_load %arg11[%get3A_1578] {strides = array<i32>} : memref<128xf32, #tpu.memory_space<vmem>>, vector<16xf32>,
        %get3A_1580 = vector.shape_cast %get3A_1579 : vector<16xf32> to vector<16xf32>
        %and3A_1581 = arith.andi %le3A_1493, %eq3A_1573 : vector<16xi1>
        %jit3A_1582 = arith.constant 1.000000e+00 : f32
        %broadcast_in_dim3A_1583 = vector.broadcast %jit3A_1582 : f32 to vector<16xf32>
        %select_n3A_1584 = arith.select %and3A_1581, %broadcast_in_dim3A_1583, %get3A_1580 : vector<16xi1>, vector<16xf32>
        %swap3A_1585 = arith.constant 48 : index
        %swap3A_1586 = tpu.vector_load %arg11[%swap3A_1585] {strides = array<i32>} : memref<128xf32, #tpu.memory_space<vmem>>, vector<16xf32>,
        %swap3A_1587 = vector.shape_cast %swap3A_1586 : vector<16xf32> to vector<16xf32>
        %swap3A_1588 = vector.shape_cast %select_n3A_1584 : vector<16xf32> to vector<16xf32>
        tpu.vector_store %arg11[%swap3A_1585], %swap3A_1588 {strides = array<i32>} : memref<128xf32, #tpu.memory_space<vmem>>, vector<16xf32>,
        %add3A_1589 = arith.addf %get3A_1340, %get3A_48 : vector<16xf32>
        %sub3A_1590 = arith.subf %add3A_1589, %get3A_1577 : vector<16xf32>
        %jit3A_1591 = arith.constant 0xFF800000 : f32
        %broadcast_in_dim3A_1592 = vector.broadcast %jit3A_1591 : f32 to vector<16xf32>
        %select_n3A_1593 = arith.select %eq3A_1573, %broadcast_in_dim3A_1592, %sub3A_1590 : vector<16xi1>, vector<16xf32>
        %select_n3A_1594 = arith.select %le3A_1493, %select_n3A_1593, %get3A_1340 : vector<16xi1>, vector<16xf32>
        %swap3A_1595 = arith.constant 48 : index
        %swap3A_1596 = tpu.vector_load %arg8[%swap3A_1595] {strides = array<i32>} : memref<128xf32, #tpu.memory_space<vmem>>, vector<16xf32>,
        %swap3A_1597 = vector.shape_cast %swap3A_1596 : vector<16xf32> to vector<16xf32>
        %swap3A_1598 = vector.shape_cast %select_n3A_1594 : vector<16xf32> to vector<16xf32>
        tpu.vector_store %arg8[%swap3A_1595], %swap3A_1598 {strides = array<i32>} : memref<128xf32, #tpu.memory_space<vmem>>, vector<16xf32>,
        %eq3A_1599 = arith.cmpi eq, %add3A_79, %broadcast_in_dim3A_1494 : vector<16xi32>
        %get3A_1600 = arith.index_cast %squeeze3A_1491 : i32 to index
        %get3A_1601 = arith.constant 64 : index
        %get3A_1602 = tpu.vector_load %arg7[%get3A_1600, %get3A_1601] {strides = array<i32>} : memref<128x128xf32, #tpu.memory_space<vmem>>, vector<1x16xf32>,
        %get3A_1603 = vector.shape_cast %get3A_1602 : vector<1x16xf32> to vector<16xf32>
        %get3A_1604 = arith.constant 64 : index
        %get3A_1605 = tpu.vector_load %arg11[%get3A_1604] {strides = array<i32>} : memref<128xf32, #tpu.memory_space<vmem>>, vector<16xf32>,
        %get3A_1606 = vector.shape_cast %get3A_1605 : vector<16xf32> to vector<16xf32>
        %and3A_1607 = arith.andi %le3A_1493, %eq3A_1599 : vector<16xi1>
        %jit3A_1608 = arith.constant 1.000000e+00 : f32
        %broadcast_in_dim3A_1609 = vector.broadcast %jit3A_1608 : f32 to vector<16xf32>
        %select_n3A_1610 = arith.select %and3A_1607, %broadcast_in_dim3A_1609, %get3A_1606 : vector<16xi1>, vector<16xf32>
        %swap3A_1611 = arith.constant 64 : index
        %swap3A_1612 = tpu.vector_load %arg11[%swap3A_1611] {strides = array<i32>} : memref<128xf32, #tpu.memory_space<vmem>>, vector<16xf32>,
        %swap3A_1613 = vector.shape_cast %swap3A_1612 : vector<16xf32> to vector<16xf32>
        %swap3A_1614 = vector.shape_cast %select_n3A_1610 : vector<16xf32> to vector<16xf32>
        tpu.vector_store %arg11[%swap3A_1611], %swap3A_1614 {strides = array<i32>} : memref<128xf32, #tpu.memory_space<vmem>>, vector<16xf32>,
        %add3A_1615 = arith.addf %get3A_1343, %get3A_51 : vector<16xf32>
        %sub3A_1616 = arith.subf %add3A_1615, %get3A_1603 : vector<16xf32>
        %jit3A_1617 = arith.constant 0xFF800000 : f32
        %broadcast_in_dim3A_1618 = vector.broadcast %jit3A_1617 : f32 to vector<16xf32>
        %select_n3A_1619 = arith.select %eq3A_1599, %broadcast_in_dim3A_1618, %sub3A_1616 : vector<16xi1>, vector<16xf32>
        %select_n3A_1620 = arith.select %le3A_1493, %select_n3A_1619, %get3A_1343 : vector<16xi1>, vector<16xf32>
        %swap3A_1621 = arith.constant 64 : index
        %swap3A_1622 = tpu.vector_load %arg8[%swap3A_1621] {strides = array<i32>} : memref<128xf32, #tpu.memory_space<vmem>>, vector<16xf32>,
        %swap3A_1623 = vector.shape_cast %swap3A_1622 : vector<16xf32> to vector<16xf32>
        %swap3A_1624 = vector.shape_cast %select_n3A_1620 : vector<16xf32> to vector<16xf32>
        tpu.vector_store %arg8[%swap3A_1621], %swap3A_1624 {strides = array<i32>} : memref<128xf32, #tpu.memory_space<vmem>>, vector<16xf32>,
        %eq3A_1625 = arith.cmpi eq, %add3A_83, %broadcast_in_dim3A_1494 : vector<16xi32>
        %get3A_1626 = arith.index_cast %squeeze3A_1491 : i32 to index
        %get3A_1627 = arith.constant 80 : index
        %get3A_1628 = tpu.vector_load %arg7[%get3A_1626, %get3A_1627] {strides = array<i32>} : memref<128x128xf32, #tpu.memory_space<vmem>>, vector<1x16xf32>,
        %get3A_1629 = vector.shape_cast %get3A_1628 : vector<1x16xf32> to vector<16xf32>
        %get3A_1630 = arith.constant 80 : index
        %get3A_1631 = tpu.vector_load %arg11[%get3A_1630] {strides = array<i32>} : memref<128xf32, #tpu.memory_space<vmem>>, vector<16xf32>,
        %get3A_1632 = vector.shape_cast %get3A_1631 : vector<16xf32> to vector<16xf32>
        %and3A_1633 = arith.andi %le3A_1493, %eq3A_1625 : vector<16xi1>
        %jit3A_1634 = arith.constant 1.000000e+00 : f32
        %broadcast_in_dim3A_1635 = vector.broadcast %jit3A_1634 : f32 to vector<16xf32>
        %select_n3A_1636 = arith.select %and3A_1633, %broadcast_in_dim3A_1635, %get3A_1632 : vector<16xi1>, vector<16xf32>
        %swap3A_1637 = arith.constant 80 : index
        %swap3A_1638 = tpu.vector_load %arg11[%swap3A_1637] {strides = array<i32>} : memref<128xf32, #tpu.memory_space<vmem>>, vector<16xf32>,
        %swap3A_1639 = vector.shape_cast %swap3A_1638 : vector<16xf32> to vector<16xf32>
        %swap3A_1640 = vector.shape_cast %select_n3A_1636 : vector<16xf32> to vector<16xf32>
        tpu.vector_store %arg11[%swap3A_1637], %swap3A_1640 {strides = array<i32>} : memref<128xf32, #tpu.memory_space<vmem>>, vector<16xf32>,
        %add3A_1641 = arith.addf %get3A_1346, %get3A_54 : vector<16xf32>
        %sub3A_1642 = arith.subf %add3A_1641, %get3A_1629 : vector<16xf32>
        %jit3A_1643 = arith.constant 0xFF800000 : f32
        %broadcast_in_dim3A_1644 = vector.broadcast %jit3A_1643 : f32 to vector<16xf32>
        %select_n3A_1645 = arith.select %eq3A_1625, %broadcast_in_dim3A_1644, %sub3A_1642 : vector<16xi1>, vector<16xf32>
        %select_n3A_1646 = arith.select %le3A_1493, %select_n3A_1645, %get3A_1346 : vector<16xi1>, vector<16xf32>
        %swap3A_1647 = arith.constant 80 : index
        %swap3A_1648 = tpu.vector_load %arg8[%swap3A_1647] {strides = array<i32>} : memref<128xf32, #tpu.memory_space<vmem>>, vector<16xf32>,
        %swap3A_1649 = vector.shape_cast %swap3A_1648 : vector<16xf32> to vector<16xf32>
        %swap3A_1650 = vector.shape_cast %select_n3A_1646 : vector<16xf32> to vector<16xf32>
        tpu.vector_store %arg8[%swap3A_1647], %swap3A_1650 {strides = array<i32>} : memref<128xf32, #tpu.memory_space<vmem>>, vector<16xf32>,
        %eq3A_1651 = arith.cmpi eq, %add3A_87, %broadcast_in_dim3A_1494 : vector<16xi32>
        %get3A_1652 = arith.index_cast %squeeze3A_1491 : i32 to index
        %get3A_1653 = arith.constant 96 : index
        %get3A_1654 = tpu.vector_load %arg7[%get3A_1652, %get3A_1653] {strides = array<i32>} : memref<128x128xf32, #tpu.memory_space<vmem>>, vector<1x16xf32>,
        %get3A_1655 = vector.shape_cast %get3A_1654 : vector<1x16xf32> to vector<16xf32>
        %get3A_1656 = arith.constant 96 : index
        %get3A_1657 = tpu.vector_load %arg11[%get3A_1656] {strides = array<i32>} : memref<128xf32, #tpu.memory_space<vmem>>, vector<16xf32>,
        %get3A_1658 = vector.shape_cast %get3A_1657 : vector<16xf32> to vector<16xf32>
        %and3A_1659 = arith.andi %le3A_1493, %eq3A_1651 : vector<16xi1>
        %jit3A_1660 = arith.constant 1.000000e+00 : f32
        %broadcast_in_dim3A_1661 = vector.broadcast %jit3A_1660 : f32 to vector<16xf32>
        %select_n3A_1662 = arith.select %and3A_1659, %broadcast_in_dim3A_1661, %get3A_1658 : vector<16xi1>, vector<16xf32>
        %swap3A_1663 = arith.constant 96 : index
        %swap3A_1664 = tpu.vector_load %arg11[%swap3A_1663] {strides = array<i32>} : memref<128xf32, #tpu.memory_space<vmem>>, vector<16xf32>,
        %swap3A_1665 = vector.shape_cast %swap3A_1664 : vector<16xf32> to vector<16xf32>
        %swap3A_1666 = vector.shape_cast %select_n3A_1662 : vector<16xf32> to vector<16xf32>
        tpu.vector_store %arg11[%swap3A_1663], %swap3A_1666 {strides = array<i32>} : memref<128xf32, #tpu.memory_space<vmem>>, vector<16xf32>,
        %add3A_1667 = arith.addf %get3A_1349, %get3A_57 : vector<16xf32>
        %sub3A_1668 = arith.subf %add3A_1667, %get3A_1655 : vector<16xf32>
        %jit3A_1669 = arith.constant 0xFF800000 : f32
        %broadcast_in_dim3A_1670 = vector.broadcast %jit3A_1669 : f32 to vector<16xf32>
        %select_n3A_1671 = arith.select %eq3A_1651, %broadcast_in_dim3A_1670, %sub3A_1668 : vector<16xi1>, vector<16xf32>
        %select_n3A_1672 = arith.select %le3A_1493, %select_n3A_1671, %get3A_1349 : vector<16xi1>, vector<16xf32>
        %swap3A_1673 = arith.constant 96 : index
        %swap3A_1674 = tpu.vector_load %arg8[%swap3A_1673] {strides = array<i32>} : memref<128xf32, #tpu.memory_space<vmem>>, vector<16xf32>,
        %swap3A_1675 = vector.shape_cast %swap3A_1674 : vector<16xf32> to vector<16xf32>
        %swap3A_1676 = vector.shape_cast %select_n3A_1672 : vector<16xf32> to vector<16xf32>
        tpu.vector_store %arg8[%swap3A_1673], %swap3A_1676 {strides = array<i32>} : memref<128xf32, #tpu.memory_space<vmem>>, vector<16xf32>,
        %eq3A_1677 = arith.cmpi eq, %add3A_91, %broadcast_in_dim3A_1494 : vector<16xi32>
        %get3A_1678 = arith.index_cast %squeeze3A_1491 : i32 to index
        %get3A_1679 = arith.constant 112 : index
        %get3A_1680 = tpu.vector_load %arg7[%get3A_1678, %get3A_1679] {strides = array<i32>} : memref<128x128xf32, #tpu.memory_space<vmem>>, vector<1x16xf32>,
        %get3A_1681 = vector.shape_cast %get3A_1680 : vector<1x16xf32> to vector<16xf32>
        %get3A_1682 = arith.constant 112 : index
        %get3A_1683 = tpu.vector_load %arg11[%get3A_1682] {strides = array<i32>} : memref<128xf32, #tpu.memory_space<vmem>>, vector<16xf32>,
        %get3A_1684 = vector.shape_cast %get3A_1683 : vector<16xf32> to vector<16xf32>
        %and3A_1685 = arith.andi %le3A_1493, %eq3A_1677 : vector<16xi1>
        %jit3A_1686 = arith.constant 1.000000e+00 : f32
        %broadcast_in_dim3A_1687 = vector.broadcast %jit3A_1686 : f32 to vector<16xf32>
        %select_n3A_1688 = arith.select %and3A_1685, %broadcast_in_dim3A_1687, %get3A_1684 : vector<16xi1>, vector<16xf32>
        %swap3A_1689 = arith.constant 112 : index
        %swap3A_1690 = tpu.vector_load %arg11[%swap3A_1689] {strides = array<i32>} : memref<128xf32, #tpu.memory_space<vmem>>, vector<16xf32>,
        %swap3A_1691 = vector.shape_cast %swap3A_1690 : vector<16xf32> to vector<16xf32>
        %swap3A_1692 = vector.shape_cast %select_n3A_1688 : vector<16xf32> to vector<16xf32>
        tpu.vector_store %arg11[%swap3A_1689], %swap3A_1692 {strides = array<i32>} : memref<128xf32, #tpu.memory_space<vmem>>, vector<16xf32>,
        %add3A_1693 = arith.addf %get3A_1352, %get3A_60 : vector<16xf32>
        %sub3A_1694 = arith.subf %add3A_1693, %get3A_1681 : vector<16xf32>
        %jit3A_1695 = arith.constant 0xFF800000 : f32
        %broadcast_in_dim3A_1696 = vector.broadcast %jit3A_1695 : f32 to vector<16xf32>
        %select_n3A_1697 = arith.select %eq3A_1677, %broadcast_in_dim3A_1696, %sub3A_1694 : vector<16xi1>, vector<16xf32>
        %select_n3A_1698 = arith.select %le3A_1493, %select_n3A_1697, %get3A_1352 : vector<16xi1>, vector<16xf32>
        %swap3A_1699 = arith.constant 112 : index
        %swap3A_1700 = tpu.vector_load %arg8[%swap3A_1699] {strides = array<i32>} : memref<128xf32, #tpu.memory_space<vmem>>, vector<16xf32>,
        %swap3A_1701 = vector.shape_cast %swap3A_1700 : vector<16xf32> to vector<16xf32>
        %swap3A_1702 = vector.shape_cast %select_n3A_1698 : vector<16xf32> to vector<16xf32>
        tpu.vector_store %arg8[%swap3A_1699], %swap3A_1702 {strides = array<i32>} : memref<128xf32, #tpu.memory_space<vmem>>, vector<16xf32>,
      }
      %scan3A_194 = arith.constant 64 : i32
      "tpu.region"() ({
        %run_scoped3A = tpu.sem_alloc : memref<!tpu.dma_semaphore, #tpu.memory_space<semaphore_mem>>
        tpu.enqueue_dma source(%arg11 : memref<128xf32, #tpu.memory_space<vmem>>) target(%arg6 : memref<128xf32, #tpu.memory_space<hbm>>) target_semaphore(%run_scoped3A : memref<!tpu.dma_semaphore, #tpu.memory_space<semaphore_mem>>)
        tpu.wait_dma2 semaphore(%run_scoped3A : memref<!tpu.dma_semaphore, #tpu.memory_space<semaphore_mem>>) src(%arg11 : memref<128xf32, #tpu.memory_space<vmem>>) dst(%arg6 : memref<128xf32, #tpu.memory_space<hbm>>)
        tpu.yield
      }) : () -> ()
    } else {
    }
    return
  }
}

module attributes {stable_mosaic.version = 14 : i64} {
  func.func @_tc_stage2(%arg0: memref<1x128xf32, #tpu.memory_space<vmem>>, %arg1: memref<128x1000xf32, #tpu.memory_space<vmem>>, %arg2: memref<128x1xf32, #tpu.memory_space<vmem>>, %arg3: memref<1x1000xf32, #tpu.memory_space<vmem>>, %arg4: memref<1x16xf32, #tpu.memory_space<vmem>>, %arg5: memref<1x1xf32, #tpu.memory_space<vmem>>, %arg6: memref<1x1000xf32, #tpu.memory_space<vmem>>) attributes {dimension_semantics = [], scalar_prefetch = 0 : i64, scratch_operands = 0 : i64, tpu.core_type = #tpu.core_type<tc>} {
    %get3A = arith.constant 0 : index
    %get3A_0 = arith.constant 0 : index
    %get3A_1 = vector.load %arg0[%get3A, %get3A_0] : memref<1x128xf32, #tpu.memory_space<vmem>>, vector<1x128xf32>
    %get3A_2 = arith.constant 0 : index
    %get3A_3 = arith.constant 0 : index
    %get3A_4 = vector.load %arg3[%get3A_2, %get3A_3] : memref<1x1000xf32, #tpu.memory_space<vmem>>, vector<1x1000xf32>
    %get3A_5 = arith.constant 0 : index
    %get3A_6 = arith.constant 0 : index
    %get3A_7 = vector.load %arg4[%get3A_5, %get3A_6] : memref<1x16xf32, #tpu.memory_space<vmem>>, vector<1x1xf32>
    %get3A_8 = vector.extract %get3A_7[0, 0] : f32 from vector<1x1xf32>
    %max3A = arith.constant 1.000000e+00 : f32
    %max3A_9 = arith.maximumf %get3A_8, %max3A : f32
    %get3A_10 = arith.constant 0 : index
    %get3A_11 = arith.constant 0 : index
    %get3A_12 = vector.load %arg1[%get3A_10, %get3A_11] : memref<128x1000xf32, #tpu.memory_space<vmem>>, vector<128x1000xf32>
    %dot_general3A = arith.constant dense<0.000000e+00> : vector<1x1000xf32>
    %dot_general3A_13 = tpu.matmul %get3A_1, %get3A_12, %dot_general3A {dimension_numbers = #tpu.dot_dimension_numbers<[1], [0], [0], [1], [0, 0, 1, 1], [], []>, precision = #tpu.contract_precision<fp32>, transpose_lhs_hint = false} : vector<1x128xf32>, vector<128x1000xf32>, vector<1x1000xf32> -> vector<1x1000xf32>
    %div3A = vector.broadcast %max3A_9 : f32 to vector<1x1000xf32>
    %div3A_14 = arith.divf %dot_general3A_13, %div3A : vector<1x1000xf32>
    %gt3A = arith.constant 0.000000e+00 : f32
    %gt3A_15 = arith.cmpf ogt, %get3A_8, %gt3A : f32
    %mul3A = arith.constant 0.899999976 : f32
    %mul3A_16 = vector.broadcast %mul3A : f32 to vector<1x1000xf32>
    %mul3A_17 = arith.mulf %mul3A_16, %get3A_4 : vector<1x1000xf32>
    %mul3A_18 = arith.constant 1.000000e-01 : f32
    %mul3A_19 = vector.broadcast %mul3A_18 : f32 to vector<1x1000xf32>
    %mul3A_20 = arith.mulf %mul3A_19, %div3A_14 : vector<1x1000xf32>
    %add3A = arith.addf %mul3A_17, %mul3A_20 : vector<1x1000xf32>
    %select_n3A = arith.select %gt3A_15, %add3A, %get3A_4 : vector<1x1000xf32>
    %swap3A = arith.constant 0 : index
    %swap3A_21 = arith.constant 0 : index
    %swap3A_22 = vector.load %arg6[%swap3A, %swap3A_21] : memref<1x1000xf32, #tpu.memory_space<vmem>>, vector<1x1000xf32>
    tpu.vector_store %arg6[%swap3A, %swap3A_21], %select_n3A {strides = array<i32>} : memref<1x1000xf32, #tpu.memory_space<vmem>>, vector<1x1000xf32>,
    %get3A_23 = arith.constant 0 : index
    %get3A_24 = arith.constant 0 : index
    %get3A_25 = vector.load %arg2[%get3A_23, %get3A_24] : memref<128x1xf32, #tpu.memory_space<vmem>>, vector<128x1xf32>
    %dot_general3A_26 = arith.constant dense<0.000000e+00> : vector<1x1xf32>
    %dot_general3A_27 = tpu.matmul %get3A_1, %get3A_25, %dot_general3A_26 {dimension_numbers = #tpu.dot_dimension_numbers<[1], [0], [0], [1], [0, 0, 1, 1], [], []>, precision = #tpu.contract_precision<fp32>, transpose_lhs_hint = false} : vector<1x128xf32>, vector<128x1xf32>, vector<1x1xf32> -> vector<1x1xf32>
    %div3A_28 = vector.broadcast %max3A_9 : f32 to vector<1x1xf32>
    %div3A_29 = arith.divf %dot_general3A_27, %div3A_28 : vector<1x1xf32>
    %gt3A_30 = arith.constant 0.000000e+00 : f32
    %gt3A_31 = arith.cmpf ogt, %get3A_8, %gt3A_30 : f32
    %jit3A = arith.constant 0.000000e+00 : f32
    %broadcast_in_dim3A = vector.broadcast %jit3A : f32 to vector<1x1xf32>
    %select_n3A_32 = arith.select %gt3A_31, %div3A_29, %broadcast_in_dim3A : vector<1x1xf32>
    %swap3A_33 = arith.constant 0 : index
    %swap3A_34 = arith.constant 0 : index
    %swap3A_35 = vector.load %arg5[%swap3A_33, %swap3A_34] : memref<1x1xf32, #tpu.memory_space<vmem>>, vector<1x1xf32>
    tpu.vector_store %arg5[%swap3A_33, %swap3A_34], %select_n3A_32 {strides = array<i32>} : memref<1x1xf32, #tpu.memory_space<vmem>>, vector<1x1xf32>,
    return
  }
}

module attributes {stable_mosaic.version = 14 : i64} {
  func.func @_tc_stage1(%arg0: memref<128x1024xf32, #tpu.memory_space<vmem>>, %arg1: memref<1024x2048xf32, #tpu.memory_space<any>>, %arg2: memref<2048x1000xf32, #tpu.memory_space<any>>, %arg3: memref<1x1000xf32, #tpu.memory_space<vmem>>, %arg4: memref<128x1000xf32, #tpu.memory_space<vmem>>, %arg5: memref<128x1000xf32, #tpu.memory_space<vmem>>, %arg6: memref<128x1xf32, #tpu.memory_space<vmem>>, %arg7: memref<128x128xf32, #tpu.memory_space<vmem>>, %arg8: memref<1x128xf32, #tpu.memory_space<vmem>>, %arg9: memref<1x128xf32, #tpu.memory_space<vmem>>, %arg10: memref<1x16xf32, #tpu.memory_space<vmem>>, %arg11: memref<1024x2048xf32, #tpu.memory_space<vmem>>, %arg12: memref<2048x1000xf32, #tpu.memory_space<vmem>>, %arg13: memref<!tpu.dma_semaphore, #tpu.memory_space<semaphore_mem>>, %arg14: memref<!tpu.dma_semaphore, #tpu.memory_space<semaphore_mem>>) attributes {dimension_semantics = [], scalar_prefetch = 0 : i64, scratch_operands = 4 : i64, tpu.core_type = #tpu.core_type<tc>} {
    tpu.enqueue_dma source(%arg1 : memref<1024x2048xf32, #tpu.memory_space<any>>) target(%arg11 : memref<1024x2048xf32, #tpu.memory_space<vmem>>) target_semaphore(%arg13 : memref<!tpu.dma_semaphore, #tpu.memory_space<semaphore_mem>>)
    tpu.enqueue_dma source(%arg2 : memref<2048x1000xf32, #tpu.memory_space<any>>) target(%arg12 : memref<2048x1000xf32, #tpu.memory_space<vmem>>) target_semaphore(%arg14 : memref<!tpu.dma_semaphore, #tpu.memory_space<semaphore_mem>>)
    tpu.wait_dma2 semaphore(%arg13 : memref<!tpu.dma_semaphore, #tpu.memory_space<semaphore_mem>>) src(%arg1 : memref<1024x2048xf32, #tpu.memory_space<any>>) dst(%arg11 : memref<1024x2048xf32, #tpu.memory_space<vmem>>)
    %get3A = arith.constant 0 : index
    %get3A_0 = arith.constant 0 : index
    %get3A_1 = vector.load %arg0[%get3A, %get3A_0] : memref<128x1024xf32, #tpu.memory_space<vmem>>, vector<128x1024xf32>
    %get3A_2 = arith.constant 0 : index
    %get3A_3 = arith.constant 0 : index
    %get3A_4 = vector.load %arg11[%get3A_2, %get3A_3] : memref<1024x2048xf32, #tpu.memory_space<vmem>>, vector<1024x2048xf32>
    %dot_general3A = arith.constant dense<0.000000e+00> : vector<128x2048xf32>
    %dot_general3A_5 = tpu.matmul %get3A_1, %get3A_4, %dot_general3A {dimension_numbers = #tpu.dot_dimension_numbers<[1], [0], [0], [1], [0, 0, 1, 1], [], []>, transpose_lhs_hint = false} : vector<128x1024xf32>, vector<1024x2048xf32>, vector<128x2048xf32> -> vector<128x2048xf32>
    %dot_general3A_6 = arith.constant dense<0.000000e+00> : vector<128x128xf32>
    %dot_general3A_7 = tpu.matmul %dot_general3A_5, %dot_general3A_5, %dot_general3A_6 {dimension_numbers = #tpu.dot_dimension_numbers<[1], [1], [0], [0], [0, 0, 1, 0], [], []>, precision = #tpu.contract_precision<fp32>, transpose_lhs_hint = false} : vector<128x2048xf32>, vector<128x2048xf32>, vector<128x128xf32> -> vector<128x128xf32>
    %swap3A = arith.constant 0 : index
    %swap3A_8 = arith.constant 0 : index
    %swap3A_9 = vector.load %arg7[%swap3A, %swap3A_8] : memref<128x128xf32, #tpu.memory_space<vmem>>, vector<128x128xf32>
    tpu.vector_store %arg7[%swap3A, %swap3A_8], %dot_general3A_7 {strides = array<i32>} : memref<128x128xf32, #tpu.memory_space<vmem>>, vector<128x128xf32>,
    tpu.wait_dma2 semaphore(%arg14 : memref<!tpu.dma_semaphore, #tpu.memory_space<semaphore_mem>>) src(%arg2 : memref<2048x1000xf32, #tpu.memory_space<any>>) dst(%arg12 : memref<2048x1000xf32, #tpu.memory_space<vmem>>)
    %get3A_10 = arith.constant 0 : index
    %get3A_11 = arith.constant 0 : index
    %get3A_12 = vector.load %arg12[%get3A_10, %get3A_11] : memref<2048x1000xf32, #tpu.memory_space<vmem>>, vector<2048x1000xf32>
    %dot_general3A_13 = arith.constant dense<0.000000e+00> : vector<128x1000xf32>
    %dot_general3A_14 = tpu.matmul %dot_general3A_5, %get3A_12, %dot_general3A_13 {dimension_numbers = #tpu.dot_dimension_numbers<[1], [0], [0], [1], [0, 0, 1, 1], [], []>, transpose_lhs_hint = false} : vector<128x2048xf32>, vector<2048x1000xf32>, vector<128x1000xf32> -> vector<128x1000xf32>
    %swap3A_15 = arith.constant 0 : index
    %swap3A_16 = arith.constant 0 : index
    %swap3A_17 = vector.load %arg4[%swap3A_15, %swap3A_16] : memref<128x1000xf32, #tpu.memory_space<vmem>>, vector<128x1000xf32>
    tpu.vector_store %arg4[%swap3A_15, %swap3A_16], %dot_general3A_14 {strides = array<i32>} : memref<128x1000xf32, #tpu.memory_space<vmem>>, vector<128x1000xf32>,
    %reduce_max3A = arith.constant dense<0xFF800000> : vector<128xf32>
    %reduce_max3A_18 = vector.multi_reduction <maximumf>, %dot_general3A_14, %reduce_max3A [1] : vector<128x1000xf32> to vector<128xf32>
    %broadcast_in_dim3A = vector.shape_cast %reduce_max3A_18 : vector<128xf32> to vector<128x1xf32>
    %sub3A = vector.broadcast %broadcast_in_dim3A : vector<128x1xf32> to vector<128x1000xf32>
    %sub3A_19 = arith.subf %dot_general3A_14, %sub3A : vector<128x1000xf32>
    %exp3A = math.exp %sub3A_19 : vector<128x1000xf32>
    %reduce_sum3A = arith.constant dense<0.000000e+00> : vector<128xf32>
    %reduce_sum3A_20 = vector.multi_reduction <add>, %exp3A, %reduce_sum3A [1] : vector<128x1000xf32> to vector<128xf32>
    %broadcast_in_dim3A_21 = vector.shape_cast %reduce_sum3A_20 : vector<128xf32> to vector<128x1xf32>
    %div3A = vector.broadcast %broadcast_in_dim3A_21 : vector<128x1xf32> to vector<128x1000xf32>
    %div3A_22 = arith.divf %exp3A, %div3A : vector<128x1000xf32>
    %swap3A_23 = arith.constant 0 : index
    %swap3A_24 = arith.constant 0 : index
    %swap3A_25 = vector.load %arg5[%swap3A_23, %swap3A_24] : memref<128x1000xf32, #tpu.memory_space<vmem>>, vector<128x1000xf32>
    tpu.vector_store %arg5[%swap3A_23, %swap3A_24], %div3A_22 {strides = array<i32>} : memref<128x1000xf32, #tpu.memory_space<vmem>>, vector<128x1000xf32>,
    %sub3A_26 = vector.broadcast %broadcast_in_dim3A : vector<128x1xf32> to vector<128x1000xf32>
    %sub3A_27 = arith.subf %dot_general3A_14, %sub3A_26 : vector<128x1000xf32>
    %log3A = math.log %broadcast_in_dim3A_21 : vector<128x1xf32>
    %sub3A_28 = vector.broadcast %log3A : vector<128x1xf32> to vector<128x1000xf32>
    %sub3A_29 = arith.subf %sub3A_27, %sub3A_28 : vector<128x1000xf32>
    %mul3A = arith.mulf %div3A_22, %sub3A_29 : vector<128x1000xf32>
    %reduce_sum3A_30 = arith.constant dense<0.000000e+00> : vector<128xf32>
    %reduce_sum3A_31 = vector.multi_reduction <add>, %mul3A, %reduce_sum3A_30 [1] : vector<128x1000xf32> to vector<128xf32>
    %broadcast_in_dim3A_32 = vector.shape_cast %reduce_sum3A_31 : vector<128xf32> to vector<128x1xf32>
    %neg3A = arith.constant 0.000000e+00 : f32
    %neg3A_33 = vector.broadcast %neg3A : f32 to vector<128x1xf32>
    %neg3A_34 = arith.subf %neg3A_33, %broadcast_in_dim3A_32 : vector<128x1xf32>
    %sub3A_35 = arith.constant 2.45387769 : f32
    %sub3A_36 = vector.broadcast %sub3A_35 : f32 to vector<128x1xf32>
    %sub3A_37 = arith.subf %sub3A_36, %neg3A_34 : vector<128x1xf32>
    %exp3A_38 = math.exp %sub3A_37 : vector<128x1xf32>
    %mul3A_39 = arith.mulf %neg3A_34, %exp3A_38 : vector<128x1xf32>
    %swap3A_40 = arith.constant 0 : index
    %swap3A_41 = arith.constant 0 : index
    %swap3A_42 = vector.load %arg6[%swap3A_40, %swap3A_41] : memref<128x1xf32, #tpu.memory_space<vmem>>, vector<128x1xf32>
    tpu.vector_store %arg6[%swap3A_40, %swap3A_41], %mul3A_39 {strides = array<i32>} : memref<128x1xf32, #tpu.memory_space<vmem>>, vector<128x1xf32>,
    %get3A_43 = arith.constant 0 : index
    %get3A_44 = arith.constant 0 : index
    %get3A_45 = vector.load %arg3[%get3A_43, %get3A_44] : memref<1x1000xf32, #tpu.memory_space<vmem>>, vector<1x1000xf32>
    %mul3A_46 = vector.broadcast %get3A_45 : vector<1x1000xf32> to vector<128x1000xf32>
    %mul3A_47 = arith.mulf %div3A_22, %mul3A_46 : vector<128x1000xf32>
    %reduce_sum3A_48 = arith.constant dense<0.000000e+00> : vector<128xf32>
    %reduce_sum3A_49 = vector.multi_reduction <add>, %mul3A_47, %reduce_sum3A_48 [1] : vector<128x1000xf32> to vector<128xf32>
    %broadcast_in_dim3A_50 = vector.shape_cast %reduce_sum3A_49 : vector<128xf32> to vector<128x1xf32>
    %mul3A_51 = arith.mulf %div3A_22, %div3A_22 : vector<128x1000xf32>
    %reduce_sum3A_52 = arith.constant dense<0.000000e+00> : vector<128xf32>
    %reduce_sum3A_53 = vector.multi_reduction <add>, %mul3A_51, %reduce_sum3A_52 [1] : vector<128x1000xf32> to vector<128xf32>
    %broadcast_in_dim3A_54 = vector.shape_cast %reduce_sum3A_53 : vector<128xf32> to vector<128x1xf32>
    %sqrt3A = math.sqrt %broadcast_in_dim3A_54 : vector<128x1xf32>
    %mul3A_55 = arith.mulf %get3A_45, %get3A_45 : vector<1x1000xf32>
    %reduce_sum3A_56 = vector.shape_cast %mul3A_55 : vector<1x1000xf32> to vector<1x1x1000xf32>
    %reduce_sum3A_57 = arith.constant dense<0.000000e+00> : vector<1xf32>
    %reduce_sum3A_58 = vector.multi_reduction <add>, %reduce_sum3A_56, %reduce_sum3A_57 [1, 2] : vector<1x1x1000xf32> to vector<1xf32>
    %reduce_sum3A_59 = vector.shape_cast %reduce_sum3A_58 : vector<1xf32> to vector<1x1x1xf32>
    %reduce_sum3A_60 = vector.extract %reduce_sum3A_59[0, 0, 0] : f32 from vector<1x1x1xf32>
    %sqrt3A_61 = math.sqrt %reduce_sum3A_60 : f32
    %mul3A_62 = vector.broadcast %sqrt3A_61 : f32 to vector<128x1xf32>
    %mul3A_63 = arith.mulf %sqrt3A, %mul3A_62 : vector<128x1xf32>
    %add3A = arith.constant 9.99999993E-9 : f32
    %add3A_64 = vector.broadcast %add3A : f32 to vector<128x1xf32>
    %add3A_65 = arith.addf %mul3A_63, %add3A_64 : vector<128x1xf32>
    %div3A_66 = arith.divf %broadcast_in_dim3A_50, %add3A_65 : vector<128x1xf32>
    %lt3A = arith.constant 2.45387769 : f32
    %lt3A_67 = vector.broadcast %lt3A : f32 to vector<128x1xf32>
    %lt3A_68 = arith.cmpf olt, %neg3A_34, %lt3A_67 : vector<128x1xf32>
    %abs3A = math.absf %div3A_66 : vector<128x1xf32>
    %lt3A_69 = arith.constant 5.000000e-02 : f32
    %lt3A_70 = vector.broadcast %lt3A_69 : f32 to vector<128x1xf32>
    %lt3A_71 = arith.cmpf olt, %abs3A, %lt3A_70 : vector<128x1xf32>
    %and3A = arith.andi %lt3A_68, %lt3A_71 : vector<128x1xi1>
    %convert_element_type3A = arith.extui %and3A : vector<128x1xi1> to vector<128x1xi32>
    %convert_element_type3A_72 = arith.sitofp %convert_element_type3A : vector<128x1xi32> to vector<128x1xf32>
    %convert_element_type3A_73 = arith.extui %and3A : vector<128x1xi1> to vector<128x1xi32>
    %reduce_sum3A_74 = vector.shape_cast %convert_element_type3A_73 : vector<128x1xi32> to vector<1x128x1xi32>
    %reduce_sum3A_75 = arith.constant dense<0> : vector<1xi32>
    %reduce_sum3A_76 = vector.multi_reduction <add>, %reduce_sum3A_74, %reduce_sum3A_75 [1, 2] : vector<1x128x1xi32> to vector<1xi32>
    %reduce_sum3A_77 = vector.shape_cast %reduce_sum3A_76 : vector<1xi32> to vector<1x1x1xi32>
    %reduce_sum3A_78 = vector.extract %reduce_sum3A_77[0, 0, 0] : i32 from vector<1x1x1xi32>
    %min3A = arith.constant 64 : i32
    %min3A_79 = arith.minsi %min3A, %reduce_sum3A_78 : i32
    %max3A = arith.constant 1 : i32
    %max3A_80 = arith.maxsi %reduce_sum3A_78, %max3A : i32
    %convert_element_type3A_81 = arith.sitofp %max3A_80 : i32 to f32
    %transpose3A = tpu.transpose %convert_element_type3A_72, [1, 0] : vector<128x1xf32> -> vector<1x128xf32>
    %dot_general3A_82 = arith.constant dense<0.000000e+00> : vector<1x128xf32>
    %dot_general3A_83 = tpu.matmul %transpose3A, %dot_general3A_7, %dot_general3A_82 {dimension_numbers = #tpu.dot_dimension_numbers<[1], [0], [0], [1], [0, 0, 1, 1], [], []>, precision = #tpu.contract_precision<fp32>, transpose_lhs_hint = false} : vector<1x128xf32>, vector<128x128xf32>, vector<1x128xf32> -> vector<1x128xf32>
    %div3A_84 = vector.broadcast %convert_element_type3A_81 : f32 to vector<1x128xf32>
    %div3A_85 = arith.divf %dot_general3A_83, %div3A_84 : vector<1x128xf32>
    %swap3A_86 = arith.constant 0 : index
    %swap3A_87 = arith.constant 0 : index
    %swap3A_88 = vector.load %arg9[%swap3A_86, %swap3A_87] : memref<1x128xf32, #tpu.memory_space<vmem>>, vector<1x128xf32>
    tpu.vector_store %arg9[%swap3A_86, %swap3A_87], %div3A_85 {strides = array<i32>} : memref<1x128xf32, #tpu.memory_space<vmem>>, vector<1x128xf32>,
    %gt3A = arith.constant 0.000000e+00 : f32
    %gt3A_89 = vector.broadcast %gt3A : f32 to vector<1x128xf32>
    %gt3A_90 = arith.cmpf ogt, %transpose3A, %gt3A_89 : vector<1x128xf32>
    %jit3A = arith.constant 0xFF800000 : f32
    %broadcast_in_dim3A_91 = vector.broadcast %jit3A : f32 to vector<1x128xf32>
    %select_n3A = arith.select %gt3A_90, %div3A_85, %broadcast_in_dim3A_91 : vector<1x128xi1>, vector<1x128xf32>
    %swap3A_92 = arith.constant 0 : index
    %swap3A_93 = arith.constant 0 : index
    %swap3A_94 = vector.load %arg8[%swap3A_92, %swap3A_93] : memref<1x128xf32, #tpu.memory_space<vmem>>, vector<1x128xf32>
    tpu.vector_store %arg8[%swap3A_92, %swap3A_93], %select_n3A {strides = array<i32>} : memref<1x128xf32, #tpu.memory_space<vmem>>, vector<1x128xf32>,
    %convert_element_type3A_95 = arith.sitofp %min3A_79 : i32 to f32
    %broadcast_in_dim3A_96 = vector.broadcast %convert_element_type3A_95 : f32 to vector<1x16xf32>
    %swap3A_97 = arith.constant 0 : index
    %swap3A_98 = arith.constant 0 : index
    %swap3A_99 = vector.load %arg10[%swap3A_97, %swap3A_98] : memref<1x16xf32, #tpu.memory_space<vmem>>, vector<1x16xf32>
    tpu.vector_store %arg10[%swap3A_97, %swap3A_98], %broadcast_in_dim3A_96 {strides = array<i32>} : memref<1x16xf32, #tpu.memory_space<vmem>>, vector<1x16xf32>,
    return
  }
}

</mosaic_0001>

<sc_bundles>
// kernel: kernel.5.cloned.1.call-start
scs
__scs_entry_jumppad:
0x0: {  	(pc) =	sbr.rel $0x88, $3  }
0x1: {  	(tag) =	ssettag $0x0;
	lr =	simm.s32 $0x1  }
0x2: {  	[smem:$0x3F9D] =	sst lr;
	_ =	strace $0xD0000000  }
0x3: {  	_ = 	snop  }
0x4: {  	_ = 	snop  }
0x5: {  	_ = 	snop  }
0x6: {  	_ = 	snop  }
0x7: {  	_ = 	snop  }
__scs_overlays_trampoline_lowered:
0x8: {  	[smem:$0x3FAC] =	sst s0  }
0x9: {  	[smem:$0x3FAD] =	sst s1  }
0xa: {  	[smem:$0x3FAE] =	sst s2  }
0xb: {  	[smem:$0x3FAF] =	sst s3  }
0xc: {  	[smem:$0x3FB0] =	sst s4  }
0xd: {  	[smem:$0x3FB1] =	sst s5  }
0xe: {  	[smem:$0x3FB2] =	sst s6  }
0xf: {  	[smem:$0x3FB3] =	sst s7  }
0x10: {  	[smem:$0x3FB4] =	sst s8  }
0x11: {  	[smem:$0x3FB5] =	sst s9;
	s0 =	simm.s32 @!p0 $0x0  }
0x12: {  	s1 =	sld [smem:$0x3F9B];
	s0 =	simm.s32 @p0 $0x1  }
0x13: {  	[smem:$0x3FB6] =	sst s0;
	s0 =	simm.s32 @!p1 $0x0  }
0x14: {  	s2 =	sld [smem:$0x3F9A];
	s0 =	simm.s32 @p1 $0x1  }
0x15: {  	[smem:$0x3FB7] =	sst s0;
	s0 =	simm.s32 @!p2 $0x0  }
0x16: {  	s3 =	sld [smem:$0x3FDB];
	s0 =	simm.s32 @p2 $0x1  }
0x17: {  	s4 =	simm.s32 $0x1BF5;
	[smem:$0x3FB9] =	sst s0  }
0x18: {  	s0 =	sld [smem:$0x3F9C];
	_ =	swait.ge [sflag:s4], $0x0  }
0x19: {  	s7 =	sld [smem:$0x3F9D]  }
0x1a: {  	s8 =	sadd.s32 $0xFFFFE003, lr  }
0x1b: {  	s9 =	sadd.s32 $0xFFFFFEF7, lr;
	s5 =	simm.s32 $0xFFFFFFFF;
	p2 =	slt.u32 s8, $0xFFFFF086  }
0x1c: {  	p1 =	slt.u32 s9, $0xF7A;
	s5 =	simm.s32 @!p2 $0x0  }
0x1d: {  	s5 =	simm.s32 @p1 $0x1;
	p0 =	seq.s32 s7, s2  }
0x1e: {  	s7 =	smul.u32 @!p0 $0xF7A, s2;
	p2 =	seq.s32 @!p0 s5, $0x0  }
0x1f: {  	s9 =	smul.u32 $0xF7A, s1;
	s8 =	simm.s32 @!p0 $0x1BF5;
	p2 =	por !p2, p0  }
0x20: {  	[sflag:s8] =	ssyncset.s32 @!p0 $0xFFFFF086;
	s6 =	sadd.s32 @!p0 s3, s7;
	s7 =	simm.s32 @!p0 $0x108  }
0x21: {  	s3 =	sadd.s32 s3, s9;
	s6 =	sadd.s32 @!p0 $0x88, s6;
	s7 =	simm.s32 @p2 $0x1082  }
0x22: {  	[simem:s7], [sflag:s8] =	dma.local @!p0 [hbm:s6], $0xF7A  }
0x23: {  	s9 =	sor.u32 $0xD0000000, s2;
	s6 =	simm.s32 $0x108;
	_ =	swait.ge @!p0 [sflag:s8], $0x0  }
0x24: {  	s3 =	sadd.s32 $0x88, s3;
	s6 =	simm.s32 @!p1 $0x1082;
	[sflag:s4] =	ssyncset.s32 $0xFFFFF086  }
0x25: {  	[simem:s6], [sflag:s4] =	dma.local [hbm:s3], $0xF7A  }
0x26: {  	[smem:$0x3F9D] =	sst s1;
	(tag) =	ssettag s2;
	_ =	strace s9  }
0x27: {  	s1 =	sld [smem:$0x3FAD]  }
0x28: {  	s2 =	sld [smem:$0x3FAE]  }
0x29: {  	s4 =	sld [smem:$0x3FB0]  }
0x2a: {  	p0 =	seq.s32 s5, $0x0;
	s5 =	sld [smem:$0x3FB1]  }
0x2b: {  	s6 =	sld [smem:$0x3FB2]  }
0x2c: {  	s7 =	sld [smem:$0x3FB3]  }
0x2d: {  	s3 =	simm.s32 $0x108;
	s8 =	sld [smem:$0x3FB4]  }
0x2e: {  	s3 =	simm.s32 @!p0 $0x1082;
	s9 =	sld [smem:$0x3FB5]  }
0x2f: {  	lr =	sadd.s32 s0, s3;
	s0 =	sld [smem:$0x3FAC]  }
0x30: {  	s3 =	sld [smem:$0x3FAF]  }
0x31: {  	[smem:$0x3FB8] =	sst s10  }
0x32: {  	s10 =	sld [smem:$0x3FB6];
	_ =	sdelay $0x3  }
0x33: {  	p0 =	seq.s32 s10, $0x1;
	s10 =	sld [smem:$0x3FB8];
	_ =	sdelay $0x3  }
0x34: {  	[smem:$0x3FB8] =	sst s10  }
0x35: {  	s10 =	sld [smem:$0x3FB7];
	_ =	sdelay $0x3  }
0x36: {  	p1 =	seq.s32 s10, $0x1;
	s10 =	sld [smem:$0x3FB8];
	_ =	sdelay $0x3  }
0x37: {  	[smem:$0x3FB8] =	sst s10  }
0x38: {  	s10 =	sld [smem:$0x3FB9]  }
0x39: {  	_ = 	snop;
	(pc) =	sbr.ind lr, $3  }
0x3a: {  	_ = 	snop  }
0x3b: {  	_ = 	snop  }
0x3c: {  	p2 =	seq.s32 s10, $0x1;
	s10 =	sld [smem:$0x3FB8]  }
0x3d: {  	_ =	shalt  }
0x3e: {  	_ =	shalt  }
0x3f: {  	_ =	shalt  }
0x40: {  	_ =	shalt  }
0x41: {  	_ =	shalt  }
0x42: {  	_ =	shalt  }
0x43: {  	_ =	shalt  }
0x44: {  	_ =	shalt  }
0x45: {  	_ =	shalt  }
0x46: {  	_ =	shalt  }
0x47: {  	_ =	shalt  }
0x48: {  	_ =	shalt  }
0x49: {  	_ =	shalt  }
0x4a: {  	_ =	shalt  }
0x4b: {  	_ =	shalt  }
0x4c: {  	_ =	shalt  }
0x4d: {  	_ =	shalt  }
0x4e: {  	_ =	shalt  }
0x4f: {  	_ =	shalt  }
0x50: {  	_ =	shalt  }
0x51: {  	_ =	shalt  }
0x52: {  	_ =	shalt  }
0x53: {  	_ =	shalt  }
0x54: {  	_ =	shalt  }
0x55: {  	_ =	shalt  }
0x56: {  	_ =	shalt  }
0x57: {  	_ =	shalt  }
0x58: {  	_ =	shalt  }
0x59: {  	_ =	shalt  }
0x5a: {  	_ =	shalt  }
0x5b: {  	_ =	shalt  }
0x5c: {  	_ =	shalt  }
0x5d: {  	_ =	shalt  }
0x5e: {  	_ =	shalt  }
0x5f: {  	_ =	shalt  }
0x60: {  	_ =	shalt  }
0x61: {  	_ =	shalt  }
0x62: {  	_ =	shalt  }
0x63: {  	_ =	shalt  }
0x64: {  	_ =	shalt  }
0x65: {  	_ =	shalt  }
0x66: {  	_ =	shalt  }
0x67: {  	_ =	shalt  }
0x68: {  	_ =	shalt  }
0x69: {  	_ =	shalt  }
0x6a: {  	_ =	shalt  }
0x6b: {  	_ =	shalt  }
0x6c: {  	_ =	shalt  }
0x6d: {  	_ =	shalt  }
0x6e: {  	_ =	shalt  }
0x6f: {  	_ =	shalt  }
0x70: {  	_ =	shalt  }
0x71: {  	_ =	shalt  }
0x72: {  	_ =	shalt  }
0x73: {  	_ =	shalt  }
0x74: {  	_ =	shalt  }
0x75: {  	_ =	shalt  }
0x76: {  	_ =	shalt  }
0x77: {  	_ =	shalt  }
0x78: {  	_ =	shalt  }
0x79: {  	_ =	shalt  }
0x7a: {  	_ =	shalt  }
0x7b: {  	_ =	shalt  }
0x7c: {  	_ =	shalt  }
0x7d: {  	_ =	shalt  }
0x7e: {  	_ =	shalt  }
0x7f: {  	_ =	shalt  }
0x80: {  	_ =	shalt  }
0x81: {  	_ =	shalt  }
0x82: {  	_ =	shalt  }
0x83: {  	_ =	shalt  }
0x84: {  	_ =	shalt  }
0x85: {  	_ =	shalt  }
0x86: {  	_ =	shalt  }
0x87: {  	_ =	shalt  }
.Lfunc_end0:
.L_simem_size_0:
called_computation_lowered:
.L_overlay_start_0:
0x88: {  	s2 =	sld [smem:$0x3FD9]  }
0x89: {  	s3 =	sld [smem:$0x3FFE];
	_ =	sdelay $0x1  }
0x8a: {  	s1 =	srdreg.scid  }
0x8b: {  	s0 =	sand.u32 $0x1, s1  }
0x8c: {  	s14 =	sshll.u32 s0, $0xA;
	s2 =	sadd.s32 s3, s2  }
0x8d: {  	s2 =	sadd.s32 s2, s14  }
0x8e: {  	[smem:$0x3FC4] =	sst s2  }
0x8f: {  	_ = 	snop  }
0x90: {  	s2 =	sld [smem:$0x3FD0];
	_ =	sdelay $0x2  }
0x91: {  	s15 =	simm.s32 $0xA;
	s4 =	simm.s32 $0x10  }
0x92: {  	[smem:s4], [sflag:s15] =	dma.local [hbm:s2], $0x1  }
0x93: {  	_ =	swait.eq [sflag:s15], $0x1  }
0x94: {  	[sflag:s15] =	ssyncset.done $0x0  }
0x95: {  	s16 =	sld [smem:$0x11];
	[sflag:s15] =	ssyncadd.s32 $0xFFFFFFFF  }
0x96: {  	s17 =	sld [smem:$0x12];
	(tm) =	ssettm $0x1  }
0x97: {  	s18 =	sld [smem:$0x3FFB];
	_ =	sdelay $0x3  }
0x98: {  	_ =	strace s18  }
0x99: {  	s4 =	sld [smem:$0x3FFC];
	_ =	sdelay $0x3  }
0x9a: {  	_ =	strace s4  }
0x9b: {  	s4 =	sld [smem:$0x3FFD];
	_ =	sdelay $0x3  }
0x9c: {  	_ =	strace s4  }
0x9d: {  	_ =	strace $0x8FFFFFFF  }
0x9e: {  	s19 =	sld [smem:$0x3FDB];
	_ =	sdelay $0x1  }
0x9f: {  	s5 =	simm.s32 $_scs_section_size  }
0xa0: {  	s6 =	simm.s32 $_size__tile_overlayer_lowered;
	s7 =	simm.s32 $_tile_overlayer_lowered  }
0xa1: {  	s22 =	simm.s32 $0x1BFF;
	s21 =	sshll.u32 s7, $0x1;
	s4 =	sadd.s32 s5, s19  }
0xa2: {  	s8 =	simm.s32 $0x0;
	s20 =	sshll.u32 s6, $0x1;
	s6 =	sadd.s32 s21, s4  }
0xa3: {  	[timem:s8], [sflag:s22] =	dma.local [hbm:s6], s20  }
0xa4: {  	_ =	swait.ge [sflag:s22], s20  }
0xa5: {  	s5 =	ssub.s32 $0x0, s20;
	[sflag:s22] =	ssyncset.done $0x0  }
0xa6: {  	[sflag:s22] =	ssyncadd.s32 s5;
	_ =	sdelay $0x1  }
0xa7: {  	s23 =	simm.s32 $0x1B8B  }
0xa8: {  	_ =	swait.ge [sflag:s23], $0x1  }
0xa9: {  	[sflag:s23] =	ssyncset.done $0x0  }
0xaa: {  	s25 =	simm.s32 $0x1B8E;
	s24 =	sld [smem:$0x3FFE];
	[sflag:s23] =	ssyncadd.s32 $0xFFFFFFFF  }
0xab: {  	s26 =	simm.s32 $execute0_lowered;
	[smem:$0x3FD2] =	sst s25  }
0xac: {  	s6 =	sshll.u32 s26, $0x1;
	_ =	strace $0x80000046;
	[dreg:$0x1] =	wrdreg $0xFFFFFFFF  }
0xad: {  	s28 =	simm.s32 $_size_execute0_lowered;
	s4 =	sadd.s32 s4, s6;
	[dreg:$0x0] =	wrdreg $0x0  }
0xae: {  	s6 =	sshll.u32 s28, $0x1;
	[dreg:$0x2] =	wrdreg s4  }
0xaf: {  	[dreg:$0x3] =	wrdreg s6  }
0xb0: {  	[dreg:$0x4] =	wrdreg $0xC0  }
0xb1: {  	_ =	task [dreg:s8], $0x5FFFF  }
0xb2: {  	[dreg:$0x1] =	wrdreg $0xFFFFFFFF  }
0xb3: {  	[dreg:$0x0] =	wrdreg $0x60  }
0xb4: {  	[dreg:$0x2] =	wrdreg s24  }
0xb5: {  	[dreg:$0x3] =	wrdreg s16  }
0xb6: {  	[dreg:$0x4] =	wrdreg s17  }
0xb7: {  	[dreg:$0x5] =	wrdreg $0x9  }
0xb8: {  	_ =	task.clear_ibuf [dreg:s8], $0x6FFFF;
	_ =	strace $0x90000046  }
0xb9: {  	s29 =	simm.s32 $0x9;
	_ =	strace $0x80000048  }
0xba: {  	_ =	swait.ge [sflag:s29], $0x1  }
0xbb: {  	[sflag:s29] =	ssyncadd.s32 $0xFFFFFFFF  }
0xbc: {  	_ =	strace $0x90000048  }
0xbd: {  	_ =	sfence  }
0xbe: {  	s30 =	sld [smem:$0x0];
	_ =	sdelay $0x2  }
0xbf: {  	s31 =	sshll.u32 s1, $0xD;
	s1 =	sshrl.u32 s1, $0x2  }
0xc0: {  	s3 =	sand.u32 $0x4000, s31;
	s1 =	sadd.s32 s1, s30  }
0xc1: {  	s0 =	sor.u32 s3, s0;
	s1 =	sshll.u32 s1, $0x11  }
0xc2: {  	s0 =	sor.u32 s1, s0  }
0xc3: {  	s0 =	sadd.s32 $0x8F2B, s0  }
0xc4: {  	[sflag:s0] =	ssyncadd.remote.s32 $0x1  }
0xc5: {  	_ =	sfence.sel $0xFFFF  }
0xc6: {  	[dreg:$0x0] =	wrdreg $0xFFFFFFFF;
	(pc) =	sbr.abs _section_cstart, $3  }
0xc7: {  	[dreg:$0x1] =	wrdreg $0xFFFFFFFF  }
0xc8: {  	_ =	task.clear_ibuf [dreg:s8], $0x2FFFF;
	_ =	strace $0x9FFFFFFF  }
0xc9: {  	(tm) =	ssettm $0x7FFFFFFF  }
tec
execute0_lowered:
.L_overlay_start_1:
0x0: {  	(tag) =	ssettag $0x1  }
0x1: {  	s0 =	srdreg.scid  }
0x2: {  	s4 =	sand.u32 $0x1, s0;
	s0 =	stileid.u32  }
0x3: {  	s5 =	sshll.u32 s0, $0x1;
	s7 =	ssub.s32 $0x0, s4  }
0x4: {  	p0 =	sne.s32 s5, s7  }
.Ltmp0:
0x5: {  	_ = 	snop;
	(pc) =	sbr.rel @p0 .LBB2_5-.Ltmp0, $4  }
0x6: {  	s6 =	rddreg [dreg:$0x0]  }
0x7: {  	s2 =	rddreg [dreg:$0x1]  }
0x8: {  	s3 =	rddreg [dreg:$0x2]  }
0x9: {  	s1 =	rddreg [dreg:$0x3];
	_ =	strace $0x80000047  }
0xa: {  	v0 =	vimm.s32 $0xFEDCBA98;
	v1 =	vimm.s32 $0x76543210  }
0xb: {  	v3 =	vimm.s32 $0xBA987654;
	v4 =	vimm.s32 $0x10FEDCBA;
	v0 =	vunpack.c.l.s4.s8 v0  }
0xc: {  	v5 =	vimm.s32 $0x98765432;
	v6 =	vimm.s32 $0xFEDCBA9;
	v7 =	vimm.s32 $0x87654321  }
0xd: {  	v1 =	vunpack.c.l.s4.s8 v1;
	v2 =	vunpack.c.0.s8.s32 v0;
	v0 =	vimm.s32 $0x3210FEDC  }
0xe: {  	v3 =	vunpack.c.l.s4.s8 v3;
	v4 =	vunpack.c.l.s4.s8 v4;
	v0 =	vunpack.c.l.s4.s8 v0  }
0xf: {  	v5 =	vunpack.c.l.s4.s8 v5;
	v6 =	vunpack.c.l.s4.s8 v6;
	v7 =	vunpack.c.l.s4.s8 v7  }
0x10: {  	v3 =	vunpack.c.0.s8.s32 v3;
	v4 =	vunpack.c.0.s8.s32 v4;
	v8 =	vunpack.c.0.s8.s32 v0  }
0x11: {  	v5 =	vunpack.c.0.s8.s32 v5;
	v6 =	vunpack.c.0.s8.s32 v6;
	v7 =	vunpack.c.0.s8.s32 v7  }
0x12: {  	v1 =	vunpack.c.0.s8.s32 v1;
	v2 =	vand.u32 $0xF, v2;
	v3 =	vcombine.low v3, v8  }
0x13: {  	s7 =	ssub.s32 $0x2, s4;
	s4 =	sadd.s32 $0x2000, s6;
	v4 =	vcombine.low v5, v4;
	v5 =	vcombine.low v7, v6;
	v0 =	vimm.f32 $0.0e+00  }
0x14: {  	s5 =	sadd.s32 $0x2800, s6;
	s6 =	sadd.s32 $0x2A00, s6;
	s9 =	simm.s32 $0x1;
	v1 =	vcombine.low v2, v1;
	v2 =	vand.u32 $0xF, v3;
	v3 =	vlaneseq.u32  }
0x15: {  	s10 =	simm.s32 $0x4000;
	s11 =	simm.s32 $0x4080;
	s8 =	sshrl.u32 s7, $0x1;
	v4 =	vand.u32 $0xF, v4;
	v5 =	vand.u32 $0xF, v5;
	v6 =	vor.u32 $0x70, v3  }
0x16: {  	s12 =	simm.s32 $0x4100;
	s13 =	simm.s32 $0x4180;
	s7 =	ssub.s32 s7, s8;
	v7 =	vor.u32 $0x60, v3;
	v8 =	vor.u32 $0x50, v3;
	v9 =	vor.u32 $0x40, v3  }
0x17: {  	s14 =	simm.s32 $0x0;
	s8 =	simm.s32 $0x0;
	s7 =	smax.u32 s7, $0x1;
	v10 =	vor.u32 $0x30, v3;
	v11 =	vor.u32 $0x20, v3;
	v12 =	vor.u32 $0x10, v3  }
.LBB2_2:
0x18: {  	[tilespmem:s8], [sflag:$0x1] =	stream.linear.gather [hbm4b:s4+s8], $0x4000, $0x38;
	[tilespmem:$0x4200] =	vst v63  }
0x19: {  	_ =	swait.ge [sflag:s9], $0x4000  }
0x1a: {  	[sflag:s9] =	ssyncset.done $0x0  }
0x1b: {  	[sflag:s9] =	ssyncadd.s32 $0xFFFFC000  }
0x1c: {  	[tilespmem:s10], [sflag:$0x1] =	stream.linear.gather [hbm4b:s2+s8], $0x80, $0x38;
	[tilespmem:$0x4200] =	vst v63  }
0x1d: {  	_ =	swait.ge [sflag:s9], $0x80  }
0x1e: {  	[sflag:s9] =	ssyncset.done $0x0  }
0x1f: {  	[sflag:s9] =	ssyncadd.s32 $0xFFFFFF80  }
0x20: {  	[tilespmem:s11], [sflag:$0x1] =	stream.linear.gather [hbm4b:s3+s8], $0x80, $0x38;
	[tilespmem:$0x4200] =	vst v63  }
0x21: {  	_ =	swait.ge [sflag:s9], $0x80  }
0x22: {  	[sflag:s9] =	ssyncset.done $0x0  }
0x23: {  	[sflag:s9] =	ssyncadd.s32 $0xFFFFFF80  }
0x24: {  	[tilespmem:s12], [sflag:$0x1] =	stream.linear.gather [hbm4b:s5+s8], $0x80, $0x38;
	[tilespmem:$0x4200] =	vst v63  }
0x25: {  	_ =	swait.ge [sflag:s9], $0x80  }
0x26: {  	[sflag:s9] =	ssyncset.done $0x0  }
0x27: {  	[sflag:s9] =	ssyncadd.s32 $0xFFFFFF80  }
0x28: {  	v13 =	vld [tilespmem:$0x4100]  }
0x29: {  	[tilespmem:$0x4180] =	vst v0;
	v14 =	vld [tilespmem:$0x4080]  }
0x2a: {  	[tilespmem:$0x4190] =	vst v0;
	v15 =	vld [tilespmem:$0x4090]  }
0x2b: {  	[tilespmem:$0x41A0] =	vst v0;
	v16 =	vld [tilespmem:$0x40A0]  }
0x2c: {  	[tilespmem:$0x41B0] =	vst v0;
	v17 =	vld [tilespmem:$0x40B0]  }
0x2d: {  	[tilespmem:$0x41C0] =	vst v0;
	v18 =	vld [tilespmem:$0x40C0]  }
0x2e: {  	[tilespmem:$0x41D0] =	vst v0;
	v19 =	vld [tilespmem:$0x40D0]  }
0x2f: {  	[tilespmem:$0x41E0] =	vst v0;
	v20 =	vld [tilespmem:$0x40E0]  }
0x30: {  	s15 =	simm.s32 $0xFFFFFFFC;
	[tilespmem:$0x41F0] =	vst v0;
	v21 =	vld [tilespmem:$0x40F0]  }
.LBB2_3:
0x31: {  	v24 =	vld [tilespmem:$0x4000]  }
0x32: {  	v25 =	vld [tilespmem:$0x4010]  }
0x33: {  	v26 =	vld [tilespmem:$0x4020]  }
0x34: {  	v27 =	vld [tilespmem:$0x4030]  }
0x35: {  	v28 =	vld [tilespmem:$0x4040]  }
0x36: {  	v29 =	vld [tilespmem:$0x4050]  }
0x37: {  	v23 =	vld [tilespmem:$0x4060];
	v30 =	vmax.f32 v24, v25  }
0x38: {  	v22 =	vld [tilespmem:$0x4070];
	v30 =	vmax.f32 v30, v26  }
0x39: {  	v30 =	vmax.f32 v30, v27  }
0x3a: {  	v30 =	vmax.f32 v30, v28  }
0x3b: {  	v30 =	vmax.f32 v30, v29  }
0x3c: {  	v30 =	vmax.f32 v30, v23  }
0x3d: {  	v30 =	vmax.f32 v30, v22  }
0x3e: {  	v31 =	vperm.xlane v30, v1;
	_ =	sdelay $0x1  }
0x3f: {  	v30 =	vmax.f32 v30, v31  }
0x40: {  	v31 =	vperm.xlane v30, v2;
	_ =	sdelay $0x1  }
0x41: {  	v30 =	vmax.f32 v30, v31  }
0x42: {  	v31 =	vperm.xlane v30, v4;
	_ =	sdelay $0x1  }
0x43: {  	v30 =	vmax.f32 v30, v31  }
0x44: {  	v31 =	vperm.xlane v30, v5;
	_ =	sdelay $0x1  }
0x45: {  	v30 =	vmax.f32 v30, v31  }
0x46: {  	vm0 =	veq.f32 v22, v30  }
0x47: {  	vm1 =	veq.f32 v23, v30;
	v38 =	vnsel vm0, $0x80, v6  }
0x48: {  	vm13 =	veq.f32 v29, v30;
	v31 =	vsel vm1, v7, v38  }
0x49: {  	vm14 =	veq.f32 v28, v30;
	v31 =	vsel vm13, v8, v31  }
0x4a: {  	vm15 =	veq.f32 v27, v30;
	v31 =	vsel vm14, v9, v31  }
0x4b: {  	vm4 =	veq.f32 v26, v30;
	v31 =	vsel vm15, v10, v31  }
0x4c: {  	vm5 =	veq.f32 v25, v30;
	v31 =	vsel vm4, v11, v31  }
0x4d: {  	vm6 =	veq.f32 v24, v30;
	v39 =	vsel vm5, v12, v31  }
0x4e: {  	v30 =	vsel vm6, v3, v39  }
0x4f: {  	v40 =	vperm.xlane v30, v1;
	_ =	sdelay $0x1  }
0x50: {  	vm7 =	vlt.s32 v30, v40  }
0x51: {  	v30 =	vsel vm7, v30, v40  }
0x52: {  	v31 =	vperm.xlane v30, v2;
	_ =	sdelay $0x1  }
0x53: {  	vm0 =	vlt.s32 v30, v31  }
0x54: {  	v30 =	vsel vm0, v30, v31  }
0x55: {  	v31 =	vperm.xlane v30, v4;
	_ =	sdelay $0x1  }
0x56: {  	vm0 =	vlt.s32 v30, v31  }
0x57: {  	v30 =	vsel vm0, v30, v31  }
0x58: {  	v31 =	vperm.xlane v30, v5;
	_ =	sdelay $0x1  }
0x59: {  	vm0 =	vlt.s32 v30, v31  }
0x5a: {  	v30 =	vsel vm0, v30, v31  }
0x5b: {  	(v2sf) =	vpush v30, $0x0;
	_ =	sdelay $0xe  }
0x5c: {  	s16 =	spop (v2sf)  }
0x5d: {  	s16 =	sshll.u32 s16, $0x9  }
0x5e: {  	s16 =	sshra.s32 s16, $0x2  }
0x5f: {  	v41 =	vld [tilespmem:s16+$0x0]  }
0x60: {  	s17 =	sadd.s32 $0x5, s15  }
0x61: {  	v32 =	vld [tilespmem:$0x4180];
	s17 =	scvt.s32.f32 s17  }
0x62: {  	v33 =	vadd.f32 v24, v14;
	v30 =	vbroadcast v30, $0x0  }
0x63: {  	v34 =	vmov s17  }
0x64: {  	vm0 =	vle.f32 v34, v13;
	vm8 =	veq.s32 v30, v3;
	v31 =	vsub.f32 v33, v41  }
0x65: {  	vm2 =	vmand vm0, vm8  }
0x66: {  	v32 =	vsel vm2, $0x3F800000, v32;
	v31 =	vsel vm8, $0xFF800000, v31  }
0x67: {  	[tilespmem:$0x4180] =	vst v32;
	v24 =	vsel vm0, v31, v24  }
0x68: {  	[tilespmem:$0x4000] =	vst v24  }
0x69: {  	v24 =	vld [tilespmem:s16+$0x10];
	_ =	sdelay $0x1  }
0x6a: {  	v42 =	vld [tilespmem:$0x4190]  }
0x6b: {  	v43 =	vadd.f32 v25, v15;
	_ =	sdelay $0x1  }
0x6c: {  	vm9 =	veq.s32 v30, v12;
	v24 =	vsub.f32 v43, v24  }
0x6d: {  	vm10 =	vmand vm0, vm9  }
0x6e: {  	v31 =	vsel vm10, $0x3F800000, v42;
	v24 =	vsel vm9, $0xFF800000, v24  }
0x6f: {  	[tilespmem:$0x4190] =	vst v31;
	v24 =	vsel vm0, v24, v25  }
0x70: {  	[tilespmem:$0x4010] =	vst v24  }
0x71: {  	v24 =	vld [tilespmem:s16+$0x20];
	_ =	sdelay $0x1  }
0x72: {  	v44 =	vld [tilespmem:$0x41A0]  }
0x73: {  	v45 =	vadd.f32 v26, v16;
	_ =	sdelay $0x1  }
0x74: {  	vm11 =	veq.s32 v30, v11;
	v24 =	vsub.f32 v45, v24  }
0x75: {  	vm12 =	vmand vm0, vm11  }
0x76: {  	v25 =	vsel vm12, $0x3F800000, v44;
	v24 =	vsel vm11, $0xFF800000, v24  }
0x77: {  	[tilespmem:$0x41A0] =	vst v25;
	v24 =	vsel vm0, v24, v26  }
0x78: {  	[tilespmem:$0x4020] =	vst v24  }
0x79: {  	v24 =	vld [tilespmem:s16+$0x30];
	_ =	sdelay $0x1  }
0x7a: {  	v46 =	vld [tilespmem:$0x41B0]  }
0x7b: {  	v47 =	vadd.f32 v27, v17;
	_ =	sdelay $0x1  }
0x7c: {  	vm13 =	veq.s32 v30, v10;
	v24 =	vsub.f32 v47, v24  }
0x7d: {  	vm14 =	vmand vm0, vm13  }
0x7e: {  	v25 =	vsel vm14, $0x3F800000, v46;
	v24 =	vsel vm13, $0xFF800000, v24  }
0x7f: {  	[tilespmem:$0x41B0] =	vst v25;
	v24 =	vsel vm0, v24, v27  }
0x80: {  	[tilespmem:$0x4030] =	vst v24  }
0x81: {  	v24 =	vld [tilespmem:s16+$0x40];
	_ =	sdelay $0x1  }
0x82: {  	v48 =	vld [tilespmem:$0x41C0]  }
0x83: {  	v49 =	vadd.f32 v28, v18;
	_ =	sdelay $0x1  }
0x84: {  	vm15 =	veq.s32 v30, v9;
	v24 =	vsub.f32 v49, v24  }
0x85: {  	vm4 =	vmand vm0, vm15  }
0x86: {  	v25 =	vsel vm4, $0x3F800000, v48;
	v24 =	vsel vm15, $0xFF800000, v24  }
0x87: {  	[tilespmem:$0x41C0] =	vst v25;
	v24 =	vsel vm0, v24, v28  }
0x88: {  	[tilespmem:$0x4040] =	vst v24  }
0x89: {  	v24 =	vld [tilespmem:s16+$0x50];
	_ =	sdelay $0x1  }
0x8a: {  	v50 =	vld [tilespmem:$0x41D0]  }
0x8b: {  	v51 =	vadd.f32 v29, v19;
	_ =	sdelay $0x1  }
0x8c: {  	vm5 =	veq.s32 v30, v8;
	v24 =	vsub.f32 v51, v24  }
0x8d: {  	vm6 =	vmand vm0, vm5  }
0x8e: {  	v25 =	vsel vm6, $0x3F800000, v50;
	v24 =	vsel vm5, $0xFF800000, v24  }
0x8f: {  	[tilespmem:$0x41D0] =	vst v25;
	v24 =	vsel vm0, v24, v29  }
0x90: {  	[tilespmem:$0x4050] =	vst v24  }
0x91: {  	v24 =	vld [tilespmem:s16+$0x60];
	_ =	sdelay $0x1  }
0x92: {  	v52 =	vld [tilespmem:$0x41E0]  }
0x93: {  	v53 =	vadd.f32 v23, v20;
	_ =	sdelay $0x1  }
0x94: {  	vm7 =	veq.s32 v30, v7;
	v24 =	vsub.f32 v53, v24  }
0x95: {  	vm8 =	vmand vm0, vm7;
	v55 =	vld [tilespmem:$0x4000]  }
0x96: {  	v56 =	vld [tilespmem:$0x4010];
	v25 =	vsel vm8, $0x3F800000, v52;
	v24 =	vsel vm7, $0xFF800000, v24  }
0x97: {  	v57 =	vld [tilespmem:$0x4020];
	[tilespmem:$0x41E0] =	vst v25;
	v23 =	vsel vm0, v24, v23  }
0x98: {  	v58 =	vld [tilespmem:$0x4030];
	[tilespmem:$0x4060] =	vst v23  }
0x99: {  	v54 =	vld [tilespmem:s16+$0x70]  }
0x9a: {  	v59 =	vld [tilespmem:$0x4040]  }
0x9b: {  	v60 =	vld [tilespmem:$0x4050]  }
0x9c: {  	v61 =	vadd.f32 v22, v21;
	v62 =	vmax.f32 v55, v56;
	v23 =	vld [tilespmem:$0x4060]  }
0x9d: {  	v33 =	vmax.f32 v62, v57  }
0x9e: {  	v63 =	vmax.f32 v33, v58;
	v24 =	vsub.f32 v61, v54  }
0x9f: {  	vm9 =	veq.s32 v30, v6;
	v33 =	vmax.f32 v63, v59  }
0xa0: {  	v30 =	vmax.f32 v33, v60;
	v24 =	vsel vm9, $0xFF800000, v24  }
0xa1: {  	v34 =	vmax.f32 v30, v23;
	v22 =	vsel vm0, v24, v22  }
0xa2: {  	v24 =	vmax.f32 v34, v22  }
0xa3: {  	v35 =	vperm.xlane v24, v1;
	_ =	sdelay $0x1  }
0xa4: {  	v24 =	vmax.f32 v24, v35  }
0xa5: {  	v30 =	vperm.xlane v24, v2;
	_ =	sdelay $0x1  }
0xa6: {  	v24 =	vmax.f32 v24, v30  }
0xa7: {  	v30 =	vperm.xlane v24, v4;
	_ =	sdelay $0x1  }
0xa8: {  	v24 =	vmax.f32 v24, v30  }
0xa9: {  	v30 =	vperm.xlane v24, v5;
	_ =	sdelay $0x1  }
0xaa: {  	v24 =	vmax.f32 v24, v30  }
0xab: {  	vm10 =	veq.f32 v22, v24  }
0xac: {  	vm3 =	veq.f32 v23, v24;
	v36 =	vnsel vm10, $0x80, v6  }
0xad: {  	vm11 =	veq.f32 v60, v24;
	v30 =	vsel vm3, v7, v36  }
0xae: {  	vm12 =	veq.f32 v59, v24;
	v30 =	vsel vm11, v8, v30  }
0xaf: {  	vm13 =	veq.f32 v58, v24;
	v30 =	vsel vm12, v9, v30  }
0xb0: {  	vm14 =	veq.f32 v57, v24;
	v30 =	vsel vm13, v10, v30  }
0xb1: {  	vm15 =	veq.f32 v56, v24;
	v30 =	vsel vm14, v11, v30  }
0xb2: {  	vm6 =	veq.f32 v55, v24;
	v37 =	vsel vm15, v12, v30  }
0xb3: {  	v24 =	vsel vm6, v3, v37  }
0xb4: {  	v38 =	vperm.xlane v24, v1;
	_ =	sdelay $0x1  }
0xb5: {  	vm7 =	vlt.s32 v24, v38  }
0xb6: {  	v24 =	vsel vm7, v24, v38  }
0xb7: {  	v30 =	vperm.xlane v24, v2;
	_ =	sdelay $0x1  }
0xb8: {  	vm2 =	vlt.s32 v24, v30  }
0xb9: {  	v24 =	vsel vm2, v24, v30  }
0xba: {  	v30 =	vperm.xlane v24, v4;
	_ =	sdelay $0x1  }
0xbb: {  	vm2 =	vlt.s32 v24, v30  }
0xbc: {  	v24 =	vsel vm2, v24, v30  }
0xbd: {  	v30 =	vperm.xlane v24, v5;
	_ =	sdelay $0x1  }
0xbe: {  	vm2 =	vlt.s32 v24, v30  }
0xbf: {  	v24 =	vsel vm2, v24, v30  }
0xc0: {  	(v2sf) =	vpush v24, $0x0;
	_ =	sdelay $0xa  }
0xc1: {  	v39 =	vld [tilespmem:$0x41F0];
	_ =	sdelay $0x3  }
0xc2: {  	vm0 =	vmand vm0, vm9;
	s25 =	spop (v2sf)  }
0xc3: {  	[tilespmem:$0x4070] =	vst v22;
	v30 =	vsel vm0, $0x3F800000, v39;
	s16 =	sshll.u32 s25, $0x9  }
0xc4: {  	[tilespmem:$0x41F0] =	vst v30;
	s16 =	sshra.s32 s16, $0x2  }
0xc5: {  	v30 =	vld [tilespmem:s16+$0x0]  }
0xc6: {  	s26 =	sadd.s32 $0x6, s15  }
0xc7: {  	s17 =	scvt.s32.f32 s26;
	v40 =	vld [tilespmem:$0x4180]  }
0xc8: {  	v41 =	vadd.f32 v55, v14;
	v24 =	vbroadcast v24, $0x0  }
0xc9: {  	v42 =	vmov s17  }
0xca: {  	vm0 =	vle.f32 v42, v13;
	vm8 =	veq.s32 v24, v3;
	v30 =	vsub.f32 v41, v30  }
0xcb: {  	vm9 =	vmand vm0, vm8  }
0xcc: {  	v32 =	vsel vm9, $0x3F800000, v40;
	v30 =	vsel vm8, $0xFF800000, v30  }
0xcd: {  	[tilespmem:$0x4180] =	vst v32;
	v25 =	vsel vm0, v30, v55  }
0xce: {  	[tilespmem:$0x4000] =	vst v25  }
0xcf: {  	v25 =	vld [tilespmem:s16+$0x10];
	_ =	sdelay $0x1  }
0xd0: {  	v43 =	vld [tilespmem:$0x4190]  }
0xd1: {  	v44 =	vadd.f32 v56, v15;
	_ =	sdelay $0x1  }
0xd2: {  	vm10 =	veq.s32 v24, v12;
	v25 =	vsub.f32 v44, v25  }
0xd3: {  	vm11 =	vmand vm0, vm10  }
0xd4: {  	v30 =	vsel vm11, $0x3F800000, v43;
	v25 =	vsel vm10, $0xFF800000, v25  }
0xd5: {  	[tilespmem:$0x4190] =	vst v30;
	v25 =	vsel vm0, v25, v56  }
0xd6: {  	[tilespmem:$0x4010] =	vst v25  }
0xd7: {  	v25 =	vld [tilespmem:s16+$0x20];
	_ =	sdelay $0x1  }
0xd8: {  	v45 =	vld [tilespmem:$0x41A0]  }
0xd9: {  	v46 =	vadd.f32 v57, v16;
	_ =	sdelay $0x1  }
0xda: {  	vm12 =	veq.s32 v24, v11;
	v25 =	vsub.f32 v46, v25  }
0xdb: {  	vm13 =	vmand vm0, vm12  }
0xdc: {  	v26 =	vsel vm13, $0x3F800000, v45;
	v25 =	vsel vm12, $0xFF800000, v25  }
0xdd: {  	[tilespmem:$0x41A0] =	vst v26;
	v25 =	vsel vm0, v25, v57  }
0xde: {  	[tilespmem:$0x4020] =	vst v25  }
0xdf: {  	v25 =	vld [tilespmem:s16+$0x30];
	_ =	sdelay $0x1  }
0xe0: {  	v47 =	vld [tilespmem:$0x41B0]  }
0xe1: {  	v48 =	vadd.f32 v58, v17;
	_ =	sdelay $0x1  }
0xe2: {  	vm14 =	veq.s32 v24, v10;
	v25 =	vsub.f32 v48, v25  }
0xe3: {  	vm15 =	vmand vm0, vm14  }
0xe4: {  	v26 =	vsel vm15, $0x3F800000, v47;
	v25 =	vsel vm14, $0xFF800000, v25  }
0xe5: {  	[tilespmem:$0x41B0] =	vst v26;
	v25 =	vsel vm0, v25, v58  }
0xe6: {  	[tilespmem:$0x4030] =	vst v25  }
0xe7: {  	v25 =	vld [tilespmem:s16+$0x40];
	_ =	sdelay $0x1  }
0xe8: {  	v49 =	vld [tilespmem:$0x41C0]  }
0xe9: {  	v50 =	vadd.f32 v59, v18;
	_ =	sdelay $0x1  }
0xea: {  	vm4 =	veq.s32 v24, v9;
	v25 =	vsub.f32 v50, v25  }
0xeb: {  	vm5 =	vmand vm0, vm4  }
0xec: {  	v26 =	vsel vm5, $0x3F800000, v49;
	v25 =	vsel vm4, $0xFF800000, v25  }
0xed: {  	[tilespmem:$0x41C0] =	vst v26;
	v25 =	vsel vm0, v25, v59  }
0xee: {  	[tilespmem:$0x4040] =	vst v25  }
0xef: {  	v25 =	vld [tilespmem:s16+$0x50];
	_ =	sdelay $0x1  }
0xf0: {  	v51 =	vld [tilespmem:$0x41D0]  }
0xf1: {  	v52 =	vadd.f32 v60, v19;
	_ =	sdelay $0x1  }
0xf2: {  	vm6 =	veq.s32 v24, v8;
	v25 =	vsub.f32 v52, v25  }
0xf3: {  	vm7 =	vmand vm0, vm6  }
0xf4: {  	v26 =	vsel vm7, $0x3F800000, v51;
	v25 =	vsel vm6, $0xFF800000, v25  }
0xf5: {  	[tilespmem:$0x41D0] =	vst v26;
	v25 =	vsel vm0, v25, v60  }
0xf6: {  	[tilespmem:$0x4050] =	vst v25  }
0xf7: {  	v25 =	vld [tilespmem:s16+$0x60];
	_ =	sdelay $0x1  }
0xf8: {  	v53 =	vld [tilespmem:$0x41E0]  }
0xf9: {  	v54 =	vadd.f32 v23, v20;
	_ =	sdelay $0x1  }
0xfa: {  	vm8 =	veq.s32 v24, v7;
	v25 =	vsub.f32 v54, v25  }
0xfb: {  	vm9 =	vmand vm0, vm8;
	v56 =	vld [tilespmem:$0x4000]  }
0xfc: {  	v57 =	vld [tilespmem:$0x4010];
	v26 =	vsel vm9, $0x3F800000, v53;
	v25 =	vsel vm8, $0xFF800000, v25  }
0xfd: {  	v58 =	vld [tilespmem:$0x4020];
	[tilespmem:$0x41E0] =	vst v26;
	v23 =	vsel vm0, v25, v23  }
0xfe: {  	v59 =	vld [tilespmem:$0x4030];
	[tilespmem:$0x4060] =	vst v23  }
0xff: {  	v55 =	vld [tilespmem:s16+$0x70]  }
0x100: {  	v60 =	vld [tilespmem:$0x4040]  }
0x101: {  	v61 =	vld [tilespmem:$0x4050]  }
0x102: {  	v62 =	vadd.f32 v22, v21;
	v63 =	vmax.f32 v56, v57;
	v23 =	vld [tilespmem:$0x4060]  }
0x103: {  	v33 =	vmax.f32 v63, v58  }
0x104: {  	v36 =	vmax.f32 v33, v59;
	v25 =	vsub.f32 v62, v55  }
0x105: {  	vm10 =	veq.s32 v24, v6;
	v37 =	vmax.f32 v36, v60  }
0x106: {  	v24 =	vmax.f32 v37, v61;
	v25 =	vsel vm10, $0xFF800000, v25  }
0x107: {  	v24 =	vmax.f32 v24, v23;
	v22 =	vsel vm0, v25, v22  }
0x108: {  	v24 =	vmax.f32 v24, v22  }
0x109: {  	v38 =	vperm.xlane v24, v1;
	_ =	sdelay $0x1  }
0x10a: {  	v24 =	vmax.f32 v24, v38  }
0x10b: {  	v25 =	vperm.xlane v24, v2;
	_ =	sdelay $0x1  }
0x10c: {  	v24 =	vmax.f32 v24, v25  }
0x10d: {  	v25 =	vperm.xlane v24, v4;
	_ =	sdelay $0x1  }
0x10e: {  	v24 =	vmax.f32 v24, v25  }
0x10f: {  	v25 =	vperm.xlane v24, v5;
	_ =	sdelay $0x1  }
0x110: {  	v24 =	vmax.f32 v24, v25  }
0x111: {  	vm11 =	veq.f32 v22, v24  }
0x112: {  	vm12 =	veq.f32 v23, v24;
	v39 =	vnsel vm11, $0x80, v6  }
0x113: {  	vm13 =	veq.f32 v61, v24;
	v25 =	vsel vm12, v7, v39  }
0x114: {  	vm14 =	veq.f32 v60, v24;
	v25 =	vsel vm13, v8, v25  }
0x115: {  	vm15 =	veq.f32 v59, v24;
	v25 =	vsel vm14, v9, v25  }
0x116: {  	vm6 =	veq.f32 v58, v24;
	v25 =	vsel vm15, v10, v25  }
0x117: {  	vm7 =	veq.f32 v57, v24;
	v25 =	vsel vm6, v11, v25  }
0x118: {  	vm8 =	veq.f32 v56, v24;
	v40 =	vsel vm7, v12, v25  }
0x119: {  	v24 =	vsel vm8, v3, v40  }
0x11a: {  	v41 =	vperm.xlane v24, v1;
	_ =	sdelay $0x1  }
0x11b: {  	vm9 =	vlt.s32 v24, v41  }
0x11c: {  	v24 =	vsel vm9, v24, v41  }
0x11d: {  	v25 =	vperm.xlane v24, v2;
	_ =	sdelay $0x1  }
0x11e: {  	vm2 =	vlt.s32 v24, v25  }
0x11f: {  	v24 =	vsel vm2, v24, v25  }
0x120: {  	v25 =	vperm.xlane v24, v4;
	_ =	sdelay $0x1  }
0x121: {  	vm2 =	vlt.s32 v24, v25  }
0x122: {  	v24 =	vsel vm2, v24, v25  }
0x123: {  	v25 =	vperm.xlane v24, v5;
	_ =	sdelay $0x1  }
0x124: {  	vm2 =	vlt.s32 v24, v25  }
0x125: {  	v24 =	vsel vm2, v24, v25  }
0x126: {  	(v2sf) =	vpush v24, $0x0;
	_ =	sdelay $0xa  }
0x127: {  	v42 =	vld [tilespmem:$0x41F0];
	_ =	sdelay $0x3  }
0x128: {  	vm0 =	vmand vm0, vm10;
	s28 =	spop (v2sf)  }
0x129: {  	[tilespmem:$0x4070] =	vst v22;
	v25 =	vsel vm0, $0x3F800000, v42;
	s16 =	sshll.u32 s28, $0x9  }
0x12a: {  	[tilespmem:$0x41F0] =	vst v25;
	s16 =	sshra.s32 s16, $0x2  }
0x12b: {  	v25 =	vld [tilespmem:s16+$0x0]  }
0x12c: {  	s29 =	sadd.s32 $0x7, s15  }
0x12d: {  	s17 =	scvt.s32.f32 s29;
	v43 =	vld [tilespmem:$0x4180]  }
0x12e: {  	v44 =	vadd.f32 v56, v14;
	v24 =	vbroadcast v24, $0x0  }
0x12f: {  	v45 =	vmov s17  }
0x130: {  	vm0 =	vle.f32 v45, v13;
	vm10 =	veq.s32 v24, v3;
	v25 =	vsub.f32 v44, v25  }
0x131: {  	vm11 =	vmand vm0, vm10  }
0x132: {  	v32 =	vsel vm11, $0x3F800000, v43;
	v25 =	vsel vm10, $0xFF800000, v25  }
0x133: {  	[tilespmem:$0x4180] =	vst v32;
	v25 =	vsel vm0, v25, v56  }
0x134: {  	[tilespmem:$0x4000] =	vst v25  }
0x135: {  	v25 =	vld [tilespmem:s16+$0x10];
	_ =	sdelay $0x1  }
0x136: {  	v46 =	vld [tilespmem:$0x4190]  }
0x137: {  	v47 =	vadd.f32 v57, v15;
	_ =	sdelay $0x1  }
0x138: {  	vm12 =	veq.s32 v24, v12;
	v25 =	vsub.f32 v47, v25  }
0x139: {  	vm13 =	vmand vm0, vm12  }
0x13a: {  	v26 =	vsel vm13, $0x3F800000, v46;
	v25 =	vsel vm12, $0xFF800000, v25  }
0x13b: {  	[tilespmem:$0x4190] =	vst v26;
	v25 =	vsel vm0, v25, v57  }
0x13c: {  	[tilespmem:$0x4010] =	vst v25  }
0x13d: {  	v25 =	vld [tilespmem:s16+$0x20];
	_ =	sdelay $0x1  }
0x13e: {  	v48 =	vld [tilespmem:$0x41A0]  }
0x13f: {  	v49 =	vadd.f32 v58, v16;
	_ =	sdelay $0x1  }
0x140: {  	vm14 =	veq.s32 v24, v11;
	v25 =	vsub.f32 v49, v25  }
0x141: {  	vm15 =	vmand vm0, vm14  }
0x142: {  	v26 =	vsel vm15, $0x3F800000, v48;
	v25 =	vsel vm14, $0xFF800000, v25  }
0x143: {  	[tilespmem:$0x41A0] =	vst v26;
	v25 =	vsel vm0, v25, v58  }
0x144: {  	[tilespmem:$0x4020] =	vst v25  }
0x145: {  	v25 =	vld [tilespmem:s16+$0x30];
	_ =	sdelay $0x1  }
0x146: {  	v50 =	vld [tilespmem:$0x41B0]  }
0x147: {  	v51 =	vadd.f32 v59, v17;
	_ =	sdelay $0x1  }
0x148: {  	vm4 =	veq.s32 v24, v10;
	v25 =	vsub.f32 v51, v25  }
0x149: {  	vm5 =	vmand vm0, vm4  }
0x14a: {  	v26 =	vsel vm5, $0x3F800000, v50;
	v25 =	vsel vm4, $0xFF800000, v25  }
0x14b: {  	[tilespmem:$0x41B0] =	vst v26;
	v25 =	vsel vm0, v25, v59  }
0x14c: {  	[tilespmem:$0x4030] =	vst v25  }
0x14d: {  	v25 =	vld [tilespmem:s16+$0x40];
	_ =	sdelay $0x1  }
0x14e: {  	v52 =	vld [tilespmem:$0x41C0]  }
0x14f: {  	v53 =	vadd.f32 v60, v18;
	_ =	sdelay $0x1  }
0x150: {  	vm6 =	veq.s32 v24, v9;
	v25 =	vsub.f32 v53, v25  }
0x151: {  	vm7 =	vmand vm0, vm6  }
0x152: {  	v26 =	vsel vm7, $0x3F800000, v52;
	v25 =	vsel vm6, $0xFF800000, v25  }
0x153: {  	[tilespmem:$0x41C0] =	vst v26;
	v25 =	vsel vm0, v25, v60  }
0x154: {  	[tilespmem:$0x4040] =	vst v25  }
0x155: {  	v25 =	vld [tilespmem:s16+$0x50];
	_ =	sdelay $0x1  }
0x156: {  	v54 =	vld [tilespmem:$0x41D0]  }
0x157: {  	v55 =	vadd.f32 v61, v19;
	_ =	sdelay $0x1  }
0x158: {  	vm8 =	veq.s32 v24, v8;
	v25 =	vsub.f32 v55, v25  }
0x159: {  	vm9 =	vmand vm0, vm8  }
0x15a: {  	v26 =	vsel vm9, $0x3F800000, v54;
	v25 =	vsel vm8, $0xFF800000, v25  }
0x15b: {  	[tilespmem:$0x41D0] =	vst v26;
	v25 =	vsel vm0, v25, v61  }
0x15c: {  	[tilespmem:$0x4050] =	vst v25  }
0x15d: {  	v25 =	vld [tilespmem:s16+$0x60];
	_ =	sdelay $0x1  }
0x15e: {  	v56 =	vld [tilespmem:$0x41E0]  }
0x15f: {  	v57 =	vadd.f32 v23, v20;
	_ =	sdelay $0x1  }
0x160: {  	vm10 =	veq.s32 v24, v7;
	v25 =	vsub.f32 v57, v25  }
0x161: {  	vm11 =	vmand vm0, vm10;
	v59 =	vld [tilespmem:$0x4000]  }
0x162: {  	v62 =	vld [tilespmem:$0x4030];
	v26 =	vsel vm11, $0x3F800000, v56;
	v25 =	vsel vm10, $0xFF800000, v25  }
0x163: {  	v60 =	vld [tilespmem:$0x4010];
	[tilespmem:$0x41E0] =	vst v26;
	v23 =	vsel vm0, v25, v23  }
0x164: {  	v61 =	vld [tilespmem:$0x4020];
	[tilespmem:$0x4060] =	vst v23  }
0x165: {  	v58 =	vld [tilespmem:s16+$0x70]  }
0x166: {  	v63 =	vld [tilespmem:$0x4040]  }
0x167: {  	v36 =	vld [tilespmem:$0x4050]  }
0x168: {  	v37 =	vadd.f32 v22, v21;
	v38 =	vmax.f32 v59, v60;
	v23 =	vld [tilespmem:$0x4060]  }
0x169: {  	v33 =	vmax.f32 v38, v61  }
0x16a: {  	v39 =	vmax.f32 v33, v62;
	v25 =	vsub.f32 v37, v58  }
0x16b: {  	vm12 =	veq.s32 v24, v6;
	v40 =	vmax.f32 v39, v63  }
0x16c: {  	v24 =	vmax.f32 v40, v36;
	v25 =	vsel vm12, $0xFF800000, v25  }
0x16d: {  	v24 =	vmax.f32 v24, v23;
	v22 =	vsel vm0, v25, v22  }
0x16e: {  	v24 =	vmax.f32 v24, v22  }
0x16f: {  	v41 =	vperm.xlane v24, v1;
	_ =	sdelay $0x1  }
0x170: {  	v24 =	vmax.f32 v24, v41  }
0x171: {  	v25 =	vperm.xlane v24, v2;
	_ =	sdelay $0x1  }
0x172: {  	v24 =	vmax.f32 v24, v25  }
0x173: {  	v25 =	vperm.xlane v24, v4;
	_ =	sdelay $0x1  }
0x174: {  	v24 =	vmax.f32 v24, v25  }
0x175: {  	v25 =	vperm.xlane v24, v5;
	_ =	sdelay $0x1  }
0x176: {  	v24 =	vmax.f32 v24, v25  }
0x177: {  	vm13 =	veq.f32 v22, v24  }
0x178: {  	vm14 =	veq.f32 v23, v24;
	v42 =	vnsel vm13, $0x80, v6  }
0x179: {  	vm15 =	veq.f32 v36, v24;
	v25 =	vsel vm14, v7, v42  }
0x17a: {  	vm6 =	veq.f32 v63, v24;
	v25 =	vsel vm15, v8, v25  }
0x17b: {  	vm7 =	veq.f32 v62, v24;
	v25 =	vsel vm6, v9, v25  }
0x17c: {  	vm8 =	veq.f32 v61, v24;
	v25 =	vsel vm7, v10, v25  }
0x17d: {  	vm9 =	veq.f32 v60, v24;
	v25 =	vsel vm8, v11, v25  }
0x17e: {  	vm10 =	veq.f32 v59, v24;
	v43 =	vsel vm9, v12, v25  }
0x17f: {  	v24 =	vsel vm10, v3, v43  }
0x180: {  	v44 =	vperm.xlane v24, v1;
	_ =	sdelay $0x1  }
0x181: {  	vm11 =	vlt.s32 v24, v44  }
0x182: {  	v24 =	vsel vm11, v24, v44  }
0x183: {  	v25 =	vperm.xlane v24, v2;
	_ =	sdelay $0x1  }
0x184: {  	vm2 =	vlt.s32 v24, v25  }
0x185: {  	v24 =	vsel vm2, v24, v25  }
0x186: {  	v25 =	vperm.xlane v24, v4;
	_ =	sdelay $0x1  }
0x187: {  	vm2 =	vlt.s32 v24, v25  }
0x188: {  	v24 =	vsel vm2, v24, v25  }
0x189: {  	v25 =	vperm.xlane v24, v5;
	_ =	sdelay $0x1  }
0x18a: {  	vm2 =	vlt.s32 v24, v25  }
0x18b: {  	v24 =	vsel vm2, v24, v25  }
0x18c: {  	(v2sf) =	vpush v24, $0x0;
	_ =	sdelay $0xa  }
0x18d: {  	v45 =	vld [tilespmem:$0x41F0];
	_ =	sdelay $0x3  }
0x18e: {  	vm0 =	vmand vm0, vm12;
	s30 =	spop (v2sf)  }
0x18f: {  	[tilespmem:$0x4070] =	vst v22;
	v25 =	vsel vm0, $0x3F800000, v45;
	s16 =	sshll.u32 s30, $0x9  }
0x190: {  	[tilespmem:$0x41F0] =	vst v25;
	s16 =	sshra.s32 s16, $0x2  }
0x191: {  	v25 =	vld [tilespmem:s16+$0x0]  }
0x192: {  	s31 =	sadd.s32 $0x8, s15  }
0x193: {  	s17 =	scvt.s32.f32 s31;
	v46 =	vld [tilespmem:$0x4180]  }
0x194: {  	v47 =	vadd.f32 v59, v14;
	v24 =	vbroadcast v24, $0x0  }
0x195: {  	v48 =	vmov s17  }
0x196: {  	vm0 =	vle.f32 v48, v13;
	vm12 =	veq.s32 v24, v3;
	v25 =	vsub.f32 v47, v25  }
0x197: {  	vm13 =	vmand vm0, vm12  }
0x198: {  	v32 =	vsel vm13, $0x3F800000, v46;
	v25 =	vsel vm12, $0xFF800000, v25  }
0x199: {  	[tilespmem:$0x4180] =	vst v32;
	v25 =	vsel vm0, v25, v59  }
0x19a: {  	[tilespmem:$0x4000] =	vst v25  }
0x19b: {  	v25 =	vld [tilespmem:s16+$0x10];
	_ =	sdelay $0x1  }
0x19c: {  	v49 =	vld [tilespmem:$0x4190]  }
0x19d: {  	v50 =	vadd.f32 v60, v15;
	_ =	sdelay $0x1  }
0x19e: {  	vm14 =	veq.s32 v24, v12;
	v25 =	vsub.f32 v50, v25  }
0x19f: {  	vm15 =	vmand vm0, vm14  }
0x1a0: {  	v26 =	vsel vm15, $0x3F800000, v49;
	v25 =	vsel vm14, $0xFF800000, v25  }
0x1a1: {  	[tilespmem:$0x4190] =	vst v26;
	v25 =	vsel vm0, v25, v60  }
0x1a2: {  	[tilespmem:$0x4010] =	vst v25  }
0x1a3: {  	v25 =	vld [tilespmem:s16+$0x20];
	_ =	sdelay $0x1  }
0x1a4: {  	v51 =	vld [tilespmem:$0x41A0]  }
0x1a5: {  	v52 =	vadd.f32 v61, v16;
	_ =	sdelay $0x1  }
0x1a6: {  	vm4 =	veq.s32 v24, v11;
	v25 =	vsub.f32 v52, v25  }
0x1a7: {  	vm5 =	vmand vm0, vm4  }
0x1a8: {  	v26 =	vsel vm5, $0x3F800000, v51;
	v25 =	vsel vm4, $0xFF800000, v25  }
0x1a9: {  	[tilespmem:$0x41A0] =	vst v26;
	v25 =	vsel vm0, v25, v61  }
0x1aa: {  	[tilespmem:$0x4020] =	vst v25  }
0x1ab: {  	v25 =	vld [tilespmem:s16+$0x30];
	_ =	sdelay $0x1  }
0x1ac: {  	v53 =	vld [tilespmem:$0x41B0]  }
0x1ad: {  	v54 =	vadd.f32 v62, v17;
	_ =	sdelay $0x1  }
0x1ae: {  	vm6 =	veq.s32 v24, v10;
	v25 =	vsub.f32 v54, v25  }
0x1af: {  	vm7 =	vmand vm0, vm6  }
0x1b0: {  	v26 =	vsel vm7, $0x3F800000, v53;
	v25 =	vsel vm6, $0xFF800000, v25  }
0x1b1: {  	[tilespmem:$0x41B0] =	vst v26;
	v25 =	vsel vm0, v25, v62  }
0x1b2: {  	[tilespmem:$0x4030] =	vst v25  }
0x1b3: {  	v25 =	vld [tilespmem:s16+$0x40];
	_ =	sdelay $0x1  }
0x1b4: {  	v55 =	vld [tilespmem:$0x41C0]  }
0x1b5: {  	v56 =	vadd.f32 v63, v18;
	_ =	sdelay $0x1  }
0x1b6: {  	vm8 =	veq.s32 v24, v9;
	v25 =	vsub.f32 v56, v25  }
0x1b7: {  	vm9 =	vmand vm0, vm8  }
0x1b8: {  	v26 =	vsel vm9, $0x3F800000, v55;
	v25 =	vsel vm8, $0xFF800000, v25  }
0x1b9: {  	[tilespmem:$0x41C0] =	vst v26;
	v25 =	vsel vm0, v25, v63  }
0x1ba: {  	[tilespmem:$0x4040] =	vst v25  }
0x1bb: {  	v25 =	vld [tilespmem:s16+$0x50];
	_ =	sdelay $0x1  }
0x1bc: {  	v57 =	vld [tilespmem:$0x41D0]  }
0x1bd: {  	v58 =	vadd.f32 v36, v19;
	_ =	sdelay $0x1  }
0x1be: {  	vm10 =	veq.s32 v24, v8;
	v25 =	vsub.f32 v58, v25  }
0x1bf: {  	vm11 =	vmand vm0, vm10  }
0x1c0: {  	v26 =	vsel vm11, $0x3F800000, v57;
	v25 =	vsel vm10, $0xFF800000, v25  }
0x1c1: {  	[tilespmem:$0x41D0] =	vst v26;
	v25 =	vsel vm0, v25, v36  }
0x1c2: {  	[tilespmem:$0x4050] =	vst v25  }
0x1c3: {  	v25 =	vld [tilespmem:s16+$0x60];
	_ =	sdelay $0x1  }
0x1c4: {  	v59 =	vld [tilespmem:$0x41E0]  }
0x1c5: {  	v60 =	vadd.f32 v23, v20;
	_ =	sdelay $0x1  }
0x1c6: {  	vm12 =	veq.s32 v24, v7;
	v25 =	vsub.f32 v60, v25  }
0x1c7: {  	vm13 =	vmand vm0, vm12  }
0x1c8: {  	v26 =	vsel vm13, $0x3F800000, v59;
	v25 =	vsel vm12, $0xFF800000, v25  }
0x1c9: {  	[tilespmem:$0x41E0] =	vst v26;
	v23 =	vsel vm0, v25, v23  }
0x1ca: {  	[tilespmem:$0x4060] =	vst v23  }
0x1cb: {  	v23 =	vld [tilespmem:s16+$0x70];
	_ =	sdelay $0x1  }
0x1cc: {  	v61 =	vld [tilespmem:$0x41F0]  }
0x1cd: {  	s15 =	sadd.s32 $0x4, s15;
	v62 =	vadd.f32 v22, v21  }
0x1ce: {  	p0 =	slt.u32 s15, $0x3C  }
.Ltmp1:
0x1cf: {  	vm14 =	veq.s32 v24, v6;
	v23 =	vsub.f32 v62, v23;
	(pc) =	sbr.rel @p0 .LBB2_3-.Ltmp1, $4  }
0x1d0: {  	vm15 =	vmand vm0, vm14  }
0x1d1: {  	v63 =	vsel vm15, $0x3F800000, v61;
	v23 =	vsel vm14, $0xFF800000, v23  }
0x1d2: {  	[tilespmem:$0x41F0] =	vst v63;
	v22 =	vsel vm0, v23, v22  }
0x1d3: {  	[tilespmem:$0x4070] =	vst v22  }
0x1d4: {  	s14 =	sadd.s32 $0x1, s14  }
0x1d5: {  	p0 =	sne.s32 s14, s7  }
.Ltmp2:
0x1d6: {  	_ = 	snop;
	(pc) =	sbr.rel @p0 .LBB2_2-.Ltmp2, $4  }
0x1d7: {  	[hbm4b:s6+s8] =	stream.linear.scatter [tilespmem:s13], [sflag:$0x1], $0x80, $0x38;
	[tilespmem:$0x4200] =	vst v63  }
0x1d8: {  	_ =	swait.ge [sflag:s9], $0x80  }
0x1d9: {  	[sflag:s9] =	ssyncset.done $0x0  }
0x1da: {  	[sflag:s9] =	ssyncadd.s32 $0xFFFFFF80  }
.LBB2_5:
0x1db: {  	_ =	sfence.sel $0x180000  }
0x1dc: {  	[bflag:$0x0] =	sbarrier.arrive $0xFFFF  }
0x1dd: {  	p0 =	sne.s32 s0, $0x0;
	_ =	strace $0x90000047  }
0x1de: {  	s0 =	sadd.s32 @!p0 $0x100000, s1;
	[bflag:$0x2] =	sbarrier.arrive $0xFFFF  }
0x1df: {  	[sflag:s0] =	ssyncadd.tile.s32 @!p0 $0x1;
	_ =	shalt  }
.Lfunc_end2:
_tile_overlayer_lowered:
.L_overlay_start_2:
0x1e0: {  	(tag) =	ssettag $0x2  }
0x1e1: {  	s0 =	rddreg [dreg:$0x0];
	s2 =	stileid.u32  }
0x1e2: {  	s1 =	rddreg [dreg:$0x1];
	p0 =	sne.s32 s2, $0x0  }
0x1e3: {  	s3 =	rddreg [dreg:$0x2];
	[bflag:$0x3] =	sbarrier.arrive $0xFFFF;
	s2 =	simm.s32 @!p0 $0x1C01  }
0x1e4: {  	[timem:s3], [sflag:s2] =	dma.local @!p0 [hbm:s0], s1  }
0x1e5: {  	s0 =	simm.s32 @!p0 $0x1  }
0x1e6: {  	_ =	swait.ge @!p0 [sflag:s0], s1  }
0x1e7: {  	s1 =	ssub.s32 @!p0 $0x0, s1;
	[sflag:s0] =	ssyncset.done @!p0 $0x0  }
0x1e8: {  	[sflag:s0] =	ssyncadd.s32 @!p0 s1  }
0x1e9: {  	[bflag:$0x3] =	sbarrier.arrive $0xFFFF  }
0x1ea: {  	_ =	shalt  }

</sc_bundles>
